<compile_context>
chip_gen: v7x
topology: tpu7x:2x2x1
jax: 0.10.2.dev20260603
libtpu: 0.0.44.dev20260713+nightly
codegen_flags: <defaults>
</compile_context>

<pallas_src>
import functools

import jax
import jax.numpy as jnp
from jax import lax
from jax.experimental import pallas as pl
from jax.experimental.pallas import tpu as pltpu
from jax.experimental.pallas import tpu_sc as plsc

N = 10000
NPAD = 10240
DIN = 128
DH = 128
DOUT = 40
DOP = 128
E = 320000
NCORES = 2
NSUB = 16
NTILES = NCORES * NSUB
CH = 64
TCH = 5120
EPAD = TCH * CH
RPS = NPAD // NSUB
NCHQ = 40
NBUF = 4
NCH0 = 160
NCH1 = 320 - NCH0
CHD = 128
TCHD = EPAD // CHD
NCHD = TCHD // NTILES
NCHQD = 40
DDEG = 128
DINV = 16

_MESH = plsc.VectorSubcoreMesh(core_axis_name="c", subcore_axis_name="s")

import numpy as _np

_PAD_I = _np.arange(EPAD - E, dtype=_np.int32)
_PAD_SRC = _PAD_I % N
_PAD_DST = N + _PAD_I % (NPAD - N)


def _fill_rows(ref, rows, width, value):

    @pl.loop(0, rows)
    def _(r):
        @pl.loop(0, width, step=16)
        def _(cc):
            ref[r, pl.ds(cc, 16)] = jnp.full((16,), value, jnp.float32)


def _sc_degree(dst3):

    @functools.partial(
        pl.kernel,
        out_type=jax.ShapeDtypeStruct((NCORES, NPAD, DDEG), jnp.float32),
        mesh=_MESH,
        scratch_types=[
            pltpu.VMEM((NCHQD, CHD), jnp.int32),
            pltpu.VMEM((CHD, DDEG), jnp.float32),
            pltpu.VMEM_SHARED((NPAD, DDEG), jnp.float32),
            [pltpu.SemaphoreType.DMA for _ in range(NBUF)],
        ],
    )
    def k(dst_hbm, out_hbm, dst_v, val_v, acc, ssem):
        c = lax.axis_index("c")
        s = lax.axis_index("s")
        wid = c * NSUB + s
        _fill_rows(val_v, CHD, DDEG, 0.0)

        @pl.loop(0, RPS // CHD)
        def _(i):
            pltpu.sync_copy(val_v, acc.at[pl.ds(s * RPS + i * CHD, CHD)])

        _fill_rows(val_v, CHD, DDEG, 1.0)
        plsc.subcore_barrier()

        @pl.loop(0, NCHD // NCHQD)
        def _(q):
            off = pl.multiple_of(wid * NCHD + q * NCHQD, NCHQD)
            pltpu.sync_copy(dst_hbm.at[pl.ds(off, NCHQD)], dst_v)
            for b in range(NBUF):
                pltpu.async_copy(
                    val_v, acc.at[dst_v.at[b]], ssem[b], add=True
                )

            @pl.loop(0, NCHQD - NBUF, step=NBUF)
            def _(k0):
                for b in range(NBUF):
                    pltpu.make_async_copy(
                        val_v, acc.at[dst_v.at[k0 + b]], ssem[b]
                    ).wait()
                    pltpu.async_copy(
                        val_v, acc.at[dst_v.at[k0 + NBUF + b]], ssem[b],
                        add=True,
                    )

            for b in range(NBUF):
                pltpu.make_async_copy(
                    val_v, acc.at[dst_v.at[NCHQD - NBUF + b]], ssem[b]
                ).wait()

        plsc.subcore_barrier()
        pltpu.sync_copy(
            acc.at[pl.ds(s * RPS, RPS)], out_hbm.at[c, pl.ds(s * RPS, RPS)]
        )

    return k(dst3)


def _sc_aggregate(table, src3, dst3, d):

    @functools.partial(
        pl.kernel,
        out_type=jax.ShapeDtypeStruct((NCORES, NPAD, d), jnp.float32),
        mesh=_MESH,
        scratch_types=[
            pltpu.VMEM((NCHQ, CH), jnp.int32),
            pltpu.VMEM((NCHQ, CH), jnp.int32),
            [pltpu.VMEM((CH, d), jnp.float32) for _ in range(NBUF)],
            pltpu.VMEM_SHARED((NPAD, d), jnp.float32),
            [pltpu.SemaphoreType.DMA for _ in range(NBUF)],
            [pltpu.SemaphoreType.DMA for _ in range(NBUF)],
        ],
    )
    def k(tab_hbm, src_hbm, dst_hbm, out_hbm, src_v, dst_v, bufs, acc,
          gsem, ssem):
        c = lax.axis_index("c")
        s = lax.axis_index("s")
        _fill_rows(bufs[0], CH, d, 0.0)

        @pl.loop(0, RPS // CH)
        def _(i):
            pltpu.sync_copy(bufs[0], acc.at[pl.ds(s * RPS + i * CH, CH)])

        plsc.subcore_barrier()

        n_my = jnp.where(c == 0, NCH0, NCH1)
        base = c * (NSUB * NCH0) + s * n_my

        @pl.loop(0, n_my // NCHQ)
        def _(q):
            off = pl.multiple_of(base + q * NCHQ, NCHQ)
            pltpu.sync_copy(src_hbm.at[pl.ds(off, NCHQ)], src_v)
            pltpu.sync_copy(dst_hbm.at[pl.ds(off, NCHQ)], dst_v)
            for b in range(NBUF):
                pltpu.async_copy(tab_hbm.at[src_v.at[b]], bufs[b], gsem[b])

            @pl.loop(0, NCHQ - NBUF, step=NBUF)
            def _(k0):
                for b in range(NBUF):
                    pltpu.make_async_copy(
                        tab_hbm.at[src_v.at[k0 + b]], bufs[b], gsem[b]
                    ).wait()
                    pltpu.async_copy(
                        bufs[b], acc.at[dst_v.at[k0 + b]], ssem[b], add=True
                    )
                for b in range(NBUF):
                    pltpu.make_async_copy(
                        bufs[b], acc.at[dst_v.at[k0 + b]], ssem[b]
                    ).wait()
                    pltpu.async_copy(
                        tab_hbm.at[src_v.at[k0 + NBUF + b]], bufs[b], gsem[b]
                    )

            for b in range(NBUF):
                pltpu.make_async_copy(
                    tab_hbm.at[src_v.at[NCHQ - NBUF + b]], bufs[b], gsem[b]
                ).wait()
                pltpu.async_copy(
                    bufs[b], acc.at[dst_v.at[NCHQ - NBUF + b]], ssem[b],
                    add=True,
                )
            for b in range(NBUF):
                pltpu.make_async_copy(
                    bufs[b], acc.at[dst_v.at[NCHQ - NBUF + b]], ssem[b]
                ).wait()

        plsc.subcore_barrier()
        pltpu.sync_copy(
            acc.at[pl.ds(s * RPS, RPS)], out_hbm.at[c, pl.ds(s * RPS, RPS)]
        )

    return k(table, src3, dst3)


_R = 1024


def _tc_matmul(x_p, W1):

    def body(x_ref, w_ref, h_ref):
        h_ref[...] = jnp.dot(
            x_ref[...], w_ref[...], preferred_element_type=jnp.float32
        )

    return pl.pallas_call(
        body,
        grid=(NPAD // _R,),
        in_specs=[
            pl.BlockSpec((_R, DIN), lambda i: (i, 0)),
            pl.BlockSpec((DIN, DH), lambda i: (0, 0)),
        ],
        out_specs=pl.BlockSpec((_R, DH), lambda i: (i, 0)),
        out_shape=jax.ShapeDtypeStruct((NPAD, DH), jnp.float32),
    )(x_p, W1)


def _tc_pre(h, p16):

    def body(h_ref, p_ref, hs_ref, dinv_ref):
        deg16 = p_ref[0, :, :DINV] + p_ref[1, :, :DINV] + 1.0
        dinv16 = lax.rsqrt(deg16)
        hs_ref[...] = h_ref[...] * dinv16[:, 0:1]
        dinv_ref[...] = dinv16

    return pl.pallas_call(
        body,
        grid=(NPAD // _R,),
        in_specs=[
            pl.BlockSpec((_R, DH), lambda i: (i, 0)),
            pl.BlockSpec((NCORES, _R, DDEG), lambda i: (0, i, 0)),
        ],
        out_specs=[
            pl.BlockSpec((_R, DH), lambda i: (i, 0)),
            pl.BlockSpec((_R, DINV), lambda i: (i, 0)),
        ],
        out_shape=[
            jax.ShapeDtypeStruct((NPAD, DH), jnp.float32),
            jax.ShapeDtypeStruct((NPAD, DINV), jnp.float32),
        ],
    )(h, p16)


def _tc_mid(p1, hs1, dinv16, W2p, b1r):

    def body(p_ref, hs_ref, dinv_ref, w_ref, b_ref, out_ref):
        dinv = dinv_ref[:, 0:1]
        agg = p_ref[0] + p_ref[1] + hs_ref[...]
        out1 = agg * dinv + b_ref[...]
        r = jnp.maximum(out1, 0.0)
        h2 = jnp.dot(r, w_ref[...], preferred_element_type=jnp.float32)
        out_ref[...] = h2 * dinv

    return pl.pallas_call(
        body,
        grid=(NPAD // _R,),
        in_specs=[
            pl.BlockSpec((NCORES, _R, DH), lambda i: (0, i, 0)),
            pl.BlockSpec((_R, DH), lambda i: (i, 0)),
            pl.BlockSpec((_R, DINV), lambda i: (i, 0)),
            pl.BlockSpec((DH, DOP), lambda i: (0, 0)),
            pl.BlockSpec((1, DH), lambda i: (0, 0)),
        ],
        out_specs=pl.BlockSpec((_R, DOP), lambda i: (i, 0)),
        out_shape=jax.ShapeDtypeStruct((NPAD, DOP), jnp.float32),
    )(p1, hs1, dinv16, W2p, b1r)


def _tc_post(p2, hs2, dinv16, b2r):

    def body(p_ref, hs_ref, dinv_ref, b_ref, out_ref):
        dinv = dinv_ref[:, 0:1]
        logits = (p_ref[0] + p_ref[1] + hs_ref[...]) * dinv + b_ref[...]
        colmask = lax.broadcasted_iota(jnp.int32, (_R, DOP), 1) < DOUT
        lm = jnp.where(colmask, logits, jnp.float32(-1e30))
        m = jnp.max(lm, axis=1, keepdims=True)
        e = jnp.where(colmask, jnp.exp(logits - m), 0.0)
        ssum = jnp.sum(e, axis=1, keepdims=True)
        out_ref[...] = logits - m - jnp.log(ssum)

    return pl.pallas_call(
        body,
        grid=(NPAD // _R,),
        in_specs=[
            pl.BlockSpec((NCORES, _R, DOP), lambda i: (0, i, 0)),
            pl.BlockSpec((_R, DOP), lambda i: (i, 0)),
            pl.BlockSpec((_R, DINV), lambda i: (i, 0)),
            pl.BlockSpec((1, DOP), lambda i: (0, 0)),
        ],
        out_specs=pl.BlockSpec((_R, DOP), lambda i: (i, 0)),
        out_shape=jax.ShapeDtypeStruct((NPAD, DOP), jnp.float32),
    )(p2, hs2, dinv16, b2r)


def kernel(x, edge_index, W1, b1, W2, b2):
    src = edge_index[0]
    dst = edge_index[1]
    srcp = jnp.concatenate([src, jnp.asarray(_PAD_SRC)]).reshape(TCH, CH)
    dstp = jnp.concatenate([dst, jnp.asarray(_PAD_DST)]).reshape(TCH, CH)
    x_p = jnp.pad(x, ((0, NPAD - N), (0, 0)))
    W2p = jnp.pad(W2, ((0, 0), (0, DOP - DOUT)))
    b2r = jnp.pad(b2, ((0, DOP - DOUT),)).reshape(1, DOP)
    b1r = b1.reshape(1, DH)

    h1 = _tc_matmul(x_p, W1)
    p16 = _sc_degree(dstp.reshape(TCHD, CHD))
    hs1, dinv16 = _tc_pre(h1, p16)
    p1 = _sc_aggregate(hs1, srcp, dstp, DH)
    hs2 = _tc_mid(p1, hs1, dinv16, W2p, b1r)
    p2 = _sc_aggregate(hs2, srcp, dstp, DOP)
    out = _tc_post(p2, hs2, dinv16, b2r)
    return out[:N, :DOUT]

# --- scband reference (transcript-rebuilt; emitter-appended) ---
"""Pipeline reference for scband-gcn-47760036331636 (READ-ONLY COPY).

The authoritative reference and input builder live on the scoring server;
editing this copy changes nothing except your own understanding.
"""

import jax, jax.numpy as jnp
import numpy as np

N = 10000
E = 320000
D_IN = 128
D_H = 128
D_OUT = 40


def setup_inputs(seed: int = 0) -> dict:
    key = jax.random.key(seed)
    k1, k2, k3, k4, k5, k6 = jax.random.split(key, 6)
    x = jax.random.normal(k1, (N, D_IN), dtype=jnp.float32)
    edge_index = jax.random.randint(k2, (2, E), 0, N, dtype=jnp.int32)
    W1 = jax.random.normal(k3, (D_IN, D_H), dtype=jnp.float32) * (1.0 / np.sqrt(D_IN))
    b1 = jnp.zeros((D_H,), dtype=jnp.float32)
    W2 = jax.random.normal(k4, (D_H, D_OUT), dtype=jnp.float32) * (1.0 / np.sqrt(D_H))
    b2 = jnp.zeros((D_OUT,), dtype=jnp.float32)
    return {"x": x, "edge_index": edge_index, "W1": W1, "b1": b1, "W2": W2, "b2": b2}


def gcn_conv(x, edge_index, W, b):
    # PyG-style GCNConv: add self-loops, symmetric normalization, linear, scatter-add aggregate
    n = x.shape[0]
    loop = jnp.arange(n, dtype=edge_index.dtype)
    src = jnp.concatenate([edge_index[0], loop])
    dst = jnp.concatenate([edge_index[1], loop])
    ew = jnp.ones(src.shape[0], dtype=x.dtype)
    deg = jax.ops.segment_sum(ew, dst, num_segments=n)
    dinv = jnp.where(deg > 0, jax.lax.rsqrt(deg), 0.0)
    norm = dinv[src] * dinv[dst]
    h = x @ W
    msg = h[src] * norm[:, None]
    out = jax.ops.segment_sum(msg, dst, num_segments=n)
    return out + b


def reference(x, edge_index, W1, b1, W2, b2):
    h = gcn_conv(x, edge_index, W1, b1)
    h = jax.nn.relu(h)
    h = gcn_conv(h, edge_index, W2, b2)
    return jax.nn.log_softmax(h, axis=1)

if __name__ == "__main__":
    import jax
    _d = setup_inputs()
    print(jax.jit(kernel)(*tuple(_d.values())))

</pallas_src>

<mosaic_0001>
#map = affine_map<(d0, d1) -> (0, 0)>
#map1 = affine_map<(d0, d1) -> (0, 0, 0)>
module attributes {stable_mosaic.version = 14 : i64} {
  func.func @k(%arg0: i32, %arg1: i32, %arg2: memref<2560x128xi32, #tpu.memory_space<hbm>>, %arg3: memref<2x10240x128xf32, #tpu.memory_space<hbm>>, %arg4: memref<40x128xi32, #tpu.memory_space<vmem>>, %arg5: memref<128x128xf32, #tpu.memory_space<vmem>>, %arg6: memref<10240x128xf32, #tpu.memory_space<vmem_shared>>, %arg7: memref<!tpu.dma_semaphore, #tpu.memory_space<semaphore_mem>>, %arg8: memref<!tpu.dma_semaphore, #tpu.memory_space<semaphore_mem>>, %arg9: memref<!tpu.dma_semaphore, #tpu.memory_space<semaphore_mem>>, %arg10: memref<!tpu.dma_semaphore, #tpu.memory_space<semaphore_mem>>) attributes {dimension_semantics = [#tpu.dimension_semantics<core_parallel>, #tpu.dimension_semantics<subcore_parallel>], iteration_bounds = array<i64: 2, 16>, scalar_prefetch = 0 : i64, scratch_operands = 7 : i64, tpu.core_type = #tpu.core_type<sc_vector_subcore>, window_params = [{transform_indices = #map}, {transform_indices = #map1}]} {
    %mul3A = arith.constant 16 : i32
    %mul3A_0 = arith.muli %arg0, %mul3A : i32
    %add3A = arith.addi %mul3A_0, %arg1 : i32
    %scan3A = arith.constant 0 : i32
    %scan3A_1 = arith.constant 128 : i32
    %scan3A_2 = arith.addi %scan3A, %scan3A_1 : i32
    %scan3A_3 = arith.constant 1 : i32
    scf.for %scan3A_25 = %scan3A to %scan3A_2 step %scan3A_3  : i32 {
      %mul3A_26 = arith.constant 1 : i32
      %mul3A_27 = arith.muli %scan3A_25, %mul3A_26 : i32
      %add3A_28 = arith.constant 0 : i32
      %add3A_29 = arith.addi %add3A_28, %mul3A_27 : i32
      %scan3A_30 = arith.constant 0 : i32
      %scan3A_31 = arith.constant 8 : i32
      %scan3A_32 = arith.addi %scan3A_30, %scan3A_31 : i32
      %scan3A_33 = arith.constant 1 : i32
      scf.for %scan3A_35 = %scan3A_30 to %scan3A_32 step %scan3A_33  : i32 {
        %mul3A_36 = arith.constant 16 : i32
        %mul3A_37 = arith.muli %scan3A_35, %mul3A_36 : i32
        %add3A_38 = arith.constant 0 : i32
        %add3A_39 = arith.addi %add3A_38, %mul3A_37 : i32
        %broadcast_in_dim3A = arith.constant 0.000000e+00 : f32
        %broadcast_in_dim3A_40 = vector.broadcast %broadcast_in_dim3A : f32 to vector<16xf32>
        %swap3A = arith.index_cast %add3A_29 : i32 to index
        %swap3A_41 = arith.index_cast %add3A_39 : i32 to index
        %swap3A_42 = tpu.vector_load %arg5[%swap3A, %swap3A_41] {strides = array<i32>} : memref<128x128xf32, #tpu.memory_space<vmem>>, vector<1x16xf32>,
        %swap3A_43 = vector.shape_cast %swap3A_42 : vector<1x16xf32> to vector<16xf32>
        %swap3A_44 = vector.shape_cast %broadcast_in_dim3A_40 : vector<16xf32> to vector<1x16xf32>
        tpu.vector_store %arg5[%swap3A, %swap3A_41], %swap3A_44 {strides = array<i32>} : memref<128x128xf32, #tpu.memory_space<vmem>>, vector<1x16xf32>,
      }
      %scan3A_34 = arith.constant 8 : i32
    }
    %scan3A_4 = arith.constant 128 : i32
    %scan3A_5 = arith.constant 0 : i32
    %scan3A_6 = arith.constant 5 : i32
    %scan3A_7 = arith.addi %scan3A_5, %scan3A_6 : i32
    %scan3A_8 = arith.constant 1 : i32
    scf.for %scan3A_25 = %scan3A_5 to %scan3A_7 step %scan3A_8  : i32 {
      %mul3A_26 = arith.constant 1 : i32
      %mul3A_27 = arith.muli %scan3A_25, %mul3A_26 : i32
      %add3A_28 = arith.constant 0 : i32
      %add3A_29 = arith.addi %add3A_28, %mul3A_27 : i32
      %mul3A_30 = arith.constant 640 : i32
      %mul3A_31 = arith.muli %arg1, %mul3A_30 : i32
      %mul3A_32 = arith.constant 128 : i32
      %mul3A_33 = arith.muli %add3A_29, %mul3A_32 : i32
      %add3A_34 = arith.addi %mul3A_31, %mul3A_33 : i32
      "tpu.region"() ({
        %run_scoped3A = tpu.sem_alloc : memref<!tpu.dma_semaphore, #tpu.memory_space<semaphore_mem>>
        %dma_start3A = arith.constant 0 : i32
        %dma_start3A_35 = tpu.memref_slice %arg6[%add3A_34, %dma_start3A] : memref<10240x128xf32, #tpu.memory_space<vmem_shared>> -> memref<128x128xf32, #tpu.memory_space<vmem_shared>>
        %dma_start3A_36 = arith.constant 0 : i32
        %dma_start3A_37 = tpu.memref_slice %arg6[%add3A_34, %dma_start3A_36] : memref<10240x128xf32, #tpu.memory_space<vmem_shared>> -> memref<128x128xf32, #tpu.memory_space<vmem_shared>>
        tpu.enqueue_dma source(%arg5 : memref<128x128xf32, #tpu.memory_space<vmem>>) target(%dma_start3A_37 : memref<128x128xf32, #tpu.memory_space<vmem_shared>>) target_semaphore(%run_scoped3A : memref<!tpu.dma_semaphore, #tpu.memory_space<semaphore_mem>>)
        %dma_wait3A = arith.constant 0 : i32
        %dma_wait3A_38 = tpu.memref_slice %arg6[%add3A_34, %dma_wait3A] : memref<10240x128xf32, #tpu.memory_space<vmem_shared>> -> memref<128x128xf32, #tpu.memory_space<vmem_shared>>
        %dma_wait3A_39 = arith.constant 0 : i32
        %dma_wait3A_40 = tpu.memref_slice %arg6[%add3A_34, %dma_wait3A_39] : memref<10240x128xf32, #tpu.memory_space<vmem_shared>> -> memref<128x128xf32, #tpu.memory_space<vmem_shared>>
        tpu.wait_dma2 semaphore(%run_scoped3A : memref<!tpu.dma_semaphore, #tpu.memory_space<semaphore_mem>>) src(%arg5 : memref<128x128xf32, #tpu.memory_space<vmem>>) dst(%dma_wait3A_40 : memref<128x128xf32, #tpu.memory_space<vmem_shared>>)
        tpu.yield
      }) : () -> ()
    }
    %scan3A_9 = arith.constant 5 : i32
    %scan3A_10 = arith.constant 0 : i32
    %scan3A_11 = arith.constant 128 : i32
    %scan3A_12 = arith.addi %scan3A_10, %scan3A_11 : i32
    %scan3A_13 = arith.constant 1 : i32
    scf.for %scan3A_25 = %scan3A_10 to %scan3A_12 step %scan3A_13  : i32 {
      %mul3A_26 = arith.constant 1 : i32
      %mul3A_27 = arith.muli %scan3A_25, %mul3A_26 : i32
      %add3A_28 = arith.constant 0 : i32
      %add3A_29 = arith.addi %add3A_28, %mul3A_27 : i32
      %scan3A_30 = arith.constant 0 : i32
      %scan3A_31 = arith.constant 8 : i32
      %scan3A_32 = arith.addi %scan3A_30, %scan3A_31 : i32
      %scan3A_33 = arith.constant 1 : i32
      scf.for %scan3A_35 = %scan3A_30 to %scan3A_32 step %scan3A_33  : i32 {
        %mul3A_36 = arith.constant 16 : i32
        %mul3A_37 = arith.muli %scan3A_35, %mul3A_36 : i32
        %add3A_38 = arith.constant 0 : i32
        %add3A_39 = arith.addi %add3A_38, %mul3A_37 : i32
        %broadcast_in_dim3A = arith.constant 1.000000e+00 : f32
        %broadcast_in_dim3A_40 = vector.broadcast %broadcast_in_dim3A : f32 to vector<16xf32>
        %swap3A = arith.index_cast %add3A_29 : i32 to index
        %swap3A_41 = arith.index_cast %add3A_39 : i32 to index
        %swap3A_42 = tpu.vector_load %arg5[%swap3A, %swap3A_41] {strides = array<i32>} : memref<128x128xf32, #tpu.memory_space<vmem>>, vector<1x16xf32>,
        %swap3A_43 = vector.shape_cast %swap3A_42 : vector<1x16xf32> to vector<16xf32>
        %swap3A_44 = vector.shape_cast %broadcast_in_dim3A_40 : vector<16xf32> to vector<1x16xf32>
        tpu.vector_store %arg5[%swap3A, %swap3A_41], %swap3A_44 {strides = array<i32>} : memref<128x128xf32, #tpu.memory_space<vmem>>, vector<1x16xf32>,
      }
      %scan3A_34 = arith.constant 8 : i32
    }
    %scan3A_14 = arith.constant 128 : i32
    %barrier3A = arith.constant 0 : index
    tpu.barrier barrier_id(%barrier3A)
    %scan3A_15 = arith.constant 0 : i32
    %scan3A_16 = arith.constant 2 : i32
    %scan3A_17 = arith.addi %scan3A_15, %scan3A_16 : i32
    %scan3A_18 = arith.constant 1 : i32
    scf.for %scan3A_25 = %scan3A_15 to %scan3A_17 step %scan3A_18  : i32 {
      %mul3A_26 = arith.constant 1 : i32
      %mul3A_27 = arith.muli %scan3A_25, %mul3A_26 : i32
      %add3A_28 = arith.constant 0 : i32
      %add3A_29 = arith.addi %add3A_28, %mul3A_27 : i32
      %mul3A_30 = arith.constant 80 : i32
      %mul3A_31 = arith.muli %add3A, %mul3A_30 : i32
      %mul3A_32 = arith.constant 40 : i32
      %mul3A_33 = arith.muli %add3A_29, %mul3A_32 : i32
      %add3A_34 = arith.addi %mul3A_31, %mul3A_33 : i32
      %multiple_of3A = tpu.assume_multiple %add3A_34, 40 : i32
      "tpu.region"() ({
        %run_scoped3A = tpu.sem_alloc : memref<!tpu.dma_semaphore, #tpu.memory_space<semaphore_mem>>
        %dma_start3A_94 = arith.constant 0 : i32
        %dma_start3A_95 = tpu.memref_slice %arg2[%multiple_of3A, %dma_start3A_94] : memref<2560x128xi32, #tpu.memory_space<hbm>> -> memref<40x128xi32, #tpu.memory_space<hbm>>
        %dma_start3A_96 = arith.constant 0 : i32
        %dma_start3A_97 = tpu.memref_slice %arg2[%multiple_of3A, %dma_start3A_96] : memref<2560x128xi32, #tpu.memory_space<hbm>> -> memref<40x128xi32, #tpu.memory_space<hbm>>
        tpu.enqueue_dma source(%dma_start3A_97 : memref<40x128xi32, #tpu.memory_space<hbm>>) target(%arg4 : memref<40x128xi32, #tpu.memory_space<vmem>>) target_semaphore(%run_scoped3A : memref<!tpu.dma_semaphore, #tpu.memory_space<semaphore_mem>>)
        %dma_wait3A_98 = arith.constant 0 : i32
        %dma_wait3A_99 = tpu.memref_slice %arg2[%multiple_of3A, %dma_wait3A_98] : memref<2560x128xi32, #tpu.memory_space<hbm>> -> memref<40x128xi32, #tpu.memory_space<hbm>>
        %dma_wait3A_100 = arith.constant 0 : i32
        %dma_wait3A_101 = tpu.memref_slice %arg2[%multiple_of3A, %dma_wait3A_100] : memref<2560x128xi32, #tpu.memory_space<hbm>> -> memref<40x128xi32, #tpu.memory_space<hbm>>
        tpu.wait_dma2 semaphore(%run_scoped3A : memref<!tpu.dma_semaphore, #tpu.memory_space<semaphore_mem>>) src(%dma_wait3A_101 : memref<40x128xi32, #tpu.memory_space<hbm>>) dst(%arg4 : memref<40x128xi32, #tpu.memory_space<vmem>>)
        tpu.yield
      }) : () -> ()
      %dma_start3A = arith.constant 0 : i32
      %dma_start3A_35 = arith.constant 0 : i32
      %dma_start3A_36 = tpu.memref_slice %arg4[%dma_start3A, %dma_start3A_35] : memref<40x128xi32, #tpu.memory_space<vmem>> -> memref<1x128xi32, #tpu.memory_space<vmem>>
      %dma_start3A_37 = tpu.memref_squeeze %dma_start3A_36 : memref<1x128xi32, #tpu.memory_space<vmem>> -> memref<128xi32, #tpu.memory_space<vmem>>
      %dma_start3A_38 = arith.constant 0 : i32
      %dma_start3A_39 = arith.constant 0 : i32
      %dma_start3A_40 = tpu.memref_slice %arg6[%dma_start3A_38, %dma_start3A_39] : memref<10240x128xf32, #tpu.memory_space<vmem_shared>> -> memref<10240x128xf32, #tpu.memory_space<vmem_shared>>
      tpu.enqueue_indirect_dma source(%arg5 : memref<128x128xf32, #tpu.memory_space<vmem>>) target(%dma_start3A_40 : memref<10240x128xf32, #tpu.memory_space<vmem_shared>>) offsets(%dma_start3A_37 : memref<128xi32, #tpu.memory_space<vmem>>) semaphore(%arg7 : memref<!tpu.dma_semaphore, #tpu.memory_space<semaphore_mem>>) {add = true}
      %dma_start3A_41 = arith.constant 1 : i32
      %dma_start3A_42 = arith.constant 0 : i32
      %dma_start3A_43 = tpu.memref_slice %arg4[%dma_start3A_41, %dma_start3A_42] : memref<40x128xi32, #tpu.memory_space<vmem>> -> memref<1x128xi32, #tpu.memory_space<vmem>>
      %dma_start3A_44 = tpu.memref_squeeze %dma_start3A_43 : memref<1x128xi32, #tpu.memory_space<vmem>> -> memref<128xi32, #tpu.memory_space<vmem>>
      %dma_start3A_45 = arith.constant 0 : i32
      %dma_start3A_46 = arith.constant 0 : i32
      %dma_start3A_47 = tpu.memref_slice %arg6[%dma_start3A_45, %dma_start3A_46] : memref<10240x128xf32, #tpu.memory_space<vmem_shared>> -> memref<10240x128xf32, #tpu.memory_space<vmem_shared>>
      tpu.enqueue_indirect_dma source(%arg5 : memref<128x128xf32, #tpu.memory_space<vmem>>) target(%dma_start3A_47 : memref<10240x128xf32, #tpu.memory_space<vmem_shared>>) offsets(%dma_start3A_44 : memref<128xi32, #tpu.memory_space<vmem>>) semaphore(%arg8 : memref<!tpu.dma_semaphore, #tpu.memory_space<semaphore_mem>>) {add = true}
      %dma_start3A_48 = arith.constant 2 : i32
      %dma_start3A_49 = arith.constant 0 : i32
      %dma_start3A_50 = tpu.memref_slice %arg4[%dma_start3A_48, %dma_start3A_49] : memref<40x128xi32, #tpu.memory_space<vmem>> -> memref<1x128xi32, #tpu.memory_space<vmem>>
      %dma_start3A_51 = tpu.memref_squeeze %dma_start3A_50 : memref<1x128xi32, #tpu.memory_space<vmem>> -> memref<128xi32, #tpu.memory_space<vmem>>
      %dma_start3A_52 = arith.constant 0 : i32
      %dma_start3A_53 = arith.constant 0 : i32
      %dma_start3A_54 = tpu.memref_slice %arg6[%dma_start3A_52, %dma_start3A_53] : memref<10240x128xf32, #tpu.memory_space<vmem_shared>> -> memref<10240x128xf32, #tpu.memory_space<vmem_shared>>
      tpu.enqueue_indirect_dma source(%arg5 : memref<128x128xf32, #tpu.memory_space<vmem>>) target(%dma_start3A_54 : memref<10240x128xf32, #tpu.memory_space<vmem_shared>>) offsets(%dma_start3A_51 : memref<128xi32, #tpu.memory_space<vmem>>) semaphore(%arg9 : memref<!tpu.dma_semaphore, #tpu.memory_space<semaphore_mem>>) {add = true}
      %dma_start3A_55 = arith.constant 3 : i32
      %dma_start3A_56 = arith.constant 0 : i32
      %dma_start3A_57 = tpu.memref_slice %arg4[%dma_start3A_55, %dma_start3A_56] : memref<40x128xi32, #tpu.memory_space<vmem>> -> memref<1x128xi32, #tpu.memory_space<vmem>>
      %dma_start3A_58 = tpu.memref_squeeze %dma_start3A_57 : memref<1x128xi32, #tpu.memory_space<vmem>> -> memref<128xi32, #tpu.memory_space<vmem>>
      %dma_start3A_59 = arith.constant 0 : i32
      %dma_start3A_60 = arith.constant 0 : i32
      %dma_start3A_61 = tpu.memref_slice %arg6[%dma_start3A_59, %dma_start3A_60] : memref<10240x128xf32, #tpu.memory_space<vmem_shared>> -> memref<10240x128xf32, #tpu.memory_space<vmem_shared>>
      tpu.enqueue_indirect_dma source(%arg5 : memref<128x128xf32, #tpu.memory_space<vmem>>) target(%dma_start3A_61 : memref<10240x128xf32, #tpu.memory_space<vmem_shared>>) offsets(%dma_start3A_58 : memref<128xi32, #tpu.memory_space<vmem>>) semaphore(%arg10 : memref<!tpu.dma_semaphore, #tpu.memory_space<semaphore_mem>>) {add = true}
      %scan3A_62 = arith.constant 0 : i32
      %scan3A_63 = arith.constant 9 : i32
      %scan3A_64 = arith.addi %scan3A_62, %scan3A_63 : i32
      %scan3A_65 = arith.constant 1 : i32
      scf.for %scan3A_94 = %scan3A_62 to %scan3A_64 step %scan3A_65  : i32 {
        %mul3A_95 = arith.constant 4 : i32
        %mul3A_96 = arith.muli %scan3A_94, %mul3A_95 : i32
        %add3A_97 = arith.constant 0 : i32
        %add3A_98 = arith.addi %add3A_97, %mul3A_96 : i32
        %add3A_99 = arith.constant 0 : i32
        %add3A_100 = arith.addi %add3A_98, %add3A_99 : i32
        %dma_wait3A_101 = arith.constant 0 : i32
        %dma_wait3A_102 = tpu.memref_slice %arg4[%add3A_100, %dma_wait3A_101] : memref<40x128xi32, #tpu.memory_space<vmem>> -> memref<1x128xi32, #tpu.memory_space<vmem>>
        %dma_wait3A_103 = tpu.memref_squeeze %dma_wait3A_102 : memref<1x128xi32, #tpu.memory_space<vmem>> -> memref<128xi32, #tpu.memory_space<vmem>>
        %dma_wait3A_104 = arith.constant 0 : i32
        %dma_wait3A_105 = arith.constant 0 : i32
        %dma_wait3A_106 = tpu.memref_slice %arg6[%dma_wait3A_104, %dma_wait3A_105] : memref<10240x128xf32, #tpu.memory_space<vmem_shared>> -> memref<10240x128xf32, #tpu.memory_space<vmem_shared>>
        tpu.wait_indirect_dma semaphore(%arg7 : memref<!tpu.dma_semaphore, #tpu.memory_space<semaphore_mem>>) src(%arg5 : memref<128x128xf32, #tpu.memory_space<vmem>>) dst(%dma_wait3A_106 : memref<10240x128xf32, #tpu.memory_space<vmem_shared>>)
        %add3A_107 = arith.constant 4 : i32
        %add3A_108 = arith.addi %add3A_98, %add3A_107 : i32
        %add3A_109 = arith.constant 0 : i32
        %add3A_110 = arith.addi %add3A_108, %add3A_109 : i32
        %dma_start3A_111 = arith.constant 0 : i32
        %dma_start3A_112 = tpu.memref_slice %arg4[%add3A_110, %dma_start3A_111] : memref<40x128xi32, #tpu.memory_space<vmem>> -> memref<1x128xi32, #tpu.memory_space<vmem>>
        %dma_start3A_113 = tpu.memref_squeeze %dma_start3A_112 : memref<1x128xi32, #tpu.memory_space<vmem>> -> memref<128xi32, #tpu.memory_space<vmem>>
        %dma_start3A_114 = arith.constant 0 : i32
        %dma_start3A_115 = arith.constant 0 : i32
        %dma_start3A_116 = tpu.memref_slice %arg6[%dma_start3A_114, %dma_start3A_115] : memref<10240x128xf32, #tpu.memory_space<vmem_shared>> -> memref<10240x128xf32, #tpu.memory_space<vmem_shared>>
        tpu.enqueue_indirect_dma source(%arg5 : memref<128x128xf32, #tpu.memory_space<vmem>>) target(%dma_start3A_116 : memref<10240x128xf32, #tpu.memory_space<vmem_shared>>) offsets(%dma_start3A_113 : memref<128xi32, #tpu.memory_space<vmem>>) semaphore(%arg7 : memref<!tpu.dma_semaphore, #tpu.memory_space<semaphore_mem>>) {add = true}
        %add3A_117 = arith.constant 1 : i32
        %add3A_118 = arith.addi %add3A_98, %add3A_117 : i32
        %dma_wait3A_119 = arith.constant 0 : i32
        %dma_wait3A_120 = tpu.memref_slice %arg4[%add3A_118, %dma_wait3A_119] : memref<40x128xi32, #tpu.memory_space<vmem>> -> memref<1x128xi32, #tpu.memory_space<vmem>>
        %dma_wait3A_121 = tpu.memref_squeeze %dma_wait3A_120 : memref<1x128xi32, #tpu.memory_space<vmem>> -> memref<128xi32, #tpu.memory_space<vmem>>
        %dma_wait3A_122 = arith.constant 0 : i32
        %dma_wait3A_123 = arith.constant 0 : i32
        %dma_wait3A_124 = tpu.memref_slice %arg6[%dma_wait3A_122, %dma_wait3A_123] : memref<10240x128xf32, #tpu.memory_space<vmem_shared>> -> memref<10240x128xf32, #tpu.memory_space<vmem_shared>>
        tpu.wait_indirect_dma semaphore(%arg8 : memref<!tpu.dma_semaphore, #tpu.memory_space<semaphore_mem>>) src(%arg5 : memref<128x128xf32, #tpu.memory_space<vmem>>) dst(%dma_wait3A_124 : memref<10240x128xf32, #tpu.memory_space<vmem_shared>>)
        %add3A_125 = arith.constant 4 : i32
        %add3A_126 = arith.addi %add3A_98, %add3A_125 : i32
        %add3A_127 = arith.constant 1 : i32
        %add3A_128 = arith.addi %add3A_126, %add3A_127 : i32
        %dma_start3A_129 = arith.constant 0 : i32
        %dma_start3A_130 = tpu.memref_slice %arg4[%add3A_128, %dma_start3A_129] : memref<40x128xi32, #tpu.memory_space<vmem>> -> memref<1x128xi32, #tpu.memory_space<vmem>>
        %dma_start3A_131 = tpu.memref_squeeze %dma_start3A_130 : memref<1x128xi32, #tpu.memory_space<vmem>> -> memref<128xi32, #tpu.memory_space<vmem>>
        %dma_start3A_132 = arith.constant 0 : i32
        %dma_start3A_133 = arith.constant 0 : i32
        %dma_start3A_134 = tpu.memref_slice %arg6[%dma_start3A_132, %dma_start3A_133] : memref<10240x128xf32, #tpu.memory_space<vmem_shared>> -> memref<10240x128xf32, #tpu.memory_space<vmem_shared>>
        tpu.enqueue_indirect_dma source(%arg5 : memref<128x128xf32, #tpu.memory_space<vmem>>) target(%dma_start3A_134 : memref<10240x128xf32, #tpu.memory_space<vmem_shared>>) offsets(%dma_start3A_131 : memref<128xi32, #tpu.memory_space<vmem>>) semaphore(%arg8 : memref<!tpu.dma_semaphore, #tpu.memory_space<semaphore_mem>>) {add = true}
        %add3A_135 = arith.constant 2 : i32
        %add3A_136 = arith.addi %add3A_98, %add3A_135 : i32
        %dma_wait3A_137 = arith.constant 0 : i32
        %dma_wait3A_138 = tpu.memref_slice %arg4[%add3A_136, %dma_wait3A_137] : memref<40x128xi32, #tpu.memory_space<vmem>> -> memref<1x128xi32, #tpu.memory_space<vmem>>
        %dma_wait3A_139 = tpu.memref_squeeze %dma_wait3A_138 : memref<1x128xi32, #tpu.memory_space<vmem>> -> memref<128xi32, #tpu.memory_space<vmem>>
        %dma_wait3A_140 = arith.constant 0 : i32
        %dma_wait3A_141 = arith.constant 0 : i32
        %dma_wait3A_142 = tpu.memref_slice %arg6[%dma_wait3A_140, %dma_wait3A_141] : memref<10240x128xf32, #tpu.memory_space<vmem_shared>> -> memref<10240x128xf32, #tpu.memory_space<vmem_shared>>
        tpu.wait_indirect_dma semaphore(%arg9 : memref<!tpu.dma_semaphore, #tpu.memory_space<semaphore_mem>>) src(%arg5 : memref<128x128xf32, #tpu.memory_space<vmem>>) dst(%dma_wait3A_142 : memref<10240x128xf32, #tpu.memory_space<vmem_shared>>)
        %add3A_143 = arith.constant 4 : i32
        %add3A_144 = arith.addi %add3A_98, %add3A_143 : i32
        %add3A_145 = arith.constant 2 : i32
        %add3A_146 = arith.addi %add3A_144, %add3A_145 : i32
        %dma_start3A_147 = arith.constant 0 : i32
        %dma_start3A_148 = tpu.memref_slice %arg4[%add3A_146, %dma_start3A_147] : memref<40x128xi32, #tpu.memory_space<vmem>> -> memref<1x128xi32, #tpu.memory_space<vmem>>
        %dma_start3A_149 = tpu.memref_squeeze %dma_start3A_148 : memref<1x128xi32, #tpu.memory_space<vmem>> -> memref<128xi32, #tpu.memory_space<vmem>>
        %dma_start3A_150 = arith.constant 0 : i32
        %dma_start3A_151 = arith.constant 0 : i32
        %dma_start3A_152 = tpu.memref_slice %arg6[%dma_start3A_150, %dma_start3A_151] : memref<10240x128xf32, #tpu.memory_space<vmem_shared>> -> memref<10240x128xf32, #tpu.memory_space<vmem_shared>>
        tpu.enqueue_indirect_dma source(%arg5 : memref<128x128xf32, #tpu.memory_space<vmem>>) target(%dma_start3A_152 : memref<10240x128xf32, #tpu.memory_space<vmem_shared>>) offsets(%dma_start3A_149 : memref<128xi32, #tpu.memory_space<vmem>>) semaphore(%arg9 : memref<!tpu.dma_semaphore, #tpu.memory_space<semaphore_mem>>) {add = true}
        %add3A_153 = arith.constant 3 : i32
        %add3A_154 = arith.addi %add3A_98, %add3A_153 : i32
        %dma_wait3A_155 = arith.constant 0 : i32
        %dma_wait3A_156 = tpu.memref_slice %arg4[%add3A_154, %dma_wait3A_155] : memref<40x128xi32, #tpu.memory_space<vmem>> -> memref<1x128xi32, #tpu.memory_space<vmem>>
        %dma_wait3A_157 = tpu.memref_squeeze %dma_wait3A_156 : memref<1x128xi32, #tpu.memory_space<vmem>> -> memref<128xi32, #tpu.memory_space<vmem>>
        %dma_wait3A_158 = arith.constant 0 : i32
        %dma_wait3A_159 = arith.constant 0 : i32
        %dma_wait3A_160 = tpu.memref_slice %arg6[%dma_wait3A_158, %dma_wait3A_159] : memref<10240x128xf32, #tpu.memory_space<vmem_shared>> -> memref<10240x128xf32, #tpu.memory_space<vmem_shared>>
        tpu.wait_indirect_dma semaphore(%arg10 : memref<!tpu.dma_semaphore, #tpu.memory_space<semaphore_mem>>) src(%arg5 : memref<128x128xf32, #tpu.memory_space<vmem>>) dst(%dma_wait3A_160 : memref<10240x128xf32, #tpu.memory_space<vmem_shared>>)
        %add3A_161 = arith.constant 4 : i32
        %add3A_162 = arith.addi %add3A_98, %add3A_161 : i32
        %add3A_163 = arith.constant 3 : i32
        %add3A_164 = arith.addi %add3A_162, %add3A_163 : i32
        %dma_start3A_165 = arith.constant 0 : i32
        %dma_start3A_166 = tpu.memref_slice %arg4[%add3A_164, %dma_start3A_165] : memref<40x128xi32, #tpu.memory_space<vmem>> -> memref<1x128xi32, #tpu.memory_space<vmem>>
        %dma_start3A_167 = tpu.memref_squeeze %dma_start3A_166 : memref<1x128xi32, #tpu.memory_space<vmem>> -> memref<128xi32, #tpu.memory_space<vmem>>
        %dma_start3A_168 = arith.constant 0 : i32
        %dma_start3A_169 = arith.constant 0 : i32
        %dma_start3A_170 = tpu.memref_slice %arg6[%dma_start3A_168, %dma_start3A_169] : memref<10240x128xf32, #tpu.memory_space<vmem_shared>> -> memref<10240x128xf32, #tpu.memory_space<vmem_shared>>
        tpu.enqueue_indirect_dma source(%arg5 : memref<128x128xf32, #tpu.memory_space<vmem>>) target(%dma_start3A_170 : memref<10240x128xf32, #tpu.memory_space<vmem_shared>>) offsets(%dma_start3A_167 : memref<128xi32, #tpu.memory_space<vmem>>) semaphore(%arg10 : memref<!tpu.dma_semaphore, #tpu.memory_space<semaphore_mem>>) {add = true}
      }
      %scan3A_66 = arith.constant 9 : i32
      %dma_wait3A = arith.constant 36 : i32
      %dma_wait3A_67 = arith.constant 0 : i32
      %dma_wait3A_68 = tpu.memref_slice %arg4[%dma_wait3A, %dma_wait3A_67] : memref<40x128xi32, #tpu.memory_space<vmem>> -> memref<1x128xi32, #tpu.memory_space<vmem>>
      %dma_wait3A_69 = tpu.memref_squeeze %dma_wait3A_68 : memref<1x128xi32, #tpu.memory_space<vmem>> -> memref<128xi32, #tpu.memory_space<vmem>>
      %dma_wait3A_70 = arith.constant 0 : i32
      %dma_wait3A_71 = arith.constant 0 : i32
      %dma_wait3A_72 = tpu.memref_slice %arg6[%dma_wait3A_70, %dma_wait3A_71] : memref<10240x128xf32, #tpu.memory_space<vmem_shared>> -> memref<10240x128xf32, #tpu.memory_space<vmem_shared>>
      tpu.wait_indirect_dma semaphore(%arg7 : memref<!tpu.dma_semaphore, #tpu.memory_space<semaphore_mem>>) src(%arg5 : memref<128x128xf32, #tpu.memory_space<vmem>>) dst(%dma_wait3A_72 : memref<10240x128xf32, #tpu.memory_space<vmem_shared>>)
      %dma_wait3A_73 = arith.constant 37 : i32
      %dma_wait3A_74 = arith.constant 0 : i32
      %dma_wait3A_75 = tpu.memref_slice %arg4[%dma_wait3A_73, %dma_wait3A_74] : memref<40x128xi32, #tpu.memory_space<vmem>> -> memref<1x128xi32, #tpu.memory_space<vmem>>
      %dma_wait3A_76 = tpu.memref_squeeze %dma_wait3A_75 : memref<1x128xi32, #tpu.memory_space<vmem>> -> memref<128xi32, #tpu.memory_space<vmem>>
      %dma_wait3A_77 = arith.constant 0 : i32
      %dma_wait3A_78 = arith.constant 0 : i32
      %dma_wait3A_79 = tpu.memref_slice %arg6[%dma_wait3A_77, %dma_wait3A_78] : memref<10240x128xf32, #tpu.memory_space<vmem_shared>> -> memref<10240x128xf32, #tpu.memory_space<vmem_shared>>
      tpu.wait_indirect_dma semaphore(%arg8 : memref<!tpu.dma_semaphore, #tpu.memory_space<semaphore_mem>>) src(%arg5 : memref<128x128xf32, #tpu.memory_space<vmem>>) dst(%dma_wait3A_79 : memref<10240x128xf32, #tpu.memory_space<vmem_shared>>)
      %dma_wait3A_80 = arith.constant 38 : i32
      %dma_wait3A_81 = arith.constant 0 : i32
      %dma_wait3A_82 = tpu.memref_slice %arg4[%dma_wait3A_80, %dma_wait3A_81] : memref<40x128xi32, #tpu.memory_space<vmem>> -> memref<1x128xi32, #tpu.memory_space<vmem>>
      %dma_wait3A_83 = tpu.memref_squeeze %dma_wait3A_82 : memref<1x128xi32, #tpu.memory_space<vmem>> -> memref<128xi32, #tpu.memory_space<vmem>>
      %dma_wait3A_84 = arith.constant 0 : i32
      %dma_wait3A_85 = arith.constant 0 : i32
      %dma_wait3A_86 = tpu.memref_slice %arg6[%dma_wait3A_84, %dma_wait3A_85] : memref<10240x128xf32, #tpu.memory_space<vmem_shared>> -> memref<10240x128xf32, #tpu.memory_space<vmem_shared>>
      tpu.wait_indirect_dma semaphore(%arg9 : memref<!tpu.dma_semaphore, #tpu.memory_space<semaphore_mem>>) src(%arg5 : memref<128x128xf32, #tpu.memory_space<vmem>>) dst(%dma_wait3A_86 : memref<10240x128xf32, #tpu.memory_space<vmem_shared>>)
      %dma_wait3A_87 = arith.constant 39 : i32
      %dma_wait3A_88 = arith.constant 0 : i32
      %dma_wait3A_89 = tpu.memref_slice %arg4[%dma_wait3A_87, %dma_wait3A_88] : memref<40x128xi32, #tpu.memory_space<vmem>> -> memref<1x128xi32, #tpu.memory_space<vmem>>
      %dma_wait3A_90 = tpu.memref_squeeze %dma_wait3A_89 : memref<1x128xi32, #tpu.memory_space<vmem>> -> memref<128xi32, #tpu.memory_space<vmem>>
      %dma_wait3A_91 = arith.constant 0 : i32
      %dma_wait3A_92 = arith.constant 0 : i32
      %dma_wait3A_93 = tpu.memref_slice %arg6[%dma_wait3A_91, %dma_wait3A_92] : memref<10240x128xf32, #tpu.memory_space<vmem_shared>> -> memref<10240x128xf32, #tpu.memory_space<vmem_shared>>
      tpu.wait_indirect_dma semaphore(%arg10 : memref<!tpu.dma_semaphore, #tpu.memory_space<semaphore_mem>>) src(%arg5 : memref<128x128xf32, #tpu.memory_space<vmem>>) dst(%dma_wait3A_93 : memref<10240x128xf32, #tpu.memory_space<vmem_shared>>)
    }
    %scan3A_19 = arith.constant 2 : i32
    %barrier3A_20 = arith.constant 0 : index
    tpu.barrier barrier_id(%barrier3A_20)
    %mul3A_21 = arith.constant 640 : i32
    %mul3A_22 = arith.muli %arg1, %mul3A_21 : i32
    %mul3A_23 = arith.constant 640 : i32
    %mul3A_24 = arith.muli %arg1, %mul3A_23 : i32
    "tpu.region"() ({
      %run_scoped3A = tpu.sem_alloc : memref<!tpu.dma_semaphore, #tpu.memory_space<semaphore_mem>>
      %dma_start3A = arith.constant 0 : i32
      %dma_start3A_25 = tpu.memref_slice %arg3[%arg0, %mul3A_24, %dma_start3A] : memref<2x10240x128xf32, #tpu.memory_space<hbm>> -> memref<1x640x128xf32, #tpu.memory_space<hbm>>
      %dma_start3A_26 = tpu.memref_squeeze %dma_start3A_25 : memref<1x640x128xf32, #tpu.memory_space<hbm>> -> memref<640x128xf32, #tpu.memory_space<hbm>>
      %dma_start3A_27 = arith.constant 0 : i32
      %dma_start3A_28 = tpu.memref_slice %arg6[%mul3A_22, %dma_start3A_27] : memref<10240x128xf32, #tpu.memory_space<vmem_shared>> -> memref<640x128xf32, #tpu.memory_space<vmem_shared>>
      tpu.enqueue_dma source(%dma_start3A_28 : memref<640x128xf32, #tpu.memory_space<vmem_shared>>) target(%dma_start3A_26 : memref<640x128xf32, #tpu.memory_space<hbm>>) target_semaphore(%run_scoped3A : memref<!tpu.dma_semaphore, #tpu.memory_space<semaphore_mem>>)
      %dma_wait3A = arith.constant 0 : i32
      %dma_wait3A_29 = tpu.memref_slice %arg3[%arg0, %mul3A_24, %dma_wait3A] : memref<2x10240x128xf32, #tpu.memory_space<hbm>> -> memref<1x640x128xf32, #tpu.memory_space<hbm>>
      %dma_wait3A_30 = tpu.memref_squeeze %dma_wait3A_29 : memref<1x640x128xf32, #tpu.memory_space<hbm>> -> memref<640x128xf32, #tpu.memory_space<hbm>>
      %dma_wait3A_31 = arith.constant 0 : i32
      %dma_wait3A_32 = tpu.memref_slice %arg6[%mul3A_22, %dma_wait3A_31] : memref<10240x128xf32, #tpu.memory_space<vmem_shared>> -> memref<640x128xf32, #tpu.memory_space<vmem_shared>>
      tpu.wait_dma2 semaphore(%run_scoped3A : memref<!tpu.dma_semaphore, #tpu.memory_space<semaphore_mem>>) src(%dma_wait3A_32 : memref<640x128xf32, #tpu.memory_space<vmem_shared>>) dst(%dma_wait3A_30 : memref<640x128xf32, #tpu.memory_space<hbm>>)
      tpu.yield
    }) : () -> ()
    return
  }
}

#map = affine_map<(d0, d1) -> (0, 0)>
#map1 = affine_map<(d0, d1) -> (0, 0, 0)>
module attributes {stable_mosaic.version = 14 : i64} {
  func.func @k(%arg0: i32, %arg1: i32, %arg2: memref<10240x128xf32, #tpu.memory_space<hbm>>, %arg3: memref<5120x64xi32, #tpu.memory_space<hbm>>, %arg4: memref<5120x64xi32, #tpu.memory_space<hbm>>, %arg5: memref<2x10240x128xf32, #tpu.memory_space<hbm>>, %arg6: memref<40x64xi32, #tpu.memory_space<vmem>>, %arg7: memref<40x64xi32, #tpu.memory_space<vmem>>, %arg8: memref<64x128xf32, #tpu.memory_space<vmem>>, %arg9: memref<64x128xf32, #tpu.memory_space<vmem>>, %arg10: memref<64x128xf32, #tpu.memory_space<vmem>>, %arg11: memref<64x128xf32, #tpu.memory_space<vmem>>, %arg12: memref<10240x128xf32, #tpu.memory_space<vmem_shared>>, %arg13: memref<!tpu.dma_semaphore, #tpu.memory_space<semaphore_mem>>, %arg14: memref<!tpu.dma_semaphore, #tpu.memory_space<semaphore_mem>>, %arg15: memref<!tpu.dma_semaphore, #tpu.memory_space<semaphore_mem>>, %arg16: memref<!tpu.dma_semaphore, #tpu.memory_space<semaphore_mem>>, %arg17: memref<!tpu.dma_semaphore, #tpu.memory_space<semaphore_mem>>, %arg18: memref<!tpu.dma_semaphore, #tpu.memory_space<semaphore_mem>>, %arg19: memref<!tpu.dma_semaphore, #tpu.memory_space<semaphore_mem>>, %arg20: memref<!tpu.dma_semaphore, #tpu.memory_space<semaphore_mem>>) attributes {dimension_semantics = [#tpu.dimension_semantics<core_parallel>, #tpu.dimension_semantics<subcore_parallel>], iteration_bounds = array<i64: 2, 16>, scalar_prefetch = 0 : i64, scratch_operands = 15 : i64, tpu.core_type = #tpu.core_type<sc_vector_subcore>, window_params = [{transform_indices = #map}, {transform_indices = #map}, {transform_indices = #map}, {transform_indices = #map1}]} {
    %scan3A = arith.constant 0 : i32
    %scan3A_0 = arith.constant 64 : i32
    %scan3A_1 = arith.addi %scan3A, %scan3A_0 : i32
    %scan3A_2 = arith.constant 1 : i32
    scf.for %scan3A_54 = %scan3A to %scan3A_1 step %scan3A_2  : i32 {
      %mul3A_55 = arith.constant 1 : i32
      %mul3A_56 = arith.muli %scan3A_54, %mul3A_55 : i32
      %add3A_57 = arith.constant 0 : i32
      %add3A_58 = arith.addi %add3A_57, %mul3A_56 : i32
      %scan3A_59 = arith.constant 0 : i32
      %scan3A_60 = arith.constant 8 : i32
      %scan3A_61 = arith.addi %scan3A_59, %scan3A_60 : i32
      %scan3A_62 = arith.constant 1 : i32
      scf.for %scan3A_64 = %scan3A_59 to %scan3A_61 step %scan3A_62  : i32 {
        %mul3A_65 = arith.constant 16 : i32
        %mul3A_66 = arith.muli %scan3A_64, %mul3A_65 : i32
        %add3A_67 = arith.constant 0 : i32
        %add3A_68 = arith.addi %add3A_67, %mul3A_66 : i32
        %broadcast_in_dim3A = arith.constant 0.000000e+00 : f32
        %broadcast_in_dim3A_69 = vector.broadcast %broadcast_in_dim3A : f32 to vector<16xf32>
        %swap3A = arith.index_cast %add3A_58 : i32 to index
        %swap3A_70 = arith.index_cast %add3A_68 : i32 to index
        %swap3A_71 = tpu.vector_load %arg8[%swap3A, %swap3A_70] {strides = array<i32>} : memref<64x128xf32, #tpu.memory_space<vmem>>, vector<1x16xf32>,
        %swap3A_72 = vector.shape_cast %swap3A_71 : vector<1x16xf32> to vector<16xf32>
        %swap3A_73 = vector.shape_cast %broadcast_in_dim3A_69 : vector<16xf32> to vector<1x16xf32>
        tpu.vector_store %arg8[%swap3A, %swap3A_70], %swap3A_73 {strides = array<i32>} : memref<64x128xf32, #tpu.memory_space<vmem>>, vector<1x16xf32>,
      }
      %scan3A_63 = arith.constant 8 : i32
    }
    %scan3A_3 = arith.constant 64 : i32
    %scan3A_4 = arith.constant 0 : i32
    %scan3A_5 = arith.constant 10 : i32
    %scan3A_6 = arith.addi %scan3A_4, %scan3A_5 : i32
    %scan3A_7 = arith.constant 1 : i32
    scf.for %scan3A_54 = %scan3A_4 to %scan3A_6 step %scan3A_7  : i32 {
      %mul3A_55 = arith.constant 1 : i32
      %mul3A_56 = arith.muli %scan3A_54, %mul3A_55 : i32
      %add3A_57 = arith.constant 0 : i32
      %add3A_58 = arith.addi %add3A_57, %mul3A_56 : i32
      %mul3A_59 = arith.constant 640 : i32
      %mul3A_60 = arith.muli %arg1, %mul3A_59 : i32
      %mul3A_61 = arith.constant 64 : i32
      %mul3A_62 = arith.muli %add3A_58, %mul3A_61 : i32
      %add3A_63 = arith.addi %mul3A_60, %mul3A_62 : i32
      "tpu.region"() ({
        %run_scoped3A = tpu.sem_alloc : memref<!tpu.dma_semaphore, #tpu.memory_space<semaphore_mem>>
        %dma_start3A = arith.constant 0 : i32
        %dma_start3A_64 = tpu.memref_slice %arg12[%add3A_63, %dma_start3A] : memref<10240x128xf32, #tpu.memory_space<vmem_shared>> -> memref<64x128xf32, #tpu.memory_space<vmem_shared>>
        %dma_start3A_65 = arith.constant 0 : i32
        %dma_start3A_66 = tpu.memref_slice %arg12[%add3A_63, %dma_start3A_65] : memref<10240x128xf32, #tpu.memory_space<vmem_shared>> -> memref<64x128xf32, #tpu.memory_space<vmem_shared>>
        tpu.enqueue_dma source(%arg8 : memref<64x128xf32, #tpu.memory_space<vmem>>) target(%dma_start3A_66 : memref<64x128xf32, #tpu.memory_space<vmem_shared>>) target_semaphore(%run_scoped3A : memref<!tpu.dma_semaphore, #tpu.memory_space<semaphore_mem>>)
        %dma_wait3A = arith.constant 0 : i32
        %dma_wait3A_67 = tpu.memref_slice %arg12[%add3A_63, %dma_wait3A] : memref<10240x128xf32, #tpu.memory_space<vmem_shared>> -> memref<64x128xf32, #tpu.memory_space<vmem_shared>>
        %dma_wait3A_68 = arith.constant 0 : i32
        %dma_wait3A_69 = tpu.memref_slice %arg12[%add3A_63, %dma_wait3A_68] : memref<10240x128xf32, #tpu.memory_space<vmem_shared>> -> memref<64x128xf32, #tpu.memory_space<vmem_shared>>
        tpu.wait_dma2 semaphore(%run_scoped3A : memref<!tpu.dma_semaphore, #tpu.memory_space<semaphore_mem>>) src(%arg8 : memref<64x128xf32, #tpu.memory_space<vmem>>) dst(%dma_wait3A_69 : memref<64x128xf32, #tpu.memory_space<vmem_shared>>)
        tpu.yield
      }) : () -> ()
    }
    %scan3A_8 = arith.constant 10 : i32
    %barrier3A = arith.constant 0 : index
    tpu.barrier barrier_id(%barrier3A)
    %eq3A = arith.constant 0 : i32
    %eq3A_9 = arith.cmpi eq, %arg0, %eq3A : i32
    %jit3A = arith.constant 160 : i32
    %jit3A_10 = arith.constant 160 : i32
    %select_n3A = arith.select %eq3A_9, %jit3A, %jit3A_10 : i32
    %mul3A = arith.constant 2560 : i32
    %mul3A_11 = arith.muli %arg0, %mul3A : i32
    %mul3A_12 = arith.muli %arg1, %select_n3A : i32
    %add3A = arith.addi %mul3A_11, %mul3A_12 : i32
    %jit3A_13 = arith.constant 40 : i32
    %div3A = arith.divsi %select_n3A, %jit3A_13 : i32
    %sign3A = arith.constant 0 : i32
    %sign3A_14 = arith.cmpi sgt, %select_n3A, %sign3A : i32
    %sign3A_15 = arith.extui %sign3A_14 : i1 to i32
    %sign3A_16 = arith.constant 0 : i32
    %sign3A_17 = arith.cmpi slt, %select_n3A, %sign3A_16 : i32
    %sign3A_18 = arith.extui %sign3A_17 : i1 to i32
    %sign3A_19 = arith.subi %sign3A_15, %sign3A_18 : i32
    %sign3A_20 = arith.constant 0 : i32
    %sign3A_21 = arith.cmpi sgt, %jit3A_13, %sign3A_20 : i32
    %sign3A_22 = arith.extui %sign3A_21 : i1 to i32
    %sign3A_23 = arith.constant 0 : i32
    %sign3A_24 = arith.cmpi slt, %jit3A_13, %sign3A_23 : i32
    %sign3A_25 = arith.extui %sign3A_24 : i1 to i32
    %sign3A_26 = arith.subi %sign3A_22, %sign3A_25 : i32
    %ne3A = arith.cmpi ne, %sign3A_19, %sign3A_26 : i32
    %rem3A = arith.remsi %select_n3A, %jit3A_13 : i32
    %ne3A_27 = arith.constant 0 : i32
    %ne3A_28 = arith.cmpi ne, %rem3A, %ne3A_27 : i32
    %and3A = arith.andi %ne3A, %ne3A_28 : i1
    %sub3A = arith.constant 1 : i32
    %sub3A_29 = arith.subi %div3A, %sub3A : i32
    %select_n3A_30 = arith.select %and3A, %sub3A_29, %div3A : i32
    %sub3A_31 = arith.constant 0 : i32
    %sub3A_32 = arith.subi %select_n3A_30, %sub3A_31 : i32
    %sub3A_33 = arith.constant 1 : i32
    %sub3A_34 = arith.constant 1 : i32
    %sub3A_35 = arith.subi %sub3A_33, %sub3A_34 : i32
    %add3A_36 = arith.addi %sub3A_32, %sub3A_35 : i32
    %div3A_37 = arith.constant 1 : i32
    %div3A_38 = arith.divsi %add3A_36, %div3A_37 : i32
    %while3A = arith.constant 1 : i32
    %while3A_39 = arith.constant 0 : i32
    %while3A_40 = arith.constant 0 : i32
    %while3A_41 = arith.subi %div3A_38, %while3A_40 : i32
    %while3A_42 = arith.addi %while3A_40, %while3A_41 : i32
    %while3A_43 = arith.constant 1 : i32
    %while3A_44 = arith.divsi %while3A_41, %while3A_43 : i32
    %while3A_45 = arith.muli %while3A_44, %while3A_43 : i32
    %while3A_46 = arith.addi %while3A_40, %while3A_45 : i32
    %while3A_47 = arith.constant 1 : i32
    scf.for %while3A_54 = %while3A_40 to %while3A_46 step %while3A_47  : i32 {
      %mul3A_55 = arith.muli %while3A_54, %while3A : i32
      %add3A_56 = arith.addi %while3A_39, %mul3A_55 : i32
      %mul3A_57 = arith.constant 40 : i32
      %mul3A_58 = arith.muli %add3A_56, %mul3A_57 : i32
      %add3A_59 = arith.addi %add3A, %mul3A_58 : i32
      %multiple_of3A = tpu.assume_multiple %add3A_59, 40 : i32
      "tpu.region"() ({
        %run_scoped3A = tpu.sem_alloc : memref<!tpu.dma_semaphore, #tpu.memory_space<semaphore_mem>>
        %dma_start3A_175 = arith.constant 0 : i32
        %dma_start3A_176 = tpu.memref_slice %arg3[%multiple_of3A, %dma_start3A_175] : memref<5120x64xi32, #tpu.memory_space<hbm>> -> memref<40x64xi32, #tpu.memory_space<hbm>>
        %dma_start3A_177 = arith.constant 0 : i32
        %dma_start3A_178 = tpu.memref_slice %arg3[%multiple_of3A, %dma_start3A_177] : memref<5120x64xi32, #tpu.memory_space<hbm>> -> memref<40x64xi32, #tpu.memory_space<hbm>>
        tpu.enqueue_dma source(%dma_start3A_178 : memref<40x64xi32, #tpu.memory_space<hbm>>) target(%arg6 : memref<40x64xi32, #tpu.memory_space<vmem>>) target_semaphore(%run_scoped3A : memref<!tpu.dma_semaphore, #tpu.memory_space<semaphore_mem>>)
        %dma_wait3A_179 = arith.constant 0 : i32
        %dma_wait3A_180 = tpu.memref_slice %arg3[%multiple_of3A, %dma_wait3A_179] : memref<5120x64xi32, #tpu.memory_space<hbm>> -> memref<40x64xi32, #tpu.memory_space<hbm>>
        %dma_wait3A_181 = arith.constant 0 : i32
        %dma_wait3A_182 = tpu.memref_slice %arg3[%multiple_of3A, %dma_wait3A_181] : memref<5120x64xi32, #tpu.memory_space<hbm>> -> memref<40x64xi32, #tpu.memory_space<hbm>>
        tpu.wait_dma2 semaphore(%run_scoped3A : memref<!tpu.dma_semaphore, #tpu.memory_space<semaphore_mem>>) src(%dma_wait3A_182 : memref<40x64xi32, #tpu.memory_space<hbm>>) dst(%arg6 : memref<40x64xi32, #tpu.memory_space<vmem>>)
        tpu.yield
      }) : () -> ()
      "tpu.region"() ({
        %run_scoped3A = tpu.sem_alloc : memref<!tpu.dma_semaphore, #tpu.memory_space<semaphore_mem>>
        %dma_start3A_175 = arith.constant 0 : i32
        %dma_start3A_176 = tpu.memref_slice %arg4[%multiple_of3A, %dma_start3A_175] : memref<5120x64xi32, #tpu.memory_space<hbm>> -> memref<40x64xi32, #tpu.memory_space<hbm>>
        %dma_start3A_177 = arith.constant 0 : i32
        %dma_start3A_178 = tpu.memref_slice %arg4[%multiple_of3A, %dma_start3A_177] : memref<5120x64xi32, #tpu.memory_space<hbm>> -> memref<40x64xi32, #tpu.memory_space<hbm>>
        tpu.enqueue_dma source(%dma_start3A_178 : memref<40x64xi32, #tpu.memory_space<hbm>>) target(%arg7 : memref<40x64xi32, #tpu.memory_space<vmem>>) target_semaphore(%run_scoped3A : memref<!tpu.dma_semaphore, #tpu.memory_space<semaphore_mem>>)
        %dma_wait3A_179 = arith.constant 0 : i32
        %dma_wait3A_180 = tpu.memref_slice %arg4[%multiple_of3A, %dma_wait3A_179] : memref<5120x64xi32, #tpu.memory_space<hbm>> -> memref<40x64xi32, #tpu.memory_space<hbm>>
        %dma_wait3A_181 = arith.constant 0 : i32
        %dma_wait3A_182 = tpu.memref_slice %arg4[%multiple_of3A, %dma_wait3A_181] : memref<5120x64xi32, #tpu.memory_space<hbm>> -> memref<40x64xi32, #tpu.memory_space<hbm>>
        tpu.wait_dma2 semaphore(%run_scoped3A : memref<!tpu.dma_semaphore, #tpu.memory_space<semaphore_mem>>) src(%dma_wait3A_182 : memref<40x64xi32, #tpu.memory_space<hbm>>) dst(%arg7 : memref<40x64xi32, #tpu.memory_space<vmem>>)
        tpu.yield
      }) : () -> ()
      %dma_start3A = arith.constant 0 : i32
      %dma_start3A_60 = arith.constant 0 : i32
      %dma_start3A_61 = tpu.memref_slice %arg6[%dma_start3A, %dma_start3A_60] : memref<40x64xi32, #tpu.memory_space<vmem>> -> memref<1x64xi32, #tpu.memory_space<vmem>>
      %dma_start3A_62 = tpu.memref_squeeze %dma_start3A_61 : memref<1x64xi32, #tpu.memory_space<vmem>> -> memref<64xi32, #tpu.memory_space<vmem>>
      %dma_start3A_63 = arith.constant 0 : i32
      %dma_start3A_64 = arith.constant 0 : i32
      %dma_start3A_65 = tpu.memref_slice %arg2[%dma_start3A_63, %dma_start3A_64] : memref<10240x128xf32, #tpu.memory_space<hbm>> -> memref<10240x128xf32, #tpu.memory_space<hbm>>
      tpu.enqueue_indirect_dma source(%dma_start3A_65 : memref<10240x128xf32, #tpu.memory_space<hbm>>) target(%arg8 : memref<64x128xf32, #tpu.memory_space<vmem>>) offsets(%dma_start3A_62 : memref<64xi32, #tpu.memory_space<vmem>>) semaphore(%arg13 : memref<!tpu.dma_semaphore, #tpu.memory_space<semaphore_mem>>)
      %dma_start3A_66 = arith.constant 1 : i32
      %dma_start3A_67 = arith.constant 0 : i32
      %dma_start3A_68 = tpu.memref_slice %arg6[%dma_start3A_66, %dma_start3A_67] : memref<40x64xi32, #tpu.memory_space<vmem>> -> memref<1x64xi32, #tpu.memory_space<vmem>>
      %dma_start3A_69 = tpu.memref_squeeze %dma_start3A_68 : memref<1x64xi32, #tpu.memory_space<vmem>> -> memref<64xi32, #tpu.memory_space<vmem>>
      %dma_start3A_70 = arith.constant 0 : i32
      %dma_start3A_71 = arith.constant 0 : i32
      %dma_start3A_72 = tpu.memref_slice %arg2[%dma_start3A_70, %dma_start3A_71] : memref<10240x128xf32, #tpu.memory_space<hbm>> -> memref<10240x128xf32, #tpu.memory_space<hbm>>
      tpu.enqueue_indirect_dma source(%dma_start3A_72 : memref<10240x128xf32, #tpu.memory_space<hbm>>) target(%arg9 : memref<64x128xf32, #tpu.memory_space<vmem>>) offsets(%dma_start3A_69 : memref<64xi32, #tpu.memory_space<vmem>>) semaphore(%arg14 : memref<!tpu.dma_semaphore, #tpu.memory_space<semaphore_mem>>)
      %dma_start3A_73 = arith.constant 2 : i32
      %dma_start3A_74 = arith.constant 0 : i32
      %dma_start3A_75 = tpu.memref_slice %arg6[%dma_start3A_73, %dma_start3A_74] : memref<40x64xi32, #tpu.memory_space<vmem>> -> memref<1x64xi32, #tpu.memory_space<vmem>>
      %dma_start3A_76 = tpu.memref_squeeze %dma_start3A_75 : memref<1x64xi32, #tpu.memory_space<vmem>> -> memref<64xi32, #tpu.memory_space<vmem>>
      %dma_start3A_77 = arith.constant 0 : i32
      %dma_start3A_78 = arith.constant 0 : i32
      %dma_start3A_79 = tpu.memref_slice %arg2[%dma_start3A_77, %dma_start3A_78] : memref<10240x128xf32, #tpu.memory_space<hbm>> -> memref<10240x128xf32, #tpu.memory_space<hbm>>
      tpu.enqueue_indirect_dma source(%dma_start3A_79 : memref<10240x128xf32, #tpu.memory_space<hbm>>) target(%arg10 : memref<64x128xf32, #tpu.memory_space<vmem>>) offsets(%dma_start3A_76 : memref<64xi32, #tpu.memory_space<vmem>>) semaphore(%arg15 : memref<!tpu.dma_semaphore, #tpu.memory_space<semaphore_mem>>)
      %dma_start3A_80 = arith.constant 3 : i32
      %dma_start3A_81 = arith.constant 0 : i32
      %dma_start3A_82 = tpu.memref_slice %arg6[%dma_start3A_80, %dma_start3A_81] : memref<40x64xi32, #tpu.memory_space<vmem>> -> memref<1x64xi32, #tpu.memory_space<vmem>>
      %dma_start3A_83 = tpu.memref_squeeze %dma_start3A_82 : memref<1x64xi32, #tpu.memory_space<vmem>> -> memref<64xi32, #tpu.memory_space<vmem>>
      %dma_start3A_84 = arith.constant 0 : i32
      %dma_start3A_85 = arith.constant 0 : i32
      %dma_start3A_86 = tpu.memref_slice %arg2[%dma_start3A_84, %dma_start3A_85] : memref<10240x128xf32, #tpu.memory_space<hbm>> -> memref<10240x128xf32, #tpu.memory_space<hbm>>
      tpu.enqueue_indirect_dma source(%dma_start3A_86 : memref<10240x128xf32, #tpu.memory_space<hbm>>) target(%arg11 : memref<64x128xf32, #tpu.memory_space<vmem>>) offsets(%dma_start3A_83 : memref<64xi32, #tpu.memory_space<vmem>>) semaphore(%arg16 : memref<!tpu.dma_semaphore, #tpu.memory_space<semaphore_mem>>)
      %scan3A_87 = arith.constant 0 : i32
      %scan3A_88 = arith.constant 9 : i32
      %scan3A_89 = arith.addi %scan3A_87, %scan3A_88 : i32
      %scan3A_90 = arith.constant 1 : i32
      scf.for %scan3A_175 = %scan3A_87 to %scan3A_89 step %scan3A_90  : i32 {
        %mul3A_176 = arith.constant 4 : i32
        %mul3A_177 = arith.muli %scan3A_175, %mul3A_176 : i32
        %add3A_178 = arith.constant 0 : i32
        %add3A_179 = arith.addi %add3A_178, %mul3A_177 : i32
        %add3A_180 = arith.constant 0 : i32
        %add3A_181 = arith.addi %add3A_179, %add3A_180 : i32
        %dma_wait3A_182 = arith.constant 0 : i32
        %dma_wait3A_183 = tpu.memref_slice %arg6[%add3A_181, %dma_wait3A_182] : memref<40x64xi32, #tpu.memory_space<vmem>> -> memref<1x64xi32, #tpu.memory_space<vmem>>
        %dma_wait3A_184 = tpu.memref_squeeze %dma_wait3A_183 : memref<1x64xi32, #tpu.memory_space<vmem>> -> memref<64xi32, #tpu.memory_space<vmem>>
        %dma_wait3A_185 = arith.constant 0 : i32
        %dma_wait3A_186 = arith.constant 0 : i32
        %dma_wait3A_187 = tpu.memref_slice %arg2[%dma_wait3A_185, %dma_wait3A_186] : memref<10240x128xf32, #tpu.memory_space<hbm>> -> memref<10240x128xf32, #tpu.memory_space<hbm>>
        tpu.wait_indirect_dma semaphore(%arg13 : memref<!tpu.dma_semaphore, #tpu.memory_space<semaphore_mem>>) src(%dma_wait3A_187 : memref<10240x128xf32, #tpu.memory_space<hbm>>) dst(%arg8 : memref<64x128xf32, #tpu.memory_space<vmem>>)
        %add3A_188 = arith.constant 0 : i32
        %add3A_189 = arith.addi %add3A_179, %add3A_188 : i32
        %dma_start3A_190 = arith.constant 0 : i32
        %dma_start3A_191 = tpu.memref_slice %arg7[%add3A_189, %dma_start3A_190] : memref<40x64xi32, #tpu.memory_space<vmem>> -> memref<1x64xi32, #tpu.memory_space<vmem>>
        %dma_start3A_192 = tpu.memref_squeeze %dma_start3A_191 : memref<1x64xi32, #tpu.memory_space<vmem>> -> memref<64xi32, #tpu.memory_space<vmem>>
        %dma_start3A_193 = arith.constant 0 : i32
        %dma_start3A_194 = arith.constant 0 : i32
        %dma_start3A_195 = tpu.memref_slice %arg12[%dma_start3A_193, %dma_start3A_194] : memref<10240x128xf32, #tpu.memory_space<vmem_shared>> -> memref<10240x128xf32, #tpu.memory_space<vmem_shared>>
        tpu.enqueue_indirect_dma source(%arg8 : memref<64x128xf32, #tpu.memory_space<vmem>>) target(%dma_start3A_195 : memref<10240x128xf32, #tpu.memory_space<vmem_shared>>) offsets(%dma_start3A_192 : memref<64xi32, #tpu.memory_space<vmem>>) semaphore(%arg17 : memref<!tpu.dma_semaphore, #tpu.memory_space<semaphore_mem>>) {add = true}
        %add3A_196 = arith.constant 1 : i32
        %add3A_197 = arith.addi %add3A_179, %add3A_196 : i32
        %dma_wait3A_198 = arith.constant 0 : i32
        %dma_wait3A_199 = tpu.memref_slice %arg6[%add3A_197, %dma_wait3A_198] : memref<40x64xi32, #tpu.memory_space<vmem>> -> memref<1x64xi32, #tpu.memory_space<vmem>>
        %dma_wait3A_200 = tpu.memref_squeeze %dma_wait3A_199 : memref<1x64xi32, #tpu.memory_space<vmem>> -> memref<64xi32, #tpu.memory_space<vmem>>
        %dma_wait3A_201 = arith.constant 0 : i32
        %dma_wait3A_202 = arith.constant 0 : i32
        %dma_wait3A_203 = tpu.memref_slice %arg2[%dma_wait3A_201, %dma_wait3A_202] : memref<10240x128xf32, #tpu.memory_space<hbm>> -> memref<10240x128xf32, #tpu.memory_space<hbm>>
        tpu.wait_indirect_dma semaphore(%arg14 : memref<!tpu.dma_semaphore, #tpu.memory_space<semaphore_mem>>) src(%dma_wait3A_203 : memref<10240x128xf32, #tpu.memory_space<hbm>>) dst(%arg9 : memref<64x128xf32, #tpu.memory_space<vmem>>)
        %add3A_204 = arith.constant 1 : i32
        %add3A_205 = arith.addi %add3A_179, %add3A_204 : i32
        %dma_start3A_206 = arith.constant 0 : i32
        %dma_start3A_207 = tpu.memref_slice %arg7[%add3A_205, %dma_start3A_206] : memref<40x64xi32, #tpu.memory_space<vmem>> -> memref<1x64xi32, #tpu.memory_space<vmem>>
        %dma_start3A_208 = tpu.memref_squeeze %dma_start3A_207 : memref<1x64xi32, #tpu.memory_space<vmem>> -> memref<64xi32, #tpu.memory_space<vmem>>
        %dma_start3A_209 = arith.constant 0 : i32
        %dma_start3A_210 = arith.constant 0 : i32
        %dma_start3A_211 = tpu.memref_slice %arg12[%dma_start3A_209, %dma_start3A_210] : memref<10240x128xf32, #tpu.memory_space<vmem_shared>> -> memref<10240x128xf32, #tpu.memory_space<vmem_shared>>
        tpu.enqueue_indirect_dma source(%arg9 : memref<64x128xf32, #tpu.memory_space<vmem>>) target(%dma_start3A_211 : memref<10240x128xf32, #tpu.memory_space<vmem_shared>>) offsets(%dma_start3A_208 : memref<64xi32, #tpu.memory_space<vmem>>) semaphore(%arg18 : memref<!tpu.dma_semaphore, #tpu.memory_space<semaphore_mem>>) {add = true}
        %add3A_212 = arith.constant 2 : i32
        %add3A_213 = arith.addi %add3A_179, %add3A_212 : i32
        %dma_wait3A_214 = arith.constant 0 : i32
        %dma_wait3A_215 = tpu.memref_slice %arg6[%add3A_213, %dma_wait3A_214] : memref<40x64xi32, #tpu.memory_space<vmem>> -> memref<1x64xi32, #tpu.memory_space<vmem>>
        %dma_wait3A_216 = tpu.memref_squeeze %dma_wait3A_215 : memref<1x64xi32, #tpu.memory_space<vmem>> -> memref<64xi32, #tpu.memory_space<vmem>>
        %dma_wait3A_217 = arith.constant 0 : i32
        %dma_wait3A_218 = arith.constant 0 : i32
        %dma_wait3A_219 = tpu.memref_slice %arg2[%dma_wait3A_217, %dma_wait3A_218] : memref<10240x128xf32, #tpu.memory_space<hbm>> -> memref<10240x128xf32, #tpu.memory_space<hbm>>
        tpu.wait_indirect_dma semaphore(%arg15 : memref<!tpu.dma_semaphore, #tpu.memory_space<semaphore_mem>>) src(%dma_wait3A_219 : memref<10240x128xf32, #tpu.memory_space<hbm>>) dst(%arg10 : memref<64x128xf32, #tpu.memory_space<vmem>>)
        %add3A_220 = arith.constant 2 : i32
        %add3A_221 = arith.addi %add3A_179, %add3A_220 : i32
        %dma_start3A_222 = arith.constant 0 : i32
        %dma_start3A_223 = tpu.memref_slice %arg7[%add3A_221, %dma_start3A_222] : memref<40x64xi32, #tpu.memory_space<vmem>> -> memref<1x64xi32, #tpu.memory_space<vmem>>
        %dma_start3A_224 = tpu.memref_squeeze %dma_start3A_223 : memref<1x64xi32, #tpu.memory_space<vmem>> -> memref<64xi32, #tpu.memory_space<vmem>>
        %dma_start3A_225 = arith.constant 0 : i32
        %dma_start3A_226 = arith.constant 0 : i32
        %dma_start3A_227 = tpu.memref_slice %arg12[%dma_start3A_225, %dma_start3A_226] : memref<10240x128xf32, #tpu.memory_space<vmem_shared>> -> memref<10240x128xf32, #tpu.memory_space<vmem_shared>>
        tpu.enqueue_indirect_dma source(%arg10 : memref<64x128xf32, #tpu.memory_space<vmem>>) target(%dma_start3A_227 : memref<10240x128xf32, #tpu.memory_space<vmem_shared>>) offsets(%dma_start3A_224 : memref<64xi32, #tpu.memory_space<vmem>>) semaphore(%arg19 : memref<!tpu.dma_semaphore, #tpu.memory_space<semaphore_mem>>) {add = true}
        %add3A_228 = arith.constant 3 : i32
        %add3A_229 = arith.addi %add3A_179, %add3A_228 : i32
        %dma_wait3A_230 = arith.constant 0 : i32
        %dma_wait3A_231 = tpu.memref_slice %arg6[%add3A_229, %dma_wait3A_230] : memref<40x64xi32, #tpu.memory_space<vmem>> -> memref<1x64xi32, #tpu.memory_space<vmem>>
        %dma_wait3A_232 = tpu.memref_squeeze %dma_wait3A_231 : memref<1x64xi32, #tpu.memory_space<vmem>> -> memref<64xi32, #tpu.memory_space<vmem>>
        %dma_wait3A_233 = arith.constant 0 : i32
        %dma_wait3A_234 = arith.constant 0 : i32
        %dma_wait3A_235 = tpu.memref_slice %arg2[%dma_wait3A_233, %dma_wait3A_234] : memref<10240x128xf32, #tpu.memory_space<hbm>> -> memref<10240x128xf32, #tpu.memory_space<hbm>>
        tpu.wait_indirect_dma semaphore(%arg16 : memref<!tpu.dma_semaphore, #tpu.memory_space<semaphore_mem>>) src(%dma_wait3A_235 : memref<10240x128xf32, #tpu.memory_space<hbm>>) dst(%arg11 : memref<64x128xf32, #tpu.memory_space<vmem>>)
        %add3A_236 = arith.constant 3 : i32
        %add3A_237 = arith.addi %add3A_179, %add3A_236 : i32
        %dma_start3A_238 = arith.constant 0 : i32
        %dma_start3A_239 = tpu.memref_slice %arg7[%add3A_237, %dma_start3A_238] : memref<40x64xi32, #tpu.memory_space<vmem>> -> memref<1x64xi32, #tpu.memory_space<vmem>>
        %dma_start3A_240 = tpu.memref_squeeze %dma_start3A_239 : memref<1x64xi32, #tpu.memory_space<vmem>> -> memref<64xi32, #tpu.memory_space<vmem>>
        %dma_start3A_241 = arith.constant 0 : i32
        %dma_start3A_242 = arith.constant 0 : i32
        %dma_start3A_243 = tpu.memref_slice %arg12[%dma_start3A_241, %dma_start3A_242] : memref<10240x128xf32, #tpu.memory_space<vmem_shared>> -> memref<10240x128xf32, #tpu.memory_space<vmem_shared>>
        tpu.enqueue_indirect_dma source(%arg11 : memref<64x128xf32, #tpu.memory_space<vmem>>) target(%dma_start3A_243 : memref<10240x128xf32, #tpu.memory_space<vmem_shared>>) offsets(%dma_start3A_240 : memref<64xi32, #tpu.memory_space<vmem>>) semaphore(%arg20 : memref<!tpu.dma_semaphore, #tpu.memory_space<semaphore_mem>>) {add = true}
        %add3A_244 = arith.constant 0 : i32
        %add3A_245 = arith.addi %add3A_179, %add3A_244 : i32
        %dma_wait3A_246 = arith.constant 0 : i32
        %dma_wait3A_247 = tpu.memref_slice %arg7[%add3A_245, %dma_wait3A_246] : memref<40x64xi32, #tpu.memory_space<vmem>> -> memref<1x64xi32, #tpu.memory_space<vmem>>
        %dma_wait3A_248 = tpu.memref_squeeze %dma_wait3A_247 : memref<1x64xi32, #tpu.memory_space<vmem>> -> memref<64xi32, #tpu.memory_space<vmem>>
        %dma_wait3A_249 = arith.constant 0 : i32
        %dma_wait3A_250 = arith.constant 0 : i32
        %dma_wait3A_251 = tpu.memref_slice %arg12[%dma_wait3A_249, %dma_wait3A_250] : memref<10240x128xf32, #tpu.memory_space<vmem_shared>> -> memref<10240x128xf32, #tpu.memory_space<vmem_shared>>
        tpu.wait_indirect_dma semaphore(%arg17 : memref<!tpu.dma_semaphore, #tpu.memory_space<semaphore_mem>>) src(%arg8 : memref<64x128xf32, #tpu.memory_space<vmem>>) dst(%dma_wait3A_251 : memref<10240x128xf32, #tpu.memory_space<vmem_shared>>)
        %add3A_252 = arith.constant 4 : i32
        %add3A_253 = arith.addi %add3A_179, %add3A_252 : i32
        %add3A_254 = arith.constant 0 : i32
        %add3A_255 = arith.addi %add3A_253, %add3A_254 : i32
        %dma_start3A_256 = arith.constant 0 : i32
        %dma_start3A_257 = tpu.memref_slice %arg6[%add3A_255, %dma_start3A_256] : memref<40x64xi32, #tpu.memory_space<vmem>> -> memref<1x64xi32, #tpu.memory_space<vmem>>
        %dma_start3A_258 = tpu.memref_squeeze %dma_start3A_257 : memref<1x64xi32, #tpu.memory_space<vmem>> -> memref<64xi32, #tpu.memory_space<vmem>>
        %dma_start3A_259 = arith.constant 0 : i32
        %dma_start3A_260 = arith.constant 0 : i32
        %dma_start3A_261 = tpu.memref_slice %arg2[%dma_start3A_259, %dma_start3A_260] : memref<10240x128xf32, #tpu.memory_space<hbm>> -> memref<10240x128xf32, #tpu.memory_space<hbm>>
        tpu.enqueue_indirect_dma source(%dma_start3A_261 : memref<10240x128xf32, #tpu.memory_space<hbm>>) target(%arg8 : memref<64x128xf32, #tpu.memory_space<vmem>>) offsets(%dma_start3A_258 : memref<64xi32, #tpu.memory_space<vmem>>) semaphore(%arg13 : memref<!tpu.dma_semaphore, #tpu.memory_space<semaphore_mem>>)
        %add3A_262 = arith.constant 1 : i32
        %add3A_263 = arith.addi %add3A_179, %add3A_262 : i32
        %dma_wait3A_264 = arith.constant 0 : i32
        %dma_wait3A_265 = tpu.memref_slice %arg7[%add3A_263, %dma_wait3A_264] : memref<40x64xi32, #tpu.memory_space<vmem>> -> memref<1x64xi32, #tpu.memory_space<vmem>>
        %dma_wait3A_266 = tpu.memref_squeeze %dma_wait3A_265 : memref<1x64xi32, #tpu.memory_space<vmem>> -> memref<64xi32, #tpu.memory_space<vmem>>
        %dma_wait3A_267 = arith.constant 0 : i32
        %dma_wait3A_268 = arith.constant 0 : i32
        %dma_wait3A_269 = tpu.memref_slice %arg12[%dma_wait3A_267, %dma_wait3A_268] : memref<10240x128xf32, #tpu.memory_space<vmem_shared>> -> memref<10240x128xf32, #tpu.memory_space<vmem_shared>>
        tpu.wait_indirect_dma semaphore(%arg18 : memref<!tpu.dma_semaphore, #tpu.memory_space<semaphore_mem>>) src(%arg9 : memref<64x128xf32, #tpu.memory_space<vmem>>) dst(%dma_wait3A_269 : memref<10240x128xf32, #tpu.memory_space<vmem_shared>>)
        %add3A_270 = arith.constant 4 : i32
        %add3A_271 = arith.addi %add3A_179, %add3A_270 : i32
        %add3A_272 = arith.constant 1 : i32
        %add3A_273 = arith.addi %add3A_271, %add3A_272 : i32
        %dma_start3A_274 = arith.constant 0 : i32
        %dma_start3A_275 = tpu.memref_slice %arg6[%add3A_273, %dma_start3A_274] : memref<40x64xi32, #tpu.memory_space<vmem>> -> memref<1x64xi32, #tpu.memory_space<vmem>>
        %dma_start3A_276 = tpu.memref_squeeze %dma_start3A_275 : memref<1x64xi32, #tpu.memory_space<vmem>> -> memref<64xi32, #tpu.memory_space<vmem>>
        %dma_start3A_277 = arith.constant 0 : i32
        %dma_start3A_278 = arith.constant 0 : i32
        %dma_start3A_279 = tpu.memref_slice %arg2[%dma_start3A_277, %dma_start3A_278] : memref<10240x128xf32, #tpu.memory_space<hbm>> -> memref<10240x128xf32, #tpu.memory_space<hbm>>
        tpu.enqueue_indirect_dma source(%dma_start3A_279 : memref<10240x128xf32, #tpu.memory_space<hbm>>) target(%arg9 : memref<64x128xf32, #tpu.memory_space<vmem>>) offsets(%dma_start3A_276 : memref<64xi32, #tpu.memory_space<vmem>>) semaphore(%arg14 : memref<!tpu.dma_semaphore, #tpu.memory_space<semaphore_mem>>)
        %add3A_280 = arith.constant 2 : i32
        %add3A_281 = arith.addi %add3A_179, %add3A_280 : i32
        %dma_wait3A_282 = arith.constant 0 : i32
        %dma_wait3A_283 = tpu.memref_slice %arg7[%add3A_281, %dma_wait3A_282] : memref<40x64xi32, #tpu.memory_space<vmem>> -> memref<1x64xi32, #tpu.memory_space<vmem>>
        %dma_wait3A_284 = tpu.memref_squeeze %dma_wait3A_283 : memref<1x64xi32, #tpu.memory_space<vmem>> -> memref<64xi32, #tpu.memory_space<vmem>>
        %dma_wait3A_285 = arith.constant 0 : i32
        %dma_wait3A_286 = arith.constant 0 : i32
        %dma_wait3A_287 = tpu.memref_slice %arg12[%dma_wait3A_285, %dma_wait3A_286] : memref<10240x128xf32, #tpu.memory_space<vmem_shared>> -> memref<10240x128xf32, #tpu.memory_space<vmem_shared>>
        tpu.wait_indirect_dma semaphore(%arg19 : memref<!tpu.dma_semaphore, #tpu.memory_space<semaphore_mem>>) src(%arg10 : memref<64x128xf32, #tpu.memory_space<vmem>>) dst(%dma_wait3A_287 : memref<10240x128xf32, #tpu.memory_space<vmem_shared>>)
        %add3A_288 = arith.constant 4 : i32
        %add3A_289 = arith.addi %add3A_179, %add3A_288 : i32
        %add3A_290 = arith.constant 2 : i32
        %add3A_291 = arith.addi %add3A_289, %add3A_290 : i32
        %dma_start3A_292 = arith.constant 0 : i32
        %dma_start3A_293 = tpu.memref_slice %arg6[%add3A_291, %dma_start3A_292] : memref<40x64xi32, #tpu.memory_space<vmem>> -> memref<1x64xi32, #tpu.memory_space<vmem>>
        %dma_start3A_294 = tpu.memref_squeeze %dma_start3A_293 : memref<1x64xi32, #tpu.memory_space<vmem>> -> memref<64xi32, #tpu.memory_space<vmem>>
        %dma_start3A_295 = arith.constant 0 : i32
        %dma_start3A_296 = arith.constant 0 : i32
        %dma_start3A_297 = tpu.memref_slice %arg2[%dma_start3A_295, %dma_start3A_296] : memref<10240x128xf32, #tpu.memory_space<hbm>> -> memref<10240x128xf32, #tpu.memory_space<hbm>>
        tpu.enqueue_indirect_dma source(%dma_start3A_297 : memref<10240x128xf32, #tpu.memory_space<hbm>>) target(%arg10 : memref<64x128xf32, #tpu.memory_space<vmem>>) offsets(%dma_start3A_294 : memref<64xi32, #tpu.memory_space<vmem>>) semaphore(%arg15 : memref<!tpu.dma_semaphore, #tpu.memory_space<semaphore_mem>>)
        %add3A_298 = arith.constant 3 : i32
        %add3A_299 = arith.addi %add3A_179, %add3A_298 : i32
        %dma_wait3A_300 = arith.constant 0 : i32
        %dma_wait3A_301 = tpu.memref_slice %arg7[%add3A_299, %dma_wait3A_300] : memref<40x64xi32, #tpu.memory_space<vmem>> -> memref<1x64xi32, #tpu.memory_space<vmem>>
        %dma_wait3A_302 = tpu.memref_squeeze %dma_wait3A_301 : memref<1x64xi32, #tpu.memory_space<vmem>> -> memref<64xi32, #tpu.memory_space<vmem>>
        %dma_wait3A_303 = arith.constant 0 : i32
        %dma_wait3A_304 = arith.constant 0 : i32
        %dma_wait3A_305 = tpu.memref_slice %arg12[%dma_wait3A_303, %dma_wait3A_304] : memref<10240x128xf32, #tpu.memory_space<vmem_shared>> -> memref<10240x128xf32, #tpu.memory_space<vmem_shared>>
        tpu.wait_indirect_dma semaphore(%arg20 : memref<!tpu.dma_semaphore, #tpu.memory_space<semaphore_mem>>) src(%arg11 : memref<64x128xf32, #tpu.memory_space<vmem>>) dst(%dma_wait3A_305 : memref<10240x128xf32, #tpu.memory_space<vmem_shared>>)
        %add3A_306 = arith.constant 4 : i32
        %add3A_307 = arith.addi %add3A_179, %add3A_306 : i32
        %add3A_308 = arith.constant 3 : i32
        %add3A_309 = arith.addi %add3A_307, %add3A_308 : i32
        %dma_start3A_310 = arith.constant 0 : i32
        %dma_start3A_311 = tpu.memref_slice %arg6[%add3A_309, %dma_start3A_310] : memref<40x64xi32, #tpu.memory_space<vmem>> -> memref<1x64xi32, #tpu.memory_space<vmem>>
        %dma_start3A_312 = tpu.memref_squeeze %dma_start3A_311 : memref<1x64xi32, #tpu.memory_space<vmem>> -> memref<64xi32, #tpu.memory_space<vmem>>
        %dma_start3A_313 = arith.constant 0 : i32
        %dma_start3A_314 = arith.constant 0 : i32
        %dma_start3A_315 = tpu.memref_slice %arg2[%dma_start3A_313, %dma_start3A_314] : memref<10240x128xf32, #tpu.memory_space<hbm>> -> memref<10240x128xf32, #tpu.memory_space<hbm>>
        tpu.enqueue_indirect_dma source(%dma_start3A_315 : memref<10240x128xf32, #tpu.memory_space<hbm>>) target(%arg11 : memref<64x128xf32, #tpu.memory_space<vmem>>) offsets(%dma_start3A_312 : memref<64xi32, #tpu.memory_space<vmem>>) semaphore(%arg16 : memref<!tpu.dma_semaphore, #tpu.memory_space<semaphore_mem>>)
      }
      %scan3A_91 = arith.constant 9 : i32
      %dma_wait3A = arith.constant 36 : i32
      %dma_wait3A_92 = arith.constant 0 : i32
      %dma_wait3A_93 = tpu.memref_slice %arg6[%dma_wait3A, %dma_wait3A_92] : memref<40x64xi32, #tpu.memory_space<vmem>> -> memref<1x64xi32, #tpu.memory_space<vmem>>
      %dma_wait3A_94 = tpu.memref_squeeze %dma_wait3A_93 : memref<1x64xi32, #tpu.memory_space<vmem>> -> memref<64xi32, #tpu.memory_space<vmem>>
      %dma_wait3A_95 = arith.constant 0 : i32
      %dma_wait3A_96 = arith.constant 0 : i32
      %dma_wait3A_97 = tpu.memref_slice %arg2[%dma_wait3A_95, %dma_wait3A_96] : memref<10240x128xf32, #tpu.memory_space<hbm>> -> memref<10240x128xf32, #tpu.memory_space<hbm>>
      tpu.wait_indirect_dma semaphore(%arg13 : memref<!tpu.dma_semaphore, #tpu.memory_space<semaphore_mem>>) src(%dma_wait3A_97 : memref<10240x128xf32, #tpu.memory_space<hbm>>) dst(%arg8 : memref<64x128xf32, #tpu.memory_space<vmem>>)
      %dma_start3A_98 = arith.constant 36 : i32
      %dma_start3A_99 = arith.constant 0 : i32
      %dma_start3A_100 = tpu.memref_slice %arg7[%dma_start3A_98, %dma_start3A_99] : memref<40x64xi32, #tpu.memory_space<vmem>> -> memref<1x64xi32, #tpu.memory_space<vmem>>
      %dma_start3A_101 = tpu.memref_squeeze %dma_start3A_100 : memref<1x64xi32, #tpu.memory_space<vmem>> -> memref<64xi32, #tpu.memory_space<vmem>>
      %dma_start3A_102 = arith.constant 0 : i32
      %dma_start3A_103 = arith.constant 0 : i32
      %dma_start3A_104 = tpu.memref_slice %arg12[%dma_start3A_102, %dma_start3A_103] : memref<10240x128xf32, #tpu.memory_space<vmem_shared>> -> memref<10240x128xf32, #tpu.memory_space<vmem_shared>>
      tpu.enqueue_indirect_dma source(%arg8 : memref<64x128xf32, #tpu.memory_space<vmem>>) target(%dma_start3A_104 : memref<10240x128xf32, #tpu.memory_space<vmem_shared>>) offsets(%dma_start3A_101 : memref<64xi32, #tpu.memory_space<vmem>>) semaphore(%arg17 : memref<!tpu.dma_semaphore, #tpu.memory_space<semaphore_mem>>) {add = true}
      %dma_wait3A_105 = arith.constant 37 : i32
      %dma_wait3A_106 = arith.constant 0 : i32
      %dma_wait3A_107 = tpu.memref_slice %arg6[%dma_wait3A_105, %dma_wait3A_106] : memref<40x64xi32, #tpu.memory_space<vmem>> -> memref<1x64xi32, #tpu.memory_space<vmem>>
      %dma_wait3A_108 = tpu.memref_squeeze %dma_wait3A_107 : memref<1x64xi32, #tpu.memory_space<vmem>> -> memref<64xi32, #tpu.memory_space<vmem>>
      %dma_wait3A_109 = arith.constant 0 : i32
      %dma_wait3A_110 = arith.constant 0 : i32
      %dma_wait3A_111 = tpu.memref_slice %arg2[%dma_wait3A_109, %dma_wait3A_110] : memref<10240x128xf32, #tpu.memory_space<hbm>> -> memref<10240x128xf32, #tpu.memory_space<hbm>>
      tpu.wait_indirect_dma semaphore(%arg14 : memref<!tpu.dma_semaphore, #tpu.memory_space<semaphore_mem>>) src(%dma_wait3A_111 : memref<10240x128xf32, #tpu.memory_space<hbm>>) dst(%arg9 : memref<64x128xf32, #tpu.memory_space<vmem>>)
      %dma_start3A_112 = arith.constant 37 : i32
      %dma_start3A_113 = arith.constant 0 : i32
      %dma_start3A_114 = tpu.memref_slice %arg7[%dma_start3A_112, %dma_start3A_113] : memref<40x64xi32, #tpu.memory_space<vmem>> -> memref<1x64xi32, #tpu.memory_space<vmem>>
      %dma_start3A_115 = tpu.memref_squeeze %dma_start3A_114 : memref<1x64xi32, #tpu.memory_space<vmem>> -> memref<64xi32, #tpu.memory_space<vmem>>
      %dma_start3A_116 = arith.constant 0 : i32
      %dma_start3A_117 = arith.constant 0 : i32
      %dma_start3A_118 = tpu.memref_slice %arg12[%dma_start3A_116, %dma_start3A_117] : memref<10240x128xf32, #tpu.memory_space<vmem_shared>> -> memref<10240x128xf32, #tpu.memory_space<vmem_shared>>
      tpu.enqueue_indirect_dma source(%arg9 : memref<64x128xf32, #tpu.memory_space<vmem>>) target(%dma_start3A_118 : memref<10240x128xf32, #tpu.memory_space<vmem_shared>>) offsets(%dma_start3A_115 : memref<64xi32, #tpu.memory_space<vmem>>) semaphore(%arg18 : memref<!tpu.dma_semaphore, #tpu.memory_space<semaphore_mem>>) {add = true}
      %dma_wait3A_119 = arith.constant 38 : i32
      %dma_wait3A_120 = arith.constant 0 : i32
      %dma_wait3A_121 = tpu.memref_slice %arg6[%dma_wait3A_119, %dma_wait3A_120] : memref<40x64xi32, #tpu.memory_space<vmem>> -> memref<1x64xi32, #tpu.memory_space<vmem>>
      %dma_wait3A_122 = tpu.memref_squeeze %dma_wait3A_121 : memref<1x64xi32, #tpu.memory_space<vmem>> -> memref<64xi32, #tpu.memory_space<vmem>>
      %dma_wait3A_123 = arith.constant 0 : i32
      %dma_wait3A_124 = arith.constant 0 : i32
      %dma_wait3A_125 = tpu.memref_slice %arg2[%dma_wait3A_123, %dma_wait3A_124] : memref<10240x128xf32, #tpu.memory_space<hbm>> -> memref<10240x128xf32, #tpu.memory_space<hbm>>
      tpu.wait_indirect_dma semaphore(%arg15 : memref<!tpu.dma_semaphore, #tpu.memory_space<semaphore_mem>>) src(%dma_wait3A_125 : memref<10240x128xf32, #tpu.memory_space<hbm>>) dst(%arg10 : memref<64x128xf32, #tpu.memory_space<vmem>>)
      %dma_start3A_126 = arith.constant 38 : i32
      %dma_start3A_127 = arith.constant 0 : i32
      %dma_start3A_128 = tpu.memref_slice %arg7[%dma_start3A_126, %dma_start3A_127] : memref<40x64xi32, #tpu.memory_space<vmem>> -> memref<1x64xi32, #tpu.memory_space<vmem>>
      %dma_start3A_129 = tpu.memref_squeeze %dma_start3A_128 : memref<1x64xi32, #tpu.memory_space<vmem>> -> memref<64xi32, #tpu.memory_space<vmem>>
      %dma_start3A_130 = arith.constant 0 : i32
      %dma_start3A_131 = arith.constant 0 : i32
      %dma_start3A_132 = tpu.memref_slice %arg12[%dma_start3A_130, %dma_start3A_131] : memref<10240x128xf32, #tpu.memory_space<vmem_shared>> -> memref<10240x128xf32, #tpu.memory_space<vmem_shared>>
      tpu.enqueue_indirect_dma source(%arg10 : memref<64x128xf32, #tpu.memory_space<vmem>>) target(%dma_start3A_132 : memref<10240x128xf32, #tpu.memory_space<vmem_shared>>) offsets(%dma_start3A_129 : memref<64xi32, #tpu.memory_space<vmem>>) semaphore(%arg19 : memref<!tpu.dma_semaphore, #tpu.memory_space<semaphore_mem>>) {add = true}
      %dma_wait3A_133 = arith.constant 39 : i32
      %dma_wait3A_134 = arith.constant 0 : i32
      %dma_wait3A_135 = tpu.memref_slice %arg6[%dma_wait3A_133, %dma_wait3A_134] : memref<40x64xi32, #tpu.memory_space<vmem>> -> memref<1x64xi32, #tpu.memory_space<vmem>>
      %dma_wait3A_136 = tpu.memref_squeeze %dma_wait3A_135 : memref<1x64xi32, #tpu.memory_space<vmem>> -> memref<64xi32, #tpu.memory_space<vmem>>
      %dma_wait3A_137 = arith.constant 0 : i32
      %dma_wait3A_138 = arith.constant 0 : i32
      %dma_wait3A_139 = tpu.memref_slice %arg2[%dma_wait3A_137, %dma_wait3A_138] : memref<10240x128xf32, #tpu.memory_space<hbm>> -> memref<10240x128xf32, #tpu.memory_space<hbm>>
      tpu.wait_indirect_dma semaphore(%arg16 : memref<!tpu.dma_semaphore, #tpu.memory_space<semaphore_mem>>) src(%dma_wait3A_139 : memref<10240x128xf32, #tpu.memory_space<hbm>>) dst(%arg11 : memref<64x128xf32, #tpu.memory_space<vmem>>)
      %dma_start3A_140 = arith.constant 39 : i32
      %dma_start3A_141 = arith.constant 0 : i32
      %dma_start3A_142 = tpu.memref_slice %arg7[%dma_start3A_140, %dma_start3A_141] : memref<40x64xi32, #tpu.memory_space<vmem>> -> memref<1x64xi32, #tpu.memory_space<vmem>>
      %dma_start3A_143 = tpu.memref_squeeze %dma_start3A_142 : memref<1x64xi32, #tpu.memory_space<vmem>> -> memref<64xi32, #tpu.memory_space<vmem>>
      %dma_start3A_144 = arith.constant 0 : i32
      %dma_start3A_145 = arith.constant 0 : i32
      %dma_start3A_146 = tpu.memref_slice %arg12[%dma_start3A_144, %dma_start3A_145] : memref<10240x128xf32, #tpu.memory_space<vmem_shared>> -> memref<10240x128xf32, #tpu.memory_space<vmem_shared>>
      tpu.enqueue_indirect_dma source(%arg11 : memref<64x128xf32, #tpu.memory_space<vmem>>) target(%dma_start3A_146 : memref<10240x128xf32, #tpu.memory_space<vmem_shared>>) offsets(%dma_start3A_143 : memref<64xi32, #tpu.memory_space<vmem>>) semaphore(%arg20 : memref<!tpu.dma_semaphore, #tpu.memory_space<semaphore_mem>>) {add = true}
      %dma_wait3A_147 = arith.constant 36 : i32
      %dma_wait3A_148 = arith.constant 0 : i32
      %dma_wait3A_149 = tpu.memref_slice %arg7[%dma_wait3A_147, %dma_wait3A_148] : memref<40x64xi32, #tpu.memory_space<vmem>> -> memref<1x64xi32, #tpu.memory_space<vmem>>
      %dma_wait3A_150 = tpu.memref_squeeze %dma_wait3A_149 : memref<1x64xi32, #tpu.memory_space<vmem>> -> memref<64xi32, #tpu.memory_space<vmem>>
      %dma_wait3A_151 = arith.constant 0 : i32
      %dma_wait3A_152 = arith.constant 0 : i32
      %dma_wait3A_153 = tpu.memref_slice %arg12[%dma_wait3A_151, %dma_wait3A_152] : memref<10240x128xf32, #tpu.memory_space<vmem_shared>> -> memref<10240x128xf32, #tpu.memory_space<vmem_shared>>
      tpu.wait_indirect_dma semaphore(%arg17 : memref<!tpu.dma_semaphore, #tpu.memory_space<semaphore_mem>>) src(%arg8 : memref<64x128xf32, #tpu.memory_space<vmem>>) dst(%dma_wait3A_153 : memref<10240x128xf32, #tpu.memory_space<vmem_shared>>)
      %dma_wait3A_154 = arith.constant 37 : i32
      %dma_wait3A_155 = arith.constant 0 : i32
      %dma_wait3A_156 = tpu.memref_slice %arg7[%dma_wait3A_154, %dma_wait3A_155] : memref<40x64xi32, #tpu.memory_space<vmem>> -> memref<1x64xi32, #tpu.memory_space<vmem>>
      %dma_wait3A_157 = tpu.memref_squeeze %dma_wait3A_156 : memref<1x64xi32, #tpu.memory_space<vmem>> -> memref<64xi32, #tpu.memory_space<vmem>>
      %dma_wait3A_158 = arith.constant 0 : i32
      %dma_wait3A_159 = arith.constant 0 : i32
      %dma_wait3A_160 = tpu.memref_slice %arg12[%dma_wait3A_158, %dma_wait3A_159] : memref<10240x128xf32, #tpu.memory_space<vmem_shared>> -> memref<10240x128xf32, #tpu.memory_space<vmem_shared>>
      tpu.wait_indirect_dma semaphore(%arg18 : memref<!tpu.dma_semaphore, #tpu.memory_space<semaphore_mem>>) src(%arg9 : memref<64x128xf32, #tpu.memory_space<vmem>>) dst(%dma_wait3A_160 : memref<10240x128xf32, #tpu.memory_space<vmem_shared>>)
      %dma_wait3A_161 = arith.constant 38 : i32
      %dma_wait3A_162 = arith.constant 0 : i32
      %dma_wait3A_163 = tpu.memref_slice %arg7[%dma_wait3A_161, %dma_wait3A_162] : memref<40x64xi32, #tpu.memory_space<vmem>> -> memref<1x64xi32, #tpu.memory_space<vmem>>
      %dma_wait3A_164 = tpu.memref_squeeze %dma_wait3A_163 : memref<1x64xi32, #tpu.memory_space<vmem>> -> memref<64xi32, #tpu.memory_space<vmem>>
      %dma_wait3A_165 = arith.constant 0 : i32
      %dma_wait3A_166 = arith.constant 0 : i32
      %dma_wait3A_167 = tpu.memref_slice %arg12[%dma_wait3A_165, %dma_wait3A_166] : memref<10240x128xf32, #tpu.memory_space<vmem_shared>> -> memref<10240x128xf32, #tpu.memory_space<vmem_shared>>
      tpu.wait_indirect_dma semaphore(%arg19 : memref<!tpu.dma_semaphore, #tpu.memory_space<semaphore_mem>>) src(%arg10 : memref<64x128xf32, #tpu.memory_space<vmem>>) dst(%dma_wait3A_167 : memref<10240x128xf32, #tpu.memory_space<vmem_shared>>)
      %dma_wait3A_168 = arith.constant 39 : i32
      %dma_wait3A_169 = arith.constant 0 : i32
      %dma_wait3A_170 = tpu.memref_slice %arg7[%dma_wait3A_168, %dma_wait3A_169] : memref<40x64xi32, #tpu.memory_space<vmem>> -> memref<1x64xi32, #tpu.memory_space<vmem>>
      %dma_wait3A_171 = tpu.memref_squeeze %dma_wait3A_170 : memref<1x64xi32, #tpu.memory_space<vmem>> -> memref<64xi32, #tpu.memory_space<vmem>>
      %dma_wait3A_172 = arith.constant 0 : i32
      %dma_wait3A_173 = arith.constant 0 : i32
      %dma_wait3A_174 = tpu.memref_slice %arg12[%dma_wait3A_172, %dma_wait3A_173] : memref<10240x128xf32, #tpu.memory_space<vmem_shared>> -> memref<10240x128xf32, #tpu.memory_space<vmem_shared>>
      tpu.wait_indirect_dma semaphore(%arg20 : memref<!tpu.dma_semaphore, #tpu.memory_space<semaphore_mem>>) src(%arg11 : memref<64x128xf32, #tpu.memory_space<vmem>>) dst(%dma_wait3A_174 : memref<10240x128xf32, #tpu.memory_space<vmem_shared>>)
    }
    %while3A_48 = arith.constant 1 : i32
    scf.for %while3A_54 = %while3A_46 to %while3A_42 step %while3A_48  : i32 {
      %mul3A_55 = arith.muli %while3A_54, %while3A : i32
      %add3A_56 = arith.addi %while3A_39, %mul3A_55 : i32
      %mul3A_57 = arith.constant 40 : i32
      %mul3A_58 = arith.muli %add3A_56, %mul3A_57 : i32
      %add3A_59 = arith.addi %add3A, %mul3A_58 : i32
      %multiple_of3A = tpu.assume_multiple %add3A_59, 40 : i32
      "tpu.region"() ({
        %run_scoped3A = tpu.sem_alloc : memref<!tpu.dma_semaphore, #tpu.memory_space<semaphore_mem>>
        %dma_start3A_175 = arith.constant 0 : i32
        %dma_start3A_176 = tpu.memref_slice %arg3[%multiple_of3A, %dma_start3A_175] : memref<5120x64xi32, #tpu.memory_space<hbm>> -> memref<40x64xi32, #tpu.memory_space<hbm>>
        %dma_start3A_177 = arith.constant 0 : i32
        %dma_start3A_178 = tpu.memref_slice %arg3[%multiple_of3A, %dma_start3A_177] : memref<5120x64xi32, #tpu.memory_space<hbm>> -> memref<40x64xi32, #tpu.memory_space<hbm>>
        tpu.enqueue_dma source(%dma_start3A_178 : memref<40x64xi32, #tpu.memory_space<hbm>>) target(%arg6 : memref<40x64xi32, #tpu.memory_space<vmem>>) target_semaphore(%run_scoped3A : memref<!tpu.dma_semaphore, #tpu.memory_space<semaphore_mem>>)
        %dma_wait3A_179 = arith.constant 0 : i32
        %dma_wait3A_180 = tpu.memref_slice %arg3[%multiple_of3A, %dma_wait3A_179] : memref<5120x64xi32, #tpu.memory_space<hbm>> -> memref<40x64xi32, #tpu.memory_space<hbm>>
        %dma_wait3A_181 = arith.constant 0 : i32
        %dma_wait3A_182 = tpu.memref_slice %arg3[%multiple_of3A, %dma_wait3A_181] : memref<5120x64xi32, #tpu.memory_space<hbm>> -> memref<40x64xi32, #tpu.memory_space<hbm>>
        tpu.wait_dma2 semaphore(%run_scoped3A : memref<!tpu.dma_semaphore, #tpu.memory_space<semaphore_mem>>) src(%dma_wait3A_182 : memref<40x64xi32, #tpu.memory_space<hbm>>) dst(%arg6 : memref<40x64xi32, #tpu.memory_space<vmem>>)
        tpu.yield
      }) : () -> ()
      "tpu.region"() ({
        %run_scoped3A = tpu.sem_alloc : memref<!tpu.dma_semaphore, #tpu.memory_space<semaphore_mem>>
        %dma_start3A_175 = arith.constant 0 : i32
        %dma_start3A_176 = tpu.memref_slice %arg4[%multiple_of3A, %dma_start3A_175] : memref<5120x64xi32, #tpu.memory_space<hbm>> -> memref<40x64xi32, #tpu.memory_space<hbm>>
        %dma_start3A_177 = arith.constant 0 : i32
        %dma_start3A_178 = tpu.memref_slice %arg4[%multiple_of3A, %dma_start3A_177] : memref<5120x64xi32, #tpu.memory_space<hbm>> -> memref<40x64xi32, #tpu.memory_space<hbm>>
        tpu.enqueue_dma source(%dma_start3A_178 : memref<40x64xi32, #tpu.memory_space<hbm>>) target(%arg7 : memref<40x64xi32, #tpu.memory_space<vmem>>) target_semaphore(%run_scoped3A : memref<!tpu.dma_semaphore, #tpu.memory_space<semaphore_mem>>)
        %dma_wait3A_179 = arith.constant 0 : i32
        %dma_wait3A_180 = tpu.memref_slice %arg4[%multiple_of3A, %dma_wait3A_179] : memref<5120x64xi32, #tpu.memory_space<hbm>> -> memref<40x64xi32, #tpu.memory_space<hbm>>
        %dma_wait3A_181 = arith.constant 0 : i32
        %dma_wait3A_182 = tpu.memref_slice %arg4[%multiple_of3A, %dma_wait3A_181] : memref<5120x64xi32, #tpu.memory_space<hbm>> -> memref<40x64xi32, #tpu.memory_space<hbm>>
        tpu.wait_dma2 semaphore(%run_scoped3A : memref<!tpu.dma_semaphore, #tpu.memory_space<semaphore_mem>>) src(%dma_wait3A_182 : memref<40x64xi32, #tpu.memory_space<hbm>>) dst(%arg7 : memref<40x64xi32, #tpu.memory_space<vmem>>)
        tpu.yield
      }) : () -> ()
      %dma_start3A = arith.constant 0 : i32
      %dma_start3A_60 = arith.constant 0 : i32
      %dma_start3A_61 = tpu.memref_slice %arg6[%dma_start3A, %dma_start3A_60] : memref<40x64xi32, #tpu.memory_space<vmem>> -> memref<1x64xi32, #tpu.memory_space<vmem>>
      %dma_start3A_62 = tpu.memref_squeeze %dma_start3A_61 : memref<1x64xi32, #tpu.memory_space<vmem>> -> memref<64xi32, #tpu.memory_space<vmem>>
      %dma_start3A_63 = arith.constant 0 : i32
      %dma_start3A_64 = arith.constant 0 : i32
      %dma_start3A_65 = tpu.memref_slice %arg2[%dma_start3A_63, %dma_start3A_64] : memref<10240x128xf32, #tpu.memory_space<hbm>> -> memref<10240x128xf32, #tpu.memory_space<hbm>>
      tpu.enqueue_indirect_dma source(%dma_start3A_65 : memref<10240x128xf32, #tpu.memory_space<hbm>>) target(%arg8 : memref<64x128xf32, #tpu.memory_space<vmem>>) offsets(%dma_start3A_62 : memref<64xi32, #tpu.memory_space<vmem>>) semaphore(%arg13 : memref<!tpu.dma_semaphore, #tpu.memory_space<semaphore_mem>>)
      %dma_start3A_66 = arith.constant 1 : i32
      %dma_start3A_67 = arith.constant 0 : i32
      %dma_start3A_68 = tpu.memref_slice %arg6[%dma_start3A_66, %dma_start3A_67] : memref<40x64xi32, #tpu.memory_space<vmem>> -> memref<1x64xi32, #tpu.memory_space<vmem>>
      %dma_start3A_69 = tpu.memref_squeeze %dma_start3A_68 : memref<1x64xi32, #tpu.memory_space<vmem>> -> memref<64xi32, #tpu.memory_space<vmem>>
      %dma_start3A_70 = arith.constant 0 : i32
      %dma_start3A_71 = arith.constant 0 : i32
      %dma_start3A_72 = tpu.memref_slice %arg2[%dma_start3A_70, %dma_start3A_71] : memref<10240x128xf32, #tpu.memory_space<hbm>> -> memref<10240x128xf32, #tpu.memory_space<hbm>>
      tpu.enqueue_indirect_dma source(%dma_start3A_72 : memref<10240x128xf32, #tpu.memory_space<hbm>>) target(%arg9 : memref<64x128xf32, #tpu.memory_space<vmem>>) offsets(%dma_start3A_69 : memref<64xi32, #tpu.memory_space<vmem>>) semaphore(%arg14 : memref<!tpu.dma_semaphore, #tpu.memory_space<semaphore_mem>>)
      %dma_start3A_73 = arith.constant 2 : i32
      %dma_start3A_74 = arith.constant 0 : i32
      %dma_start3A_75 = tpu.memref_slice %arg6[%dma_start3A_73, %dma_start3A_74] : memref<40x64xi32, #tpu.memory_space<vmem>> -> memref<1x64xi32, #tpu.memory_space<vmem>>
      %dma_start3A_76 = tpu.memref_squeeze %dma_start3A_75 : memref<1x64xi32, #tpu.memory_space<vmem>> -> memref<64xi32, #tpu.memory_space<vmem>>
      %dma_start3A_77 = arith.constant 0 : i32
      %dma_start3A_78 = arith.constant 0 : i32
      %dma_start3A_79 = tpu.memref_slice %arg2[%dma_start3A_77, %dma_start3A_78] : memref<10240x128xf32, #tpu.memory_space<hbm>> -> memref<10240x128xf32, #tpu.memory_space<hbm>>
      tpu.enqueue_indirect_dma source(%dma_start3A_79 : memref<10240x128xf32, #tpu.memory_space<hbm>>) target(%arg10 : memref<64x128xf32, #tpu.memory_space<vmem>>) offsets(%dma_start3A_76 : memref<64xi32, #tpu.memory_space<vmem>>) semaphore(%arg15 : memref<!tpu.dma_semaphore, #tpu.memory_space<semaphore_mem>>)
      %dma_start3A_80 = arith.constant 3 : i32
      %dma_start3A_81 = arith.constant 0 : i32
      %dma_start3A_82 = tpu.memref_slice %arg6[%dma_start3A_80, %dma_start3A_81] : memref<40x64xi32, #tpu.memory_space<vmem>> -> memref<1x64xi32, #tpu.memory_space<vmem>>
      %dma_start3A_83 = tpu.memref_squeeze %dma_start3A_82 : memref<1x64xi32, #tpu.memory_space<vmem>> -> memref<64xi32, #tpu.memory_space<vmem>>
      %dma_start3A_84 = arith.constant 0 : i32
      %dma_start3A_85 = arith.constant 0 : i32
      %dma_start3A_86 = tpu.memref_slice %arg2[%dma_start3A_84, %dma_start3A_85] : memref<10240x128xf32, #tpu.memory_space<hbm>> -> memref<10240x128xf32, #tpu.memory_space<hbm>>
      tpu.enqueue_indirect_dma source(%dma_start3A_86 : memref<10240x128xf32, #tpu.memory_space<hbm>>) target(%arg11 : memref<64x128xf32, #tpu.memory_space<vmem>>) offsets(%dma_start3A_83 : memref<64xi32, #tpu.memory_space<vmem>>) semaphore(%arg16 : memref<!tpu.dma_semaphore, #tpu.memory_space<semaphore_mem>>)
      %scan3A_87 = arith.constant 0 : i32
      %scan3A_88 = arith.constant 9 : i32
      %scan3A_89 = arith.addi %scan3A_87, %scan3A_88 : i32
      %scan3A_90 = arith.constant 1 : i32
      scf.for %scan3A_175 = %scan3A_87 to %scan3A_89 step %scan3A_90  : i32 {
        %mul3A_176 = arith.constant 4 : i32
        %mul3A_177 = arith.muli %scan3A_175, %mul3A_176 : i32
        %add3A_178 = arith.constant 0 : i32
        %add3A_179 = arith.addi %add3A_178, %mul3A_177 : i32
        %add3A_180 = arith.constant 0 : i32
        %add3A_181 = arith.addi %add3A_179, %add3A_180 : i32
        %dma_wait3A_182 = arith.constant 0 : i32
        %dma_wait3A_183 = tpu.memref_slice %arg6[%add3A_181, %dma_wait3A_182] : memref<40x64xi32, #tpu.memory_space<vmem>> -> memref<1x64xi32, #tpu.memory_space<vmem>>
        %dma_wait3A_184 = tpu.memref_squeeze %dma_wait3A_183 : memref<1x64xi32, #tpu.memory_space<vmem>> -> memref<64xi32, #tpu.memory_space<vmem>>
        %dma_wait3A_185 = arith.constant 0 : i32
        %dma_wait3A_186 = arith.constant 0 : i32
        %dma_wait3A_187 = tpu.memref_slice %arg2[%dma_wait3A_185, %dma_wait3A_186] : memref<10240x128xf32, #tpu.memory_space<hbm>> -> memref<10240x128xf32, #tpu.memory_space<hbm>>
        tpu.wait_indirect_dma semaphore(%arg13 : memref<!tpu.dma_semaphore, #tpu.memory_space<semaphore_mem>>) src(%dma_wait3A_187 : memref<10240x128xf32, #tpu.memory_space<hbm>>) dst(%arg8 : memref<64x128xf32, #tpu.memory_space<vmem>>)
        %add3A_188 = arith.constant 0 : i32
        %add3A_189 = arith.addi %add3A_179, %add3A_188 : i32
        %dma_start3A_190 = arith.constant 0 : i32
        %dma_start3A_191 = tpu.memref_slice %arg7[%add3A_189, %dma_start3A_190] : memref<40x64xi32, #tpu.memory_space<vmem>> -> memref<1x64xi32, #tpu.memory_space<vmem>>
        %dma_start3A_192 = tpu.memref_squeeze %dma_start3A_191 : memref<1x64xi32, #tpu.memory_space<vmem>> -> memref<64xi32, #tpu.memory_space<vmem>>
        %dma_start3A_193 = arith.constant 0 : i32
        %dma_start3A_194 = arith.constant 0 : i32
        %dma_start3A_195 = tpu.memref_slice %arg12[%dma_start3A_193, %dma_start3A_194] : memref<10240x128xf32, #tpu.memory_space<vmem_shared>> -> memref<10240x128xf32, #tpu.memory_space<vmem_shared>>
        tpu.enqueue_indirect_dma source(%arg8 : memref<64x128xf32, #tpu.memory_space<vmem>>) target(%dma_start3A_195 : memref<10240x128xf32, #tpu.memory_space<vmem_shared>>) offsets(%dma_start3A_192 : memref<64xi32, #tpu.memory_space<vmem>>) semaphore(%arg17 : memref<!tpu.dma_semaphore, #tpu.memory_space<semaphore_mem>>) {add = true}
        %add3A_196 = arith.constant 1 : i32
        %add3A_197 = arith.addi %add3A_179, %add3A_196 : i32
        %dma_wait3A_198 = arith.constant 0 : i32
        %dma_wait3A_199 = tpu.memref_slice %arg6[%add3A_197, %dma_wait3A_198] : memref<40x64xi32, #tpu.memory_space<vmem>> -> memref<1x64xi32, #tpu.memory_space<vmem>>
        %dma_wait3A_200 = tpu.memref_squeeze %dma_wait3A_199 : memref<1x64xi32, #tpu.memory_space<vmem>> -> memref<64xi32, #tpu.memory_space<vmem>>
        %dma_wait3A_201 = arith.constant 0 : i32
        %dma_wait3A_202 = arith.constant 0 : i32
        %dma_wait3A_203 = tpu.memref_slice %arg2[%dma_wait3A_201, %dma_wait3A_202] : memref<10240x128xf32, #tpu.memory_space<hbm>> -> memref<10240x128xf32, #tpu.memory_space<hbm>>
        tpu.wait_indirect_dma semaphore(%arg14 : memref<!tpu.dma_semaphore, #tpu.memory_space<semaphore_mem>>) src(%dma_wait3A_203 : memref<10240x128xf32, #tpu.memory_space<hbm>>) dst(%arg9 : memref<64x128xf32, #tpu.memory_space<vmem>>)
        %add3A_204 = arith.constant 1 : i32
        %add3A_205 = arith.addi %add3A_179, %add3A_204 : i32
        %dma_start3A_206 = arith.constant 0 : i32
        %dma_start3A_207 = tpu.memref_slice %arg7[%add3A_205, %dma_start3A_206] : memref<40x64xi32, #tpu.memory_space<vmem>> -> memref<1x64xi32, #tpu.memory_space<vmem>>
        %dma_start3A_208 = tpu.memref_squeeze %dma_start3A_207 : memref<1x64xi32, #tpu.memory_space<vmem>> -> memref<64xi32, #tpu.memory_space<vmem>>
        %dma_start3A_209 = arith.constant 0 : i32
        %dma_start3A_210 = arith.constant 0 : i32
        %dma_start3A_211 = tpu.memref_slice %arg12[%dma_start3A_209, %dma_start3A_210] : memref<10240x128xf32, #tpu.memory_space<vmem_shared>> -> memref<10240x128xf32, #tpu.memory_space<vmem_shared>>
        tpu.enqueue_indirect_dma source(%arg9 : memref<64x128xf32, #tpu.memory_space<vmem>>) target(%dma_start3A_211 : memref<10240x128xf32, #tpu.memory_space<vmem_shared>>) offsets(%dma_start3A_208 : memref<64xi32, #tpu.memory_space<vmem>>) semaphore(%arg18 : memref<!tpu.dma_semaphore, #tpu.memory_space<semaphore_mem>>) {add = true}
        %add3A_212 = arith.constant 2 : i32
        %add3A_213 = arith.addi %add3A_179, %add3A_212 : i32
        %dma_wait3A_214 = arith.constant 0 : i32
        %dma_wait3A_215 = tpu.memref_slice %arg6[%add3A_213, %dma_wait3A_214] : memref<40x64xi32, #tpu.memory_space<vmem>> -> memref<1x64xi32, #tpu.memory_space<vmem>>
        %dma_wait3A_216 = tpu.memref_squeeze %dma_wait3A_215 : memref<1x64xi32, #tpu.memory_space<vmem>> -> memref<64xi32, #tpu.memory_space<vmem>>
        %dma_wait3A_217 = arith.constant 0 : i32
        %dma_wait3A_218 = arith.constant 0 : i32
        %dma_wait3A_219 = tpu.memref_slice %arg2[%dma_wait3A_217, %dma_wait3A_218] : memref<10240x128xf32, #tpu.memory_space<hbm>> -> memref<10240x128xf32, #tpu.memory_space<hbm>>
        tpu.wait_indirect_dma semaphore(%arg15 : memref<!tpu.dma_semaphore, #tpu.memory_space<semaphore_mem>>) src(%dma_wait3A_219 : memref<10240x128xf32, #tpu.memory_space<hbm>>) dst(%arg10 : memref<64x128xf32, #tpu.memory_space<vmem>>)
        %add3A_220 = arith.constant 2 : i32
        %add3A_221 = arith.addi %add3A_179, %add3A_220 : i32
        %dma_start3A_222 = arith.constant 0 : i32
        %dma_start3A_223 = tpu.memref_slice %arg7[%add3A_221, %dma_start3A_222] : memref<40x64xi32, #tpu.memory_space<vmem>> -> memref<1x64xi32, #tpu.memory_space<vmem>>
        %dma_start3A_224 = tpu.memref_squeeze %dma_start3A_223 : memref<1x64xi32, #tpu.memory_space<vmem>> -> memref<64xi32, #tpu.memory_space<vmem>>
        %dma_start3A_225 = arith.constant 0 : i32
        %dma_start3A_226 = arith.constant 0 : i32
        %dma_start3A_227 = tpu.memref_slice %arg12[%dma_start3A_225, %dma_start3A_226] : memref<10240x128xf32, #tpu.memory_space<vmem_shared>> -> memref<10240x128xf32, #tpu.memory_space<vmem_shared>>
        tpu.enqueue_indirect_dma source(%arg10 : memref<64x128xf32, #tpu.memory_space<vmem>>) target(%dma_start3A_227 : memref<10240x128xf32, #tpu.memory_space<vmem_shared>>) offsets(%dma_start3A_224 : memref<64xi32, #tpu.memory_space<vmem>>) semaphore(%arg19 : memref<!tpu.dma_semaphore, #tpu.memory_space<semaphore_mem>>) {add = true}
        %add3A_228 = arith.constant 3 : i32
        %add3A_229 = arith.addi %add3A_179, %add3A_228 : i32
        %dma_wait3A_230 = arith.constant 0 : i32
        %dma_wait3A_231 = tpu.memref_slice %arg6[%add3A_229, %dma_wait3A_230] : memref<40x64xi32, #tpu.memory_space<vmem>> -> memref<1x64xi32, #tpu.memory_space<vmem>>
        %dma_wait3A_232 = tpu.memref_squeeze %dma_wait3A_231 : memref<1x64xi32, #tpu.memory_space<vmem>> -> memref<64xi32, #tpu.memory_space<vmem>>
        %dma_wait3A_233 = arith.constant 0 : i32
        %dma_wait3A_234 = arith.constant 0 : i32
        %dma_wait3A_235 = tpu.memref_slice %arg2[%dma_wait3A_233, %dma_wait3A_234] : memref<10240x128xf32, #tpu.memory_space<hbm>> -> memref<10240x128xf32, #tpu.memory_space<hbm>>
        tpu.wait_indirect_dma semaphore(%arg16 : memref<!tpu.dma_semaphore, #tpu.memory_space<semaphore_mem>>) src(%dma_wait3A_235 : memref<10240x128xf32, #tpu.memory_space<hbm>>) dst(%arg11 : memref<64x128xf32, #tpu.memory_space<vmem>>)
        %add3A_236 = arith.constant 3 : i32
        %add3A_237 = arith.addi %add3A_179, %add3A_236 : i32
        %dma_start3A_238 = arith.constant 0 : i32
        %dma_start3A_239 = tpu.memref_slice %arg7[%add3A_237, %dma_start3A_238] : memref<40x64xi32, #tpu.memory_space<vmem>> -> memref<1x64xi32, #tpu.memory_space<vmem>>
        %dma_start3A_240 = tpu.memref_squeeze %dma_start3A_239 : memref<1x64xi32, #tpu.memory_space<vmem>> -> memref<64xi32, #tpu.memory_space<vmem>>
        %dma_start3A_241 = arith.constant 0 : i32
        %dma_start3A_242 = arith.constant 0 : i32
        %dma_start3A_243 = tpu.memref_slice %arg12[%dma_start3A_241, %dma_start3A_242] : memref<10240x128xf32, #tpu.memory_space<vmem_shared>> -> memref<10240x128xf32, #tpu.memory_space<vmem_shared>>
        tpu.enqueue_indirect_dma source(%arg11 : memref<64x128xf32, #tpu.memory_space<vmem>>) target(%dma_start3A_243 : memref<10240x128xf32, #tpu.memory_space<vmem_shared>>) offsets(%dma_start3A_240 : memref<64xi32, #tpu.memory_space<vmem>>) semaphore(%arg20 : memref<!tpu.dma_semaphore, #tpu.memory_space<semaphore_mem>>) {add = true}
        %add3A_244 = arith.constant 0 : i32
        %add3A_245 = arith.addi %add3A_179, %add3A_244 : i32
        %dma_wait3A_246 = arith.constant 0 : i32
        %dma_wait3A_247 = tpu.memref_slice %arg7[%add3A_245, %dma_wait3A_246] : memref<40x64xi32, #tpu.memory_space<vmem>> -> memref<1x64xi32, #tpu.memory_space<vmem>>
        %dma_wait3A_248 = tpu.memref_squeeze %dma_wait3A_247 : memref<1x64xi32, #tpu.memory_space<vmem>> -> memref<64xi32, #tpu.memory_space<vmem>>
        %dma_wait3A_249 = arith.constant 0 : i32
        %dma_wait3A_250 = arith.constant 0 : i32
        %dma_wait3A_251 = tpu.memref_slice %arg12[%dma_wait3A_249, %dma_wait3A_250] : memref<10240x128xf32, #tpu.memory_space<vmem_shared>> -> memref<10240x128xf32, #tpu.memory_space<vmem_shared>>
        tpu.wait_indirect_dma semaphore(%arg17 : memref<!tpu.dma_semaphore, #tpu.memory_space<semaphore_mem>>) src(%arg8 : memref<64x128xf32, #tpu.memory_space<vmem>>) dst(%dma_wait3A_251 : memref<10240x128xf32, #tpu.memory_space<vmem_shared>>)
        %add3A_252 = arith.constant 4 : i32
        %add3A_253 = arith.addi %add3A_179, %add3A_252 : i32
        %add3A_254 = arith.constant 0 : i32
        %add3A_255 = arith.addi %add3A_253, %add3A_254 : i32
        %dma_start3A_256 = arith.constant 0 : i32
        %dma_start3A_257 = tpu.memref_slice %arg6[%add3A_255, %dma_start3A_256] : memref<40x64xi32, #tpu.memory_space<vmem>> -> memref<1x64xi32, #tpu.memory_space<vmem>>
        %dma_start3A_258 = tpu.memref_squeeze %dma_start3A_257 : memref<1x64xi32, #tpu.memory_space<vmem>> -> memref<64xi32, #tpu.memory_space<vmem>>
        %dma_start3A_259 = arith.constant 0 : i32
        %dma_start3A_260 = arith.constant 0 : i32
        %dma_start3A_261 = tpu.memref_slice %arg2[%dma_start3A_259, %dma_start3A_260] : memref<10240x128xf32, #tpu.memory_space<hbm>> -> memref<10240x128xf32, #tpu.memory_space<hbm>>
        tpu.enqueue_indirect_dma source(%dma_start3A_261 : memref<10240x128xf32, #tpu.memory_space<hbm>>) target(%arg8 : memref<64x128xf32, #tpu.memory_space<vmem>>) offsets(%dma_start3A_258 : memref<64xi32, #tpu.memory_space<vmem>>) semaphore(%arg13 : memref<!tpu.dma_semaphore, #tpu.memory_space<semaphore_mem>>)
        %add3A_262 = arith.constant 1 : i32
        %add3A_263 = arith.addi %add3A_179, %add3A_262 : i32
        %dma_wait3A_264 = arith.constant 0 : i32
        %dma_wait3A_265 = tpu.memref_slice %arg7[%add3A_263, %dma_wait3A_264] : memref<40x64xi32, #tpu.memory_space<vmem>> -> memref<1x64xi32, #tpu.memory_space<vmem>>
        %dma_wait3A_266 = tpu.memref_squeeze %dma_wait3A_265 : memref<1x64xi32, #tpu.memory_space<vmem>> -> memref<64xi32, #tpu.memory_space<vmem>>
        %dma_wait3A_267 = arith.constant 0 : i32
        %dma_wait3A_268 = arith.constant 0 : i32
        %dma_wait3A_269 = tpu.memref_slice %arg12[%dma_wait3A_267, %dma_wait3A_268] : memref<10240x128xf32, #tpu.memory_space<vmem_shared>> -> memref<10240x128xf32, #tpu.memory_space<vmem_shared>>
        tpu.wait_indirect_dma semaphore(%arg18 : memref<!tpu.dma_semaphore, #tpu.memory_space<semaphore_mem>>) src(%arg9 : memref<64x128xf32, #tpu.memory_space<vmem>>) dst(%dma_wait3A_269 : memref<10240x128xf32, #tpu.memory_space<vmem_shared>>)
        %add3A_270 = arith.constant 4 : i32
        %add3A_271 = arith.addi %add3A_179, %add3A_270 : i32
        %add3A_272 = arith.constant 1 : i32
        %add3A_273 = arith.addi %add3A_271, %add3A_272 : i32
        %dma_start3A_274 = arith.constant 0 : i32
        %dma_start3A_275 = tpu.memref_slice %arg6[%add3A_273, %dma_start3A_274] : memref<40x64xi32, #tpu.memory_space<vmem>> -> memref<1x64xi32, #tpu.memory_space<vmem>>
        %dma_start3A_276 = tpu.memref_squeeze %dma_start3A_275 : memref<1x64xi32, #tpu.memory_space<vmem>> -> memref<64xi32, #tpu.memory_space<vmem>>
        %dma_start3A_277 = arith.constant 0 : i32
        %dma_start3A_278 = arith.constant 0 : i32
        %dma_start3A_279 = tpu.memref_slice %arg2[%dma_start3A_277, %dma_start3A_278] : memref<10240x128xf32, #tpu.memory_space<hbm>> -> memref<10240x128xf32, #tpu.memory_space<hbm>>
        tpu.enqueue_indirect_dma source(%dma_start3A_279 : memref<10240x128xf32, #tpu.memory_space<hbm>>) target(%arg9 : memref<64x128xf32, #tpu.memory_space<vmem>>) offsets(%dma_start3A_276 : memref<64xi32, #tpu.memory_space<vmem>>) semaphore(%arg14 : memref<!tpu.dma_semaphore, #tpu.memory_space<semaphore_mem>>)
        %add3A_280 = arith.constant 2 : i32
        %add3A_281 = arith.addi %add3A_179, %add3A_280 : i32
        %dma_wait3A_282 = arith.constant 0 : i32
        %dma_wait3A_283 = tpu.memref_slice %arg7[%add3A_281, %dma_wait3A_282] : memref<40x64xi32, #tpu.memory_space<vmem>> -> memref<1x64xi32, #tpu.memory_space<vmem>>
        %dma_wait3A_284 = tpu.memref_squeeze %dma_wait3A_283 : memref<1x64xi32, #tpu.memory_space<vmem>> -> memref<64xi32, #tpu.memory_space<vmem>>
        %dma_wait3A_285 = arith.constant 0 : i32
        %dma_wait3A_286 = arith.constant 0 : i32
        %dma_wait3A_287 = tpu.memref_slice %arg12[%dma_wait3A_285, %dma_wait3A_286] : memref<10240x128xf32, #tpu.memory_space<vmem_shared>> -> memref<10240x128xf32, #tpu.memory_space<vmem_shared>>
        tpu.wait_indirect_dma semaphore(%arg19 : memref<!tpu.dma_semaphore, #tpu.memory_space<semaphore_mem>>) src(%arg10 : memref<64x128xf32, #tpu.memory_space<vmem>>) dst(%dma_wait3A_287 : memref<10240x128xf32, #tpu.memory_space<vmem_shared>>)
        %add3A_288 = arith.constant 4 : i32
        %add3A_289 = arith.addi %add3A_179, %add3A_288 : i32
        %add3A_290 = arith.constant 2 : i32
        %add3A_291 = arith.addi %add3A_289, %add3A_290 : i32
        %dma_start3A_292 = arith.constant 0 : i32
        %dma_start3A_293 = tpu.memref_slice %arg6[%add3A_291, %dma_start3A_292] : memref<40x64xi32, #tpu.memory_space<vmem>> -> memref<1x64xi32, #tpu.memory_space<vmem>>
        %dma_start3A_294 = tpu.memref_squeeze %dma_start3A_293 : memref<1x64xi32, #tpu.memory_space<vmem>> -> memref<64xi32, #tpu.memory_space<vmem>>
        %dma_start3A_295 = arith.constant 0 : i32
        %dma_start3A_296 = arith.constant 0 : i32
        %dma_start3A_297 = tpu.memref_slice %arg2[%dma_start3A_295, %dma_start3A_296] : memref<10240x128xf32, #tpu.memory_space<hbm>> -> memref<10240x128xf32, #tpu.memory_space<hbm>>
        tpu.enqueue_indirect_dma source(%dma_start3A_297 : memref<10240x128xf32, #tpu.memory_space<hbm>>) target(%arg10 : memref<64x128xf32, #tpu.memory_space<vmem>>) offsets(%dma_start3A_294 : memref<64xi32, #tpu.memory_space<vmem>>) semaphore(%arg15 : memref<!tpu.dma_semaphore, #tpu.memory_space<semaphore_mem>>)
        %add3A_298 = arith.constant 3 : i32
        %add3A_299 = arith.addi %add3A_179, %add3A_298 : i32
        %dma_wait3A_300 = arith.constant 0 : i32
        %dma_wait3A_301 = tpu.memref_slice %arg7[%add3A_299, %dma_wait3A_300] : memref<40x64xi32, #tpu.memory_space<vmem>> -> memref<1x64xi32, #tpu.memory_space<vmem>>
        %dma_wait3A_302 = tpu.memref_squeeze %dma_wait3A_301 : memref<1x64xi32, #tpu.memory_space<vmem>> -> memref<64xi32, #tpu.memory_space<vmem>>
        %dma_wait3A_303 = arith.constant 0 : i32
        %dma_wait3A_304 = arith.constant 0 : i32
        %dma_wait3A_305 = tpu.memref_slice %arg12[%dma_wait3A_303, %dma_wait3A_304] : memref<10240x128xf32, #tpu.memory_space<vmem_shared>> -> memref<10240x128xf32, #tpu.memory_space<vmem_shared>>
        tpu.wait_indirect_dma semaphore(%arg20 : memref<!tpu.dma_semaphore, #tpu.memory_space<semaphore_mem>>) src(%arg11 : memref<64x128xf32, #tpu.memory_space<vmem>>) dst(%dma_wait3A_305 : memref<10240x128xf32, #tpu.memory_space<vmem_shared>>)
        %add3A_306 = arith.constant 4 : i32
        %add3A_307 = arith.addi %add3A_179, %add3A_306 : i32
        %add3A_308 = arith.constant 3 : i32
        %add3A_309 = arith.addi %add3A_307, %add3A_308 : i32
        %dma_start3A_310 = arith.constant 0 : i32
        %dma_start3A_311 = tpu.memref_slice %arg6[%add3A_309, %dma_start3A_310] : memref<40x64xi32, #tpu.memory_space<vmem>> -> memref<1x64xi32, #tpu.memory_space<vmem>>
        %dma_start3A_312 = tpu.memref_squeeze %dma_start3A_311 : memref<1x64xi32, #tpu.memory_space<vmem>> -> memref<64xi32, #tpu.memory_space<vmem>>
        %dma_start3A_313 = arith.constant 0 : i32
        %dma_start3A_314 = arith.constant 0 : i32
        %dma_start3A_315 = tpu.memref_slice %arg2[%dma_start3A_313, %dma_start3A_314] : memref<10240x128xf32, #tpu.memory_space<hbm>> -> memref<10240x128xf32, #tpu.memory_space<hbm>>
        tpu.enqueue_indirect_dma source(%dma_start3A_315 : memref<10240x128xf32, #tpu.memory_space<hbm>>) target(%arg11 : memref<64x128xf32, #tpu.memory_space<vmem>>) offsets(%dma_start3A_312 : memref<64xi32, #tpu.memory_space<vmem>>) semaphore(%arg16 : memref<!tpu.dma_semaphore, #tpu.memory_space<semaphore_mem>>)
      }
      %scan3A_91 = arith.constant 9 : i32
      %dma_wait3A = arith.constant 36 : i32
      %dma_wait3A_92 = arith.constant 0 : i32
      %dma_wait3A_93 = tpu.memref_slice %arg6[%dma_wait3A, %dma_wait3A_92] : memref<40x64xi32, #tpu.memory_space<vmem>> -> memref<1x64xi32, #tpu.memory_space<vmem>>
      %dma_wait3A_94 = tpu.memref_squeeze %dma_wait3A_93 : memref<1x64xi32, #tpu.memory_space<vmem>> -> memref<64xi32, #tpu.memory_space<vmem>>
      %dma_wait3A_95 = arith.constant 0 : i32
      %dma_wait3A_96 = arith.constant 0 : i32
      %dma_wait3A_97 = tpu.memref_slice %arg2[%dma_wait3A_95, %dma_wait3A_96] : memref<10240x128xf32, #tpu.memory_space<hbm>> -> memref<10240x128xf32, #tpu.memory_space<hbm>>
      tpu.wait_indirect_dma semaphore(%arg13 : memref<!tpu.dma_semaphore, #tpu.memory_space<semaphore_mem>>) src(%dma_wait3A_97 : memref<10240x128xf32, #tpu.memory_space<hbm>>) dst(%arg8 : memref<64x128xf32, #tpu.memory_space<vmem>>)
      %dma_start3A_98 = arith.constant 36 : i32
      %dma_start3A_99 = arith.constant 0 : i32
      %dma_start3A_100 = tpu.memref_slice %arg7[%dma_start3A_98, %dma_start3A_99] : memref<40x64xi32, #tpu.memory_space<vmem>> -> memref<1x64xi32, #tpu.memory_space<vmem>>
      %dma_start3A_101 = tpu.memref_squeeze %dma_start3A_100 : memref<1x64xi32, #tpu.memory_space<vmem>> -> memref<64xi32, #tpu.memory_space<vmem>>
      %dma_start3A_102 = arith.constant 0 : i32
      %dma_start3A_103 = arith.constant 0 : i32
      %dma_start3A_104 = tpu.memref_slice %arg12[%dma_start3A_102, %dma_start3A_103] : memref<10240x128xf32, #tpu.memory_space<vmem_shared>> -> memref<10240x128xf32, #tpu.memory_space<vmem_shared>>
      tpu.enqueue_indirect_dma source(%arg8 : memref<64x128xf32, #tpu.memory_space<vmem>>) target(%dma_start3A_104 : memref<10240x128xf32, #tpu.memory_space<vmem_shared>>) offsets(%dma_start3A_101 : memref<64xi32, #tpu.memory_space<vmem>>) semaphore(%arg17 : memref<!tpu.dma_semaphore, #tpu.memory_space<semaphore_mem>>) {add = true}
      %dma_wait3A_105 = arith.constant 37 : i32
      %dma_wait3A_106 = arith.constant 0 : i32
      %dma_wait3A_107 = tpu.memref_slice %arg6[%dma_wait3A_105, %dma_wait3A_106] : memref<40x64xi32, #tpu.memory_space<vmem>> -> memref<1x64xi32, #tpu.memory_space<vmem>>
      %dma_wait3A_108 = tpu.memref_squeeze %dma_wait3A_107 : memref<1x64xi32, #tpu.memory_space<vmem>> -> memref<64xi32, #tpu.memory_space<vmem>>
      %dma_wait3A_109 = arith.constant 0 : i32
      %dma_wait3A_110 = arith.constant 0 : i32
      %dma_wait3A_111 = tpu.memref_slice %arg2[%dma_wait3A_109, %dma_wait3A_110] : memref<10240x128xf32, #tpu.memory_space<hbm>> -> memref<10240x128xf32, #tpu.memory_space<hbm>>
      tpu.wait_indirect_dma semaphore(%arg14 : memref<!tpu.dma_semaphore, #tpu.memory_space<semaphore_mem>>) src(%dma_wait3A_111 : memref<10240x128xf32, #tpu.memory_space<hbm>>) dst(%arg9 : memref<64x128xf32, #tpu.memory_space<vmem>>)
      %dma_start3A_112 = arith.constant 37 : i32
      %dma_start3A_113 = arith.constant 0 : i32
      %dma_start3A_114 = tpu.memref_slice %arg7[%dma_start3A_112, %dma_start3A_113] : memref<40x64xi32, #tpu.memory_space<vmem>> -> memref<1x64xi32, #tpu.memory_space<vmem>>
      %dma_start3A_115 = tpu.memref_squeeze %dma_start3A_114 : memref<1x64xi32, #tpu.memory_space<vmem>> -> memref<64xi32, #tpu.memory_space<vmem>>
      %dma_start3A_116 = arith.constant 0 : i32
      %dma_start3A_117 = arith.constant 0 : i32
      %dma_start3A_118 = tpu.memref_slice %arg12[%dma_start3A_116, %dma_start3A_117] : memref<10240x128xf32, #tpu.memory_space<vmem_shared>> -> memref<10240x128xf32, #tpu.memory_space<vmem_shared>>
      tpu.enqueue_indirect_dma source(%arg9 : memref<64x128xf32, #tpu.memory_space<vmem>>) target(%dma_start3A_118 : memref<10240x128xf32, #tpu.memory_space<vmem_shared>>) offsets(%dma_start3A_115 : memref<64xi32, #tpu.memory_space<vmem>>) semaphore(%arg18 : memref<!tpu.dma_semaphore, #tpu.memory_space<semaphore_mem>>) {add = true}
      %dma_wait3A_119 = arith.constant 38 : i32
      %dma_wait3A_120 = arith.constant 0 : i32
      %dma_wait3A_121 = tpu.memref_slice %arg6[%dma_wait3A_119, %dma_wait3A_120] : memref<40x64xi32, #tpu.memory_space<vmem>> -> memref<1x64xi32, #tpu.memory_space<vmem>>
      %dma_wait3A_122 = tpu.memref_squeeze %dma_wait3A_121 : memref<1x64xi32, #tpu.memory_space<vmem>> -> memref<64xi32, #tpu.memory_space<vmem>>
      %dma_wait3A_123 = arith.constant 0 : i32
      %dma_wait3A_124 = arith.constant 0 : i32
      %dma_wait3A_125 = tpu.memref_slice %arg2[%dma_wait3A_123, %dma_wait3A_124] : memref<10240x128xf32, #tpu.memory_space<hbm>> -> memref<10240x128xf32, #tpu.memory_space<hbm>>
      tpu.wait_indirect_dma semaphore(%arg15 : memref<!tpu.dma_semaphore, #tpu.memory_space<semaphore_mem>>) src(%dma_wait3A_125 : memref<10240x128xf32, #tpu.memory_space<hbm>>) dst(%arg10 : memref<64x128xf32, #tpu.memory_space<vmem>>)
      %dma_start3A_126 = arith.constant 38 : i32
      %dma_start3A_127 = arith.constant 0 : i32
      %dma_start3A_128 = tpu.memref_slice %arg7[%dma_start3A_126, %dma_start3A_127] : memref<40x64xi32, #tpu.memory_space<vmem>> -> memref<1x64xi32, #tpu.memory_space<vmem>>
      %dma_start3A_129 = tpu.memref_squeeze %dma_start3A_128 : memref<1x64xi32, #tpu.memory_space<vmem>> -> memref<64xi32, #tpu.memory_space<vmem>>
      %dma_start3A_130 = arith.constant 0 : i32
      %dma_start3A_131 = arith.constant 0 : i32
      %dma_start3A_132 = tpu.memref_slice %arg12[%dma_start3A_130, %dma_start3A_131] : memref<10240x128xf32, #tpu.memory_space<vmem_shared>> -> memref<10240x128xf32, #tpu.memory_space<vmem_shared>>
      tpu.enqueue_indirect_dma source(%arg10 : memref<64x128xf32, #tpu.memory_space<vmem>>) target(%dma_start3A_132 : memref<10240x128xf32, #tpu.memory_space<vmem_shared>>) offsets(%dma_start3A_129 : memref<64xi32, #tpu.memory_space<vmem>>) semaphore(%arg19 : memref<!tpu.dma_semaphore, #tpu.memory_space<semaphore_mem>>) {add = true}
      %dma_wait3A_133 = arith.constant 39 : i32
      %dma_wait3A_134 = arith.constant 0 : i32
      %dma_wait3A_135 = tpu.memref_slice %arg6[%dma_wait3A_133, %dma_wait3A_134] : memref<40x64xi32, #tpu.memory_space<vmem>> -> memref<1x64xi32, #tpu.memory_space<vmem>>
      %dma_wait3A_136 = tpu.memref_squeeze %dma_wait3A_135 : memref<1x64xi32, #tpu.memory_space<vmem>> -> memref<64xi32, #tpu.memory_space<vmem>>
      %dma_wait3A_137 = arith.constant 0 : i32
      %dma_wait3A_138 = arith.constant 0 : i32
      %dma_wait3A_139 = tpu.memref_slice %arg2[%dma_wait3A_137, %dma_wait3A_138] : memref<10240x128xf32, #tpu.memory_space<hbm>> -> memref<10240x128xf32, #tpu.memory_space<hbm>>
      tpu.wait_indirect_dma semaphore(%arg16 : memref<!tpu.dma_semaphore, #tpu.memory_space<semaphore_mem>>) src(%dma_wait3A_139 : memref<10240x128xf32, #tpu.memory_space<hbm>>) dst(%arg11 : memref<64x128xf32, #tpu.memory_space<vmem>>)
      %dma_start3A_140 = arith.constant 39 : i32
      %dma_start3A_141 = arith.constant 0 : i32
      %dma_start3A_142 = tpu.memref_slice %arg7[%dma_start3A_140, %dma_start3A_141] : memref<40x64xi32, #tpu.memory_space<vmem>> -> memref<1x64xi32, #tpu.memory_space<vmem>>
      %dma_start3A_143 = tpu.memref_squeeze %dma_start3A_142 : memref<1x64xi32, #tpu.memory_space<vmem>> -> memref<64xi32, #tpu.memory_space<vmem>>
      %dma_start3A_144 = arith.constant 0 : i32
      %dma_start3A_145 = arith.constant 0 : i32
      %dma_start3A_146 = tpu.memref_slice %arg12[%dma_start3A_144, %dma_start3A_145] : memref<10240x128xf32, #tpu.memory_space<vmem_shared>> -> memref<10240x128xf32, #tpu.memory_space<vmem_shared>>
      tpu.enqueue_indirect_dma source(%arg11 : memref<64x128xf32, #tpu.memory_space<vmem>>) target(%dma_start3A_146 : memref<10240x128xf32, #tpu.memory_space<vmem_shared>>) offsets(%dma_start3A_143 : memref<64xi32, #tpu.memory_space<vmem>>) semaphore(%arg20 : memref<!tpu.dma_semaphore, #tpu.memory_space<semaphore_mem>>) {add = true}
      %dma_wait3A_147 = arith.constant 36 : i32
      %dma_wait3A_148 = arith.constant 0 : i32
      %dma_wait3A_149 = tpu.memref_slice %arg7[%dma_wait3A_147, %dma_wait3A_148] : memref<40x64xi32, #tpu.memory_space<vmem>> -> memref<1x64xi32, #tpu.memory_space<vmem>>
      %dma_wait3A_150 = tpu.memref_squeeze %dma_wait3A_149 : memref<1x64xi32, #tpu.memory_space<vmem>> -> memref<64xi32, #tpu.memory_space<vmem>>
      %dma_wait3A_151 = arith.constant 0 : i32
      %dma_wait3A_152 = arith.constant 0 : i32
      %dma_wait3A_153 = tpu.memref_slice %arg12[%dma_wait3A_151, %dma_wait3A_152] : memref<10240x128xf32, #tpu.memory_space<vmem_shared>> -> memref<10240x128xf32, #tpu.memory_space<vmem_shared>>
      tpu.wait_indirect_dma semaphore(%arg17 : memref<!tpu.dma_semaphore, #tpu.memory_space<semaphore_mem>>) src(%arg8 : memref<64x128xf32, #tpu.memory_space<vmem>>) dst(%dma_wait3A_153 : memref<10240x128xf32, #tpu.memory_space<vmem_shared>>)
      %dma_wait3A_154 = arith.constant 37 : i32
      %dma_wait3A_155 = arith.constant 0 : i32
      %dma_wait3A_156 = tpu.memref_slice %arg7[%dma_wait3A_154, %dma_wait3A_155] : memref<40x64xi32, #tpu.memory_space<vmem>> -> memref<1x64xi32, #tpu.memory_space<vmem>>
      %dma_wait3A_157 = tpu.memref_squeeze %dma_wait3A_156 : memref<1x64xi32, #tpu.memory_space<vmem>> -> memref<64xi32, #tpu.memory_space<vmem>>
      %dma_wait3A_158 = arith.constant 0 : i32
      %dma_wait3A_159 = arith.constant 0 : i32
      %dma_wait3A_160 = tpu.memref_slice %arg12[%dma_wait3A_158, %dma_wait3A_159] : memref<10240x128xf32, #tpu.memory_space<vmem_shared>> -> memref<10240x128xf32, #tpu.memory_space<vmem_shared>>
      tpu.wait_indirect_dma semaphore(%arg18 : memref<!tpu.dma_semaphore, #tpu.memory_space<semaphore_mem>>) src(%arg9 : memref<64x128xf32, #tpu.memory_space<vmem>>) dst(%dma_wait3A_160 : memref<10240x128xf32, #tpu.memory_space<vmem_shared>>)
      %dma_wait3A_161 = arith.constant 38 : i32
      %dma_wait3A_162 = arith.constant 0 : i32
      %dma_wait3A_163 = tpu.memref_slice %arg7[%dma_wait3A_161, %dma_wait3A_162] : memref<40x64xi32, #tpu.memory_space<vmem>> -> memref<1x64xi32, #tpu.memory_space<vmem>>
      %dma_wait3A_164 = tpu.memref_squeeze %dma_wait3A_163 : memref<1x64xi32, #tpu.memory_space<vmem>> -> memref<64xi32, #tpu.memory_space<vmem>>
      %dma_wait3A_165 = arith.constant 0 : i32
      %dma_wait3A_166 = arith.constant 0 : i32
      %dma_wait3A_167 = tpu.memref_slice %arg12[%dma_wait3A_165, %dma_wait3A_166] : memref<10240x128xf32, #tpu.memory_space<vmem_shared>> -> memref<10240x128xf32, #tpu.memory_space<vmem_shared>>
      tpu.wait_indirect_dma semaphore(%arg19 : memref<!tpu.dma_semaphore, #tpu.memory_space<semaphore_mem>>) src(%arg10 : memref<64x128xf32, #tpu.memory_space<vmem>>) dst(%dma_wait3A_167 : memref<10240x128xf32, #tpu.memory_space<vmem_shared>>)
      %dma_wait3A_168 = arith.constant 39 : i32
      %dma_wait3A_169 = arith.constant 0 : i32
      %dma_wait3A_170 = tpu.memref_slice %arg7[%dma_wait3A_168, %dma_wait3A_169] : memref<40x64xi32, #tpu.memory_space<vmem>> -> memref<1x64xi32, #tpu.memory_space<vmem>>
      %dma_wait3A_171 = tpu.memref_squeeze %dma_wait3A_170 : memref<1x64xi32, #tpu.memory_space<vmem>> -> memref<64xi32, #tpu.memory_space<vmem>>
      %dma_wait3A_172 = arith.constant 0 : i32
      %dma_wait3A_173 = arith.constant 0 : i32
      %dma_wait3A_174 = tpu.memref_slice %arg12[%dma_wait3A_172, %dma_wait3A_173] : memref<10240x128xf32, #tpu.memory_space<vmem_shared>> -> memref<10240x128xf32, #tpu.memory_space<vmem_shared>>
      tpu.wait_indirect_dma semaphore(%arg20 : memref<!tpu.dma_semaphore, #tpu.memory_space<semaphore_mem>>) src(%arg11 : memref<64x128xf32, #tpu.memory_space<vmem>>) dst(%dma_wait3A_174 : memref<10240x128xf32, #tpu.memory_space<vmem_shared>>)
    }
    %barrier3A_49 = arith.constant 0 : index
    tpu.barrier barrier_id(%barrier3A_49)
    %mul3A_50 = arith.constant 640 : i32
    %mul3A_51 = arith.muli %arg1, %mul3A_50 : i32
    %mul3A_52 = arith.constant 640 : i32
    %mul3A_53 = arith.muli %arg1, %mul3A_52 : i32
    "tpu.region"() ({
      %run_scoped3A = tpu.sem_alloc : memref<!tpu.dma_semaphore, #tpu.memory_space<semaphore_mem>>
      %dma_start3A = arith.constant 0 : i32
      %dma_start3A_54 = tpu.memref_slice %arg5[%arg0, %mul3A_53, %dma_start3A] : memref<2x10240x128xf32, #tpu.memory_space<hbm>> -> memref<1x640x128xf32, #tpu.memory_space<hbm>>
      %dma_start3A_55 = tpu.memref_squeeze %dma_start3A_54 : memref<1x640x128xf32, #tpu.memory_space<hbm>> -> memref<640x128xf32, #tpu.memory_space<hbm>>
      %dma_start3A_56 = arith.constant 0 : i32
      %dma_start3A_57 = tpu.memref_slice %arg12[%mul3A_51, %dma_start3A_56] : memref<10240x128xf32, #tpu.memory_space<vmem_shared>> -> memref<640x128xf32, #tpu.memory_space<vmem_shared>>
      tpu.enqueue_dma source(%dma_start3A_57 : memref<640x128xf32, #tpu.memory_space<vmem_shared>>) target(%dma_start3A_55 : memref<640x128xf32, #tpu.memory_space<hbm>>) target_semaphore(%run_scoped3A : memref<!tpu.dma_semaphore, #tpu.memory_space<semaphore_mem>>)
      %dma_wait3A = arith.constant 0 : i32
      %dma_wait3A_58 = tpu.memref_slice %arg5[%arg0, %mul3A_53, %dma_wait3A] : memref<2x10240x128xf32, #tpu.memory_space<hbm>> -> memref<1x640x128xf32, #tpu.memory_space<hbm>>
      %dma_wait3A_59 = tpu.memref_squeeze %dma_wait3A_58 : memref<1x640x128xf32, #tpu.memory_space<hbm>> -> memref<640x128xf32, #tpu.memory_space<hbm>>
      %dma_wait3A_60 = arith.constant 0 : i32
      %dma_wait3A_61 = tpu.memref_slice %arg12[%mul3A_51, %dma_wait3A_60] : memref<10240x128xf32, #tpu.memory_space<vmem_shared>> -> memref<640x128xf32, #tpu.memory_space<vmem_shared>>
      tpu.wait_dma2 semaphore(%run_scoped3A : memref<!tpu.dma_semaphore, #tpu.memory_space<semaphore_mem>>) src(%dma_wait3A_61 : memref<640x128xf32, #tpu.memory_space<vmem_shared>>) dst(%dma_wait3A_59 : memref<640x128xf32, #tpu.memory_space<hbm>>)
      tpu.yield
    }) : () -> ()
    return
  }
}

#map = affine_map<(d0, d1) -> (0, 0)>
#map1 = affine_map<(d0, d1) -> (0, 0, 0)>
module attributes {stable_mosaic.version = 14 : i64} {
  func.func @k(%arg0: i32, %arg1: i32, %arg2: memref<10240x128xf32, #tpu.memory_space<hbm>>, %arg3: memref<5120x64xi32, #tpu.memory_space<hbm>>, %arg4: memref<5120x64xi32, #tpu.memory_space<hbm>>, %arg5: memref<2x10240x128xf32, #tpu.memory_space<hbm>>, %arg6: memref<40x64xi32, #tpu.memory_space<vmem>>, %arg7: memref<40x64xi32, #tpu.memory_space<vmem>>, %arg8: memref<64x128xf32, #tpu.memory_space<vmem>>, %arg9: memref<64x128xf32, #tpu.memory_space<vmem>>, %arg10: memref<64x128xf32, #tpu.memory_space<vmem>>, %arg11: memref<64x128xf32, #tpu.memory_space<vmem>>, %arg12: memref<10240x128xf32, #tpu.memory_space<vmem_shared>>, %arg13: memref<!tpu.dma_semaphore, #tpu.memory_space<semaphore_mem>>, %arg14: memref<!tpu.dma_semaphore, #tpu.memory_space<semaphore_mem>>, %arg15: memref<!tpu.dma_semaphore, #tpu.memory_space<semaphore_mem>>, %arg16: memref<!tpu.dma_semaphore, #tpu.memory_space<semaphore_mem>>, %arg17: memref<!tpu.dma_semaphore, #tpu.memory_space<semaphore_mem>>, %arg18: memref<!tpu.dma_semaphore, #tpu.memory_space<semaphore_mem>>, %arg19: memref<!tpu.dma_semaphore, #tpu.memory_space<semaphore_mem>>, %arg20: memref<!tpu.dma_semaphore, #tpu.memory_space<semaphore_mem>>) attributes {dimension_semantics = [#tpu.dimension_semantics<core_parallel>, #tpu.dimension_semantics<subcore_parallel>], iteration_bounds = array<i64: 2, 16>, scalar_prefetch = 0 : i64, scratch_operands = 15 : i64, tpu.core_type = #tpu.core_type<sc_vector_subcore>, window_params = [{transform_indices = #map}, {transform_indices = #map}, {transform_indices = #map}, {transform_indices = #map1}]} {
    %scan3A = arith.constant 0 : i32
    %scan3A_0 = arith.constant 64 : i32
    %scan3A_1 = arith.addi %scan3A, %scan3A_0 : i32
    %scan3A_2 = arith.constant 1 : i32
    scf.for %scan3A_54 = %scan3A to %scan3A_1 step %scan3A_2  : i32 {
      %mul3A_55 = arith.constant 1 : i32
      %mul3A_56 = arith.muli %scan3A_54, %mul3A_55 : i32
      %add3A_57 = arith.constant 0 : i32
      %add3A_58 = arith.addi %add3A_57, %mul3A_56 : i32
      %scan3A_59 = arith.constant 0 : i32
      %scan3A_60 = arith.constant 8 : i32
      %scan3A_61 = arith.addi %scan3A_59, %scan3A_60 : i32
      %scan3A_62 = arith.constant 1 : i32
      scf.for %scan3A_64 = %scan3A_59 to %scan3A_61 step %scan3A_62  : i32 {
        %mul3A_65 = arith.constant 16 : i32
        %mul3A_66 = arith.muli %scan3A_64, %mul3A_65 : i32
        %add3A_67 = arith.constant 0 : i32
        %add3A_68 = arith.addi %add3A_67, %mul3A_66 : i32
        %broadcast_in_dim3A = arith.constant 0.000000e+00 : f32
        %broadcast_in_dim3A_69 = vector.broadcast %broadcast_in_dim3A : f32 to vector<16xf32>
        %swap3A = arith.index_cast %add3A_58 : i32 to index
        %swap3A_70 = arith.index_cast %add3A_68 : i32 to index
        %swap3A_71 = tpu.vector_load %arg8[%swap3A, %swap3A_70] {strides = array<i32>} : memref<64x128xf32, #tpu.memory_space<vmem>>, vector<1x16xf32>,
        %swap3A_72 = vector.shape_cast %swap3A_71 : vector<1x16xf32> to vector<16xf32>
        %swap3A_73 = vector.shape_cast %broadcast_in_dim3A_69 : vector<16xf32> to vector<1x16xf32>
        tpu.vector_store %arg8[%swap3A, %swap3A_70], %swap3A_73 {strides = array<i32>} : memref<64x128xf32, #tpu.memory_space<vmem>>, vector<1x16xf32>,
      }
      %scan3A_63 = arith.constant 8 : i32
    }
    %scan3A_3 = arith.constant 64 : i32
    %scan3A_4 = arith.constant 0 : i32
    %scan3A_5 = arith.constant 10 : i32
    %scan3A_6 = arith.addi %scan3A_4, %scan3A_5 : i32
    %scan3A_7 = arith.constant 1 : i32
    scf.for %scan3A_54 = %scan3A_4 to %scan3A_6 step %scan3A_7  : i32 {
      %mul3A_55 = arith.constant 1 : i32
      %mul3A_56 = arith.muli %scan3A_54, %mul3A_55 : i32
      %add3A_57 = arith.constant 0 : i32
      %add3A_58 = arith.addi %add3A_57, %mul3A_56 : i32
      %mul3A_59 = arith.constant 640 : i32
      %mul3A_60 = arith.muli %arg1, %mul3A_59 : i32
      %mul3A_61 = arith.constant 64 : i32
      %mul3A_62 = arith.muli %add3A_58, %mul3A_61 : i32
      %add3A_63 = arith.addi %mul3A_60, %mul3A_62 : i32
      "tpu.region"() ({
        %run_scoped3A = tpu.sem_alloc : memref<!tpu.dma_semaphore, #tpu.memory_space<semaphore_mem>>
        %dma_start3A = arith.constant 0 : i32
        %dma_start3A_64 = tpu.memref_slice %arg12[%add3A_63, %dma_start3A] : memref<10240x128xf32, #tpu.memory_space<vmem_shared>> -> memref<64x128xf32, #tpu.memory_space<vmem_shared>>
        %dma_start3A_65 = arith.constant 0 : i32
        %dma_start3A_66 = tpu.memref_slice %arg12[%add3A_63, %dma_start3A_65] : memref<10240x128xf32, #tpu.memory_space<vmem_shared>> -> memref<64x128xf32, #tpu.memory_space<vmem_shared>>
        tpu.enqueue_dma source(%arg8 : memref<64x128xf32, #tpu.memory_space<vmem>>) target(%dma_start3A_66 : memref<64x128xf32, #tpu.memory_space<vmem_shared>>) target_semaphore(%run_scoped3A : memref<!tpu.dma_semaphore, #tpu.memory_space<semaphore_mem>>)
        %dma_wait3A = arith.constant 0 : i32
        %dma_wait3A_67 = tpu.memref_slice %arg12[%add3A_63, %dma_wait3A] : memref<10240x128xf32, #tpu.memory_space<vmem_shared>> -> memref<64x128xf32, #tpu.memory_space<vmem_shared>>
        %dma_wait3A_68 = arith.constant 0 : i32
        %dma_wait3A_69 = tpu.memref_slice %arg12[%add3A_63, %dma_wait3A_68] : memref<10240x128xf32, #tpu.memory_space<vmem_shared>> -> memref<64x128xf32, #tpu.memory_space<vmem_shared>>
        tpu.wait_dma2 semaphore(%run_scoped3A : memref<!tpu.dma_semaphore, #tpu.memory_space<semaphore_mem>>) src(%arg8 : memref<64x128xf32, #tpu.memory_space<vmem>>) dst(%dma_wait3A_69 : memref<64x128xf32, #tpu.memory_space<vmem_shared>>)
        tpu.yield
      }) : () -> ()
    }
    %scan3A_8 = arith.constant 10 : i32
    %barrier3A = arith.constant 0 : index
    tpu.barrier barrier_id(%barrier3A)
    %eq3A = arith.constant 0 : i32
    %eq3A_9 = arith.cmpi eq, %arg0, %eq3A : i32
    %jit3A = arith.constant 160 : i32
    %jit3A_10 = arith.constant 160 : i32
    %select_n3A = arith.select %eq3A_9, %jit3A, %jit3A_10 : i32
    %mul3A = arith.constant 2560 : i32
    %mul3A_11 = arith.muli %arg0, %mul3A : i32
    %mul3A_12 = arith.muli %arg1, %select_n3A : i32
    %add3A = arith.addi %mul3A_11, %mul3A_12 : i32
    %jit3A_13 = arith.constant 40 : i32
    %div3A = arith.divsi %select_n3A, %jit3A_13 : i32
    %sign3A = arith.constant 0 : i32
    %sign3A_14 = arith.cmpi sgt, %select_n3A, %sign3A : i32
    %sign3A_15 = arith.extui %sign3A_14 : i1 to i32
    %sign3A_16 = arith.constant 0 : i32
    %sign3A_17 = arith.cmpi slt, %select_n3A, %sign3A_16 : i32
    %sign3A_18 = arith.extui %sign3A_17 : i1 to i32
    %sign3A_19 = arith.subi %sign3A_15, %sign3A_18 : i32
    %sign3A_20 = arith.constant 0 : i32
    %sign3A_21 = arith.cmpi sgt, %jit3A_13, %sign3A_20 : i32
    %sign3A_22 = arith.extui %sign3A_21 : i1 to i32
    %sign3A_23 = arith.constant 0 : i32
    %sign3A_24 = arith.cmpi slt, %jit3A_13, %sign3A_23 : i32
    %sign3A_25 = arith.extui %sign3A_24 : i1 to i32
    %sign3A_26 = arith.subi %sign3A_22, %sign3A_25 : i32
    %ne3A = arith.cmpi ne, %sign3A_19, %sign3A_26 : i32
    %rem3A = arith.remsi %select_n3A, %jit3A_13 : i32
    %ne3A_27 = arith.constant 0 : i32
    %ne3A_28 = arith.cmpi ne, %rem3A, %ne3A_27 : i32
    %and3A = arith.andi %ne3A, %ne3A_28 : i1
    %sub3A = arith.constant 1 : i32
    %sub3A_29 = arith.subi %div3A, %sub3A : i32
    %select_n3A_30 = arith.select %and3A, %sub3A_29, %div3A : i32
    %sub3A_31 = arith.constant 0 : i32
    %sub3A_32 = arith.subi %select_n3A_30, %sub3A_31 : i32
    %sub3A_33 = arith.constant 1 : i32
    %sub3A_34 = arith.constant 1 : i32
    %sub3A_35 = arith.subi %sub3A_33, %sub3A_34 : i32
    %add3A_36 = arith.addi %sub3A_32, %sub3A_35 : i32
    %div3A_37 = arith.constant 1 : i32
    %div3A_38 = arith.divsi %add3A_36, %div3A_37 : i32
    %while3A = arith.constant 1 : i32
    %while3A_39 = arith.constant 0 : i32
    %while3A_40 = arith.constant 0 : i32
    %while3A_41 = arith.subi %div3A_38, %while3A_40 : i32
    %while3A_42 = arith.addi %while3A_40, %while3A_41 : i32
    %while3A_43 = arith.constant 1 : i32
    %while3A_44 = arith.divsi %while3A_41, %while3A_43 : i32
    %while3A_45 = arith.muli %while3A_44, %while3A_43 : i32
    %while3A_46 = arith.addi %while3A_40, %while3A_45 : i32
    %while3A_47 = arith.constant 1 : i32
    scf.for %while3A_54 = %while3A_40 to %while3A_46 step %while3A_47  : i32 {
      %mul3A_55 = arith.muli %while3A_54, %while3A : i32
      %add3A_56 = arith.addi %while3A_39, %mul3A_55 : i32
      %mul3A_57 = arith.constant 40 : i32
      %mul3A_58 = arith.muli %add3A_56, %mul3A_57 : i32
      %add3A_59 = arith.addi %add3A, %mul3A_58 : i32
      %multiple_of3A = tpu.assume_multiple %add3A_59, 40 : i32
      "tpu.region"() ({
        %run_scoped3A = tpu.sem_alloc : memref<!tpu.dma_semaphore, #tpu.memory_space<semaphore_mem>>
        %dma_start3A_175 = arith.constant 0 : i32
        %dma_start3A_176 = tpu.memref_slice %arg3[%multiple_of3A, %dma_start3A_175] : memref<5120x64xi32, #tpu.memory_space<hbm>> -> memref<40x64xi32, #tpu.memory_space<hbm>>
        %dma_start3A_177 = arith.constant 0 : i32
        %dma_start3A_178 = tpu.memref_slice %arg3[%multiple_of3A, %dma_start3A_177] : memref<5120x64xi32, #tpu.memory_space<hbm>> -> memref<40x64xi32, #tpu.memory_space<hbm>>
        tpu.enqueue_dma source(%dma_start3A_178 : memref<40x64xi32, #tpu.memory_space<hbm>>) target(%arg6 : memref<40x64xi32, #tpu.memory_space<vmem>>) target_semaphore(%run_scoped3A : memref<!tpu.dma_semaphore, #tpu.memory_space<semaphore_mem>>)
        %dma_wait3A_179 = arith.constant 0 : i32
        %dma_wait3A_180 = tpu.memref_slice %arg3[%multiple_of3A, %dma_wait3A_179] : memref<5120x64xi32, #tpu.memory_space<hbm>> -> memref<40x64xi32, #tpu.memory_space<hbm>>
        %dma_wait3A_181 = arith.constant 0 : i32
        %dma_wait3A_182 = tpu.memref_slice %arg3[%multiple_of3A, %dma_wait3A_181] : memref<5120x64xi32, #tpu.memory_space<hbm>> -> memref<40x64xi32, #tpu.memory_space<hbm>>
        tpu.wait_dma2 semaphore(%run_scoped3A : memref<!tpu.dma_semaphore, #tpu.memory_space<semaphore_mem>>) src(%dma_wait3A_182 : memref<40x64xi32, #tpu.memory_space<hbm>>) dst(%arg6 : memref<40x64xi32, #tpu.memory_space<vmem>>)
        tpu.yield
      }) : () -> ()
      "tpu.region"() ({
        %run_scoped3A = tpu.sem_alloc : memref<!tpu.dma_semaphore, #tpu.memory_space<semaphore_mem>>
        %dma_start3A_175 = arith.constant 0 : i32
        %dma_start3A_176 = tpu.memref_slice %arg4[%multiple_of3A, %dma_start3A_175] : memref<5120x64xi32, #tpu.memory_space<hbm>> -> memref<40x64xi32, #tpu.memory_space<hbm>>
        %dma_start3A_177 = arith.constant 0 : i32
        %dma_start3A_178 = tpu.memref_slice %arg4[%multiple_of3A, %dma_start3A_177] : memref<5120x64xi32, #tpu.memory_space<hbm>> -> memref<40x64xi32, #tpu.memory_space<hbm>>
        tpu.enqueue_dma source(%dma_start3A_178 : memref<40x64xi32, #tpu.memory_space<hbm>>) target(%arg7 : memref<40x64xi32, #tpu.memory_space<vmem>>) target_semaphore(%run_scoped3A : memref<!tpu.dma_semaphore, #tpu.memory_space<semaphore_mem>>)
        %dma_wait3A_179 = arith.constant 0 : i32
        %dma_wait3A_180 = tpu.memref_slice %arg4[%multiple_of3A, %dma_wait3A_179] : memref<5120x64xi32, #tpu.memory_space<hbm>> -> memref<40x64xi32, #tpu.memory_space<hbm>>
        %dma_wait3A_181 = arith.constant 0 : i32
        %dma_wait3A_182 = tpu.memref_slice %arg4[%multiple_of3A, %dma_wait3A_181] : memref<5120x64xi32, #tpu.memory_space<hbm>> -> memref<40x64xi32, #tpu.memory_space<hbm>>
        tpu.wait_dma2 semaphore(%run_scoped3A : memref<!tpu.dma_semaphore, #tpu.memory_space<semaphore_mem>>) src(%dma_wait3A_182 : memref<40x64xi32, #tpu.memory_space<hbm>>) dst(%arg7 : memref<40x64xi32, #tpu.memory_space<vmem>>)
        tpu.yield
      }) : () -> ()
      %dma_start3A = arith.constant 0 : i32
      %dma_start3A_60 = arith.constant 0 : i32
      %dma_start3A_61 = tpu.memref_slice %arg6[%dma_start3A, %dma_start3A_60] : memref<40x64xi32, #tpu.memory_space<vmem>> -> memref<1x64xi32, #tpu.memory_space<vmem>>
      %dma_start3A_62 = tpu.memref_squeeze %dma_start3A_61 : memref<1x64xi32, #tpu.memory_space<vmem>> -> memref<64xi32, #tpu.memory_space<vmem>>
      %dma_start3A_63 = arith.constant 0 : i32
      %dma_start3A_64 = arith.constant 0 : i32
      %dma_start3A_65 = tpu.memref_slice %arg2[%dma_start3A_63, %dma_start3A_64] : memref<10240x128xf32, #tpu.memory_space<hbm>> -> memref<10240x128xf32, #tpu.memory_space<hbm>>
      tpu.enqueue_indirect_dma source(%dma_start3A_65 : memref<10240x128xf32, #tpu.memory_space<hbm>>) target(%arg8 : memref<64x128xf32, #tpu.memory_space<vmem>>) offsets(%dma_start3A_62 : memref<64xi32, #tpu.memory_space<vmem>>) semaphore(%arg13 : memref<!tpu.dma_semaphore, #tpu.memory_space<semaphore_mem>>)
      %dma_start3A_66 = arith.constant 1 : i32
      %dma_start3A_67 = arith.constant 0 : i32
      %dma_start3A_68 = tpu.memref_slice %arg6[%dma_start3A_66, %dma_start3A_67] : memref<40x64xi32, #tpu.memory_space<vmem>> -> memref<1x64xi32, #tpu.memory_space<vmem>>
      %dma_start3A_69 = tpu.memref_squeeze %dma_start3A_68 : memref<1x64xi32, #tpu.memory_space<vmem>> -> memref<64xi32, #tpu.memory_space<vmem>>
      %dma_start3A_70 = arith.constant 0 : i32
      %dma_start3A_71 = arith.constant 0 : i32
      %dma_start3A_72 = tpu.memref_slice %arg2[%dma_start3A_70, %dma_start3A_71] : memref<10240x128xf32, #tpu.memory_space<hbm>> -> memref<10240x128xf32, #tpu.memory_space<hbm>>
      tpu.enqueue_indirect_dma source(%dma_start3A_72 : memref<10240x128xf32, #tpu.memory_space<hbm>>) target(%arg9 : memref<64x128xf32, #tpu.memory_space<vmem>>) offsets(%dma_start3A_69 : memref<64xi32, #tpu.memory_space<vmem>>) semaphore(%arg14 : memref<!tpu.dma_semaphore, #tpu.memory_space<semaphore_mem>>)
      %dma_start3A_73 = arith.constant 2 : i32
      %dma_start3A_74 = arith.constant 0 : i32
      %dma_start3A_75 = tpu.memref_slice %arg6[%dma_start3A_73, %dma_start3A_74] : memref<40x64xi32, #tpu.memory_space<vmem>> -> memref<1x64xi32, #tpu.memory_space<vmem>>
      %dma_start3A_76 = tpu.memref_squeeze %dma_start3A_75 : memref<1x64xi32, #tpu.memory_space<vmem>> -> memref<64xi32, #tpu.memory_space<vmem>>
      %dma_start3A_77 = arith.constant 0 : i32
      %dma_start3A_78 = arith.constant 0 : i32
      %dma_start3A_79 = tpu.memref_slice %arg2[%dma_start3A_77, %dma_start3A_78] : memref<10240x128xf32, #tpu.memory_space<hbm>> -> memref<10240x128xf32, #tpu.memory_space<hbm>>
      tpu.enqueue_indirect_dma source(%dma_start3A_79 : memref<10240x128xf32, #tpu.memory_space<hbm>>) target(%arg10 : memref<64x128xf32, #tpu.memory_space<vmem>>) offsets(%dma_start3A_76 : memref<64xi32, #tpu.memory_space<vmem>>) semaphore(%arg15 : memref<!tpu.dma_semaphore, #tpu.memory_space<semaphore_mem>>)
      %dma_start3A_80 = arith.constant 3 : i32
      %dma_start3A_81 = arith.constant 0 : i32
      %dma_start3A_82 = tpu.memref_slice %arg6[%dma_start3A_80, %dma_start3A_81] : memref<40x64xi32, #tpu.memory_space<vmem>> -> memref<1x64xi32, #tpu.memory_space<vmem>>
      %dma_start3A_83 = tpu.memref_squeeze %dma_start3A_82 : memref<1x64xi32, #tpu.memory_space<vmem>> -> memref<64xi32, #tpu.memory_space<vmem>>
      %dma_start3A_84 = arith.constant 0 : i32
      %dma_start3A_85 = arith.constant 0 : i32
      %dma_start3A_86 = tpu.memref_slice %arg2[%dma_start3A_84, %dma_start3A_85] : memref<10240x128xf32, #tpu.memory_space<hbm>> -> memref<10240x128xf32, #tpu.memory_space<hbm>>
      tpu.enqueue_indirect_dma source(%dma_start3A_86 : memref<10240x128xf32, #tpu.memory_space<hbm>>) target(%arg11 : memref<64x128xf32, #tpu.memory_space<vmem>>) offsets(%dma_start3A_83 : memref<64xi32, #tpu.memory_space<vmem>>) semaphore(%arg16 : memref<!tpu.dma_semaphore, #tpu.memory_space<semaphore_mem>>)
      %scan3A_87 = arith.constant 0 : i32
      %scan3A_88 = arith.constant 9 : i32
      %scan3A_89 = arith.addi %scan3A_87, %scan3A_88 : i32
      %scan3A_90 = arith.constant 1 : i32
      scf.for %scan3A_175 = %scan3A_87 to %scan3A_89 step %scan3A_90  : i32 {
        %mul3A_176 = arith.constant 4 : i32
        %mul3A_177 = arith.muli %scan3A_175, %mul3A_176 : i32
        %add3A_178 = arith.constant 0 : i32
        %add3A_179 = arith.addi %add3A_178, %mul3A_177 : i32
        %add3A_180 = arith.constant 0 : i32
        %add3A_181 = arith.addi %add3A_179, %add3A_180 : i32
        %dma_wait3A_182 = arith.constant 0 : i32
        %dma_wait3A_183 = tpu.memref_slice %arg6[%add3A_181, %dma_wait3A_182] : memref<40x64xi32, #tpu.memory_space<vmem>> -> memref<1x64xi32, #tpu.memory_space<vmem>>
        %dma_wait3A_184 = tpu.memref_squeeze %dma_wait3A_183 : memref<1x64xi32, #tpu.memory_space<vmem>> -> memref<64xi32, #tpu.memory_space<vmem>>
        %dma_wait3A_185 = arith.constant 0 : i32
        %dma_wait3A_186 = arith.constant 0 : i32
        %dma_wait3A_187 = tpu.memref_slice %arg2[%dma_wait3A_185, %dma_wait3A_186] : memref<10240x128xf32, #tpu.memory_space<hbm>> -> memref<10240x128xf32, #tpu.memory_space<hbm>>
        tpu.wait_indirect_dma semaphore(%arg13 : memref<!tpu.dma_semaphore, #tpu.memory_space<semaphore_mem>>) src(%dma_wait3A_187 : memref<10240x128xf32, #tpu.memory_space<hbm>>) dst(%arg8 : memref<64x128xf32, #tpu.memory_space<vmem>>)
        %add3A_188 = arith.constant 0 : i32
        %add3A_189 = arith.addi %add3A_179, %add3A_188 : i32
        %dma_start3A_190 = arith.constant 0 : i32
        %dma_start3A_191 = tpu.memref_slice %arg7[%add3A_189, %dma_start3A_190] : memref<40x64xi32, #tpu.memory_space<vmem>> -> memref<1x64xi32, #tpu.memory_space<vmem>>
        %dma_start3A_192 = tpu.memref_squeeze %dma_start3A_191 : memref<1x64xi32, #tpu.memory_space<vmem>> -> memref<64xi32, #tpu.memory_space<vmem>>
        %dma_start3A_193 = arith.constant 0 : i32
        %dma_start3A_194 = arith.constant 0 : i32
        %dma_start3A_195 = tpu.memref_slice %arg12[%dma_start3A_193, %dma_start3A_194] : memref<10240x128xf32, #tpu.memory_space<vmem_shared>> -> memref<10240x128xf32, #tpu.memory_space<vmem_shared>>
        tpu.enqueue_indirect_dma source(%arg8 : memref<64x128xf32, #tpu.memory_space<vmem>>) target(%dma_start3A_195 : memref<10240x128xf32, #tpu.memory_space<vmem_shared>>) offsets(%dma_start3A_192 : memref<64xi32, #tpu.memory_space<vmem>>) semaphore(%arg17 : memref<!tpu.dma_semaphore, #tpu.memory_space<semaphore_mem>>) {add = true}
        %add3A_196 = arith.constant 1 : i32
        %add3A_197 = arith.addi %add3A_179, %add3A_196 : i32
        %dma_wait3A_198 = arith.constant 0 : i32
        %dma_wait3A_199 = tpu.memref_slice %arg6[%add3A_197, %dma_wait3A_198] : memref<40x64xi32, #tpu.memory_space<vmem>> -> memref<1x64xi32, #tpu.memory_space<vmem>>
        %dma_wait3A_200 = tpu.memref_squeeze %dma_wait3A_199 : memref<1x64xi32, #tpu.memory_space<vmem>> -> memref<64xi32, #tpu.memory_space<vmem>>
        %dma_wait3A_201 = arith.constant 0 : i32
        %dma_wait3A_202 = arith.constant 0 : i32
        %dma_wait3A_203 = tpu.memref_slice %arg2[%dma_wait3A_201, %dma_wait3A_202] : memref<10240x128xf32, #tpu.memory_space<hbm>> -> memref<10240x128xf32, #tpu.memory_space<hbm>>
        tpu.wait_indirect_dma semaphore(%arg14 : memref<!tpu.dma_semaphore, #tpu.memory_space<semaphore_mem>>) src(%dma_wait3A_203 : memref<10240x128xf32, #tpu.memory_space<hbm>>) dst(%arg9 : memref<64x128xf32, #tpu.memory_space<vmem>>)
        %add3A_204 = arith.constant 1 : i32
        %add3A_205 = arith.addi %add3A_179, %add3A_204 : i32
        %dma_start3A_206 = arith.constant 0 : i32
        %dma_start3A_207 = tpu.memref_slice %arg7[%add3A_205, %dma_start3A_206] : memref<40x64xi32, #tpu.memory_space<vmem>> -> memref<1x64xi32, #tpu.memory_space<vmem>>
        %dma_start3A_208 = tpu.memref_squeeze %dma_start3A_207 : memref<1x64xi32, #tpu.memory_space<vmem>> -> memref<64xi32, #tpu.memory_space<vmem>>
        %dma_start3A_209 = arith.constant 0 : i32
        %dma_start3A_210 = arith.constant 0 : i32
        %dma_start3A_211 = tpu.memref_slice %arg12[%dma_start3A_209, %dma_start3A_210] : memref<10240x128xf32, #tpu.memory_space<vmem_shared>> -> memref<10240x128xf32, #tpu.memory_space<vmem_shared>>
        tpu.enqueue_indirect_dma source(%arg9 : memref<64x128xf32, #tpu.memory_space<vmem>>) target(%dma_start3A_211 : memref<10240x128xf32, #tpu.memory_space<vmem_shared>>) offsets(%dma_start3A_208 : memref<64xi32, #tpu.memory_space<vmem>>) semaphore(%arg18 : memref<!tpu.dma_semaphore, #tpu.memory_space<semaphore_mem>>) {add = true}
        %add3A_212 = arith.constant 2 : i32
        %add3A_213 = arith.addi %add3A_179, %add3A_212 : i32
        %dma_wait3A_214 = arith.constant 0 : i32
        %dma_wait3A_215 = tpu.memref_slice %arg6[%add3A_213, %dma_wait3A_214] : memref<40x64xi32, #tpu.memory_space<vmem>> -> memref<1x64xi32, #tpu.memory_space<vmem>>
        %dma_wait3A_216 = tpu.memref_squeeze %dma_wait3A_215 : memref<1x64xi32, #tpu.memory_space<vmem>> -> memref<64xi32, #tpu.memory_space<vmem>>
        %dma_wait3A_217 = arith.constant 0 : i32
        %dma_wait3A_218 = arith.constant 0 : i32
        %dma_wait3A_219 = tpu.memref_slice %arg2[%dma_wait3A_217, %dma_wait3A_218] : memref<10240x128xf32, #tpu.memory_space<hbm>> -> memref<10240x128xf32, #tpu.memory_space<hbm>>
        tpu.wait_indirect_dma semaphore(%arg15 : memref<!tpu.dma_semaphore, #tpu.memory_space<semaphore_mem>>) src(%dma_wait3A_219 : memref<10240x128xf32, #tpu.memory_space<hbm>>) dst(%arg10 : memref<64x128xf32, #tpu.memory_space<vmem>>)
        %add3A_220 = arith.constant 2 : i32
        %add3A_221 = arith.addi %add3A_179, %add3A_220 : i32
        %dma_start3A_222 = arith.constant 0 : i32
        %dma_start3A_223 = tpu.memref_slice %arg7[%add3A_221, %dma_start3A_222] : memref<40x64xi32, #tpu.memory_space<vmem>> -> memref<1x64xi32, #tpu.memory_space<vmem>>
        %dma_start3A_224 = tpu.memref_squeeze %dma_start3A_223 : memref<1x64xi32, #tpu.memory_space<vmem>> -> memref<64xi32, #tpu.memory_space<vmem>>
        %dma_start3A_225 = arith.constant 0 : i32
        %dma_start3A_226 = arith.constant 0 : i32
        %dma_start3A_227 = tpu.memref_slice %arg12[%dma_start3A_225, %dma_start3A_226] : memref<10240x128xf32, #tpu.memory_space<vmem_shared>> -> memref<10240x128xf32, #tpu.memory_space<vmem_shared>>
        tpu.enqueue_indirect_dma source(%arg10 : memref<64x128xf32, #tpu.memory_space<vmem>>) target(%dma_start3A_227 : memref<10240x128xf32, #tpu.memory_space<vmem_shared>>) offsets(%dma_start3A_224 : memref<64xi32, #tpu.memory_space<vmem>>) semaphore(%arg19 : memref<!tpu.dma_semaphore, #tpu.memory_space<semaphore_mem>>) {add = true}
        %add3A_228 = arith.constant 3 : i32
        %add3A_229 = arith.addi %add3A_179, %add3A_228 : i32
        %dma_wait3A_230 = arith.constant 0 : i32
        %dma_wait3A_231 = tpu.memref_slice %arg6[%add3A_229, %dma_wait3A_230] : memref<40x64xi32, #tpu.memory_space<vmem>> -> memref<1x64xi32, #tpu.memory_space<vmem>>
        %dma_wait3A_232 = tpu.memref_squeeze %dma_wait3A_231 : memref<1x64xi32, #tpu.memory_space<vmem>> -> memref<64xi32, #tpu.memory_space<vmem>>
        %dma_wait3A_233 = arith.constant 0 : i32
        %dma_wait3A_234 = arith.constant 0 : i32
        %dma_wait3A_235 = tpu.memref_slice %arg2[%dma_wait3A_233, %dma_wait3A_234] : memref<10240x128xf32, #tpu.memory_space<hbm>> -> memref<10240x128xf32, #tpu.memory_space<hbm>>
        tpu.wait_indirect_dma semaphore(%arg16 : memref<!tpu.dma_semaphore, #tpu.memory_space<semaphore_mem>>) src(%dma_wait3A_235 : memref<10240x128xf32, #tpu.memory_space<hbm>>) dst(%arg11 : memref<64x128xf32, #tpu.memory_space<vmem>>)
        %add3A_236 = arith.constant 3 : i32
        %add3A_237 = arith.addi %add3A_179, %add3A_236 : i32
        %dma_start3A_238 = arith.constant 0 : i32
        %dma_start3A_239 = tpu.memref_slice %arg7[%add3A_237, %dma_start3A_238] : memref<40x64xi32, #tpu.memory_space<vmem>> -> memref<1x64xi32, #tpu.memory_space<vmem>>
        %dma_start3A_240 = tpu.memref_squeeze %dma_start3A_239 : memref<1x64xi32, #tpu.memory_space<vmem>> -> memref<64xi32, #tpu.memory_space<vmem>>
        %dma_start3A_241 = arith.constant 0 : i32
        %dma_start3A_242 = arith.constant 0 : i32
        %dma_start3A_243 = tpu.memref_slice %arg12[%dma_start3A_241, %dma_start3A_242] : memref<10240x128xf32, #tpu.memory_space<vmem_shared>> -> memref<10240x128xf32, #tpu.memory_space<vmem_shared>>
        tpu.enqueue_indirect_dma source(%arg11 : memref<64x128xf32, #tpu.memory_space<vmem>>) target(%dma_start3A_243 : memref<10240x128xf32, #tpu.memory_space<vmem_shared>>) offsets(%dma_start3A_240 : memref<64xi32, #tpu.memory_space<vmem>>) semaphore(%arg20 : memref<!tpu.dma_semaphore, #tpu.memory_space<semaphore_mem>>) {add = true}
        %add3A_244 = arith.constant 0 : i32
        %add3A_245 = arith.addi %add3A_179, %add3A_244 : i32
        %dma_wait3A_246 = arith.constant 0 : i32
        %dma_wait3A_247 = tpu.memref_slice %arg7[%add3A_245, %dma_wait3A_246] : memref<40x64xi32, #tpu.memory_space<vmem>> -> memref<1x64xi32, #tpu.memory_space<vmem>>
        %dma_wait3A_248 = tpu.memref_squeeze %dma_wait3A_247 : memref<1x64xi32, #tpu.memory_space<vmem>> -> memref<64xi32, #tpu.memory_space<vmem>>
        %dma_wait3A_249 = arith.constant 0 : i32
        %dma_wait3A_250 = arith.constant 0 : i32
        %dma_wait3A_251 = tpu.memref_slice %arg12[%dma_wait3A_249, %dma_wait3A_250] : memref<10240x128xf32, #tpu.memory_space<vmem_shared>> -> memref<10240x128xf32, #tpu.memory_space<vmem_shared>>
        tpu.wait_indirect_dma semaphore(%arg17 : memref<!tpu.dma_semaphore, #tpu.memory_space<semaphore_mem>>) src(%arg8 : memref<64x128xf32, #tpu.memory_space<vmem>>) dst(%dma_wait3A_251 : memref<10240x128xf32, #tpu.memory_space<vmem_shared>>)
        %add3A_252 = arith.constant 4 : i32
        %add3A_253 = arith.addi %add3A_179, %add3A_252 : i32
        %add3A_254 = arith.constant 0 : i32
        %add3A_255 = arith.addi %add3A_253, %add3A_254 : i32
        %dma_start3A_256 = arith.constant 0 : i32
        %dma_start3A_257 = tpu.memref_slice %arg6[%add3A_255, %dma_start3A_256] : memref<40x64xi32, #tpu.memory_space<vmem>> -> memref<1x64xi32, #tpu.memory_space<vmem>>
        %dma_start3A_258 = tpu.memref_squeeze %dma_start3A_257 : memref<1x64xi32, #tpu.memory_space<vmem>> -> memref<64xi32, #tpu.memory_space<vmem>>
        %dma_start3A_259 = arith.constant 0 : i32
        %dma_start3A_260 = arith.constant 0 : i32
        %dma_start3A_261 = tpu.memref_slice %arg2[%dma_start3A_259, %dma_start3A_260] : memref<10240x128xf32, #tpu.memory_space<hbm>> -> memref<10240x128xf32, #tpu.memory_space<hbm>>
        tpu.enqueue_indirect_dma source(%dma_start3A_261 : memref<10240x128xf32, #tpu.memory_space<hbm>>) target(%arg8 : memref<64x128xf32, #tpu.memory_space<vmem>>) offsets(%dma_start3A_258 : memref<64xi32, #tpu.memory_space<vmem>>) semaphore(%arg13 : memref<!tpu.dma_semaphore, #tpu.memory_space<semaphore_mem>>)
        %add3A_262 = arith.constant 1 : i32
        %add3A_263 = arith.addi %add3A_179, %add3A_262 : i32
        %dma_wait3A_264 = arith.constant 0 : i32
        %dma_wait3A_265 = tpu.memref_slice %arg7[%add3A_263, %dma_wait3A_264] : memref<40x64xi32, #tpu.memory_space<vmem>> -> memref<1x64xi32, #tpu.memory_space<vmem>>
        %dma_wait3A_266 = tpu.memref_squeeze %dma_wait3A_265 : memref<1x64xi32, #tpu.memory_space<vmem>> -> memref<64xi32, #tpu.memory_space<vmem>>
        %dma_wait3A_267 = arith.constant 0 : i32
        %dma_wait3A_268 = arith.constant 0 : i32
        %dma_wait3A_269 = tpu.memref_slice %arg12[%dma_wait3A_267, %dma_wait3A_268] : memref<10240x128xf32, #tpu.memory_space<vmem_shared>> -> memref<10240x128xf32, #tpu.memory_space<vmem_shared>>
        tpu.wait_indirect_dma semaphore(%arg18 : memref<!tpu.dma_semaphore, #tpu.memory_space<semaphore_mem>>) src(%arg9 : memref<64x128xf32, #tpu.memory_space<vmem>>) dst(%dma_wait3A_269 : memref<10240x128xf32, #tpu.memory_space<vmem_shared>>)
        %add3A_270 = arith.constant 4 : i32
        %add3A_271 = arith.addi %add3A_179, %add3A_270 : i32
        %add3A_272 = arith.constant 1 : i32
        %add3A_273 = arith.addi %add3A_271, %add3A_272 : i32
        %dma_start3A_274 = arith.constant 0 : i32
        %dma_start3A_275 = tpu.memref_slice %arg6[%add3A_273, %dma_start3A_274] : memref<40x64xi32, #tpu.memory_space<vmem>> -> memref<1x64xi32, #tpu.memory_space<vmem>>
        %dma_start3A_276 = tpu.memref_squeeze %dma_start3A_275 : memref<1x64xi32, #tpu.memory_space<vmem>> -> memref<64xi32, #tpu.memory_space<vmem>>
        %dma_start3A_277 = arith.constant 0 : i32
        %dma_start3A_278 = arith.constant 0 : i32
        %dma_start3A_279 = tpu.memref_slice %arg2[%dma_start3A_277, %dma_start3A_278] : memref<10240x128xf32, #tpu.memory_space<hbm>> -> memref<10240x128xf32, #tpu.memory_space<hbm>>
        tpu.enqueue_indirect_dma source(%dma_start3A_279 : memref<10240x128xf32, #tpu.memory_space<hbm>>) target(%arg9 : memref<64x128xf32, #tpu.memory_space<vmem>>) offsets(%dma_start3A_276 : memref<64xi32, #tpu.memory_space<vmem>>) semaphore(%arg14 : memref<!tpu.dma_semaphore, #tpu.memory_space<semaphore_mem>>)
        %add3A_280 = arith.constant 2 : i32
        %add3A_281 = arith.addi %add3A_179, %add3A_280 : i32
        %dma_wait3A_282 = arith.constant 0 : i32
        %dma_wait3A_283 = tpu.memref_slice %arg7[%add3A_281, %dma_wait3A_282] : memref<40x64xi32, #tpu.memory_space<vmem>> -> memref<1x64xi32, #tpu.memory_space<vmem>>
        %dma_wait3A_284 = tpu.memref_squeeze %dma_wait3A_283 : memref<1x64xi32, #tpu.memory_space<vmem>> -> memref<64xi32, #tpu.memory_space<vmem>>
        %dma_wait3A_285 = arith.constant 0 : i32
        %dma_wait3A_286 = arith.constant 0 : i32
        %dma_wait3A_287 = tpu.memref_slice %arg12[%dma_wait3A_285, %dma_wait3A_286] : memref<10240x128xf32, #tpu.memory_space<vmem_shared>> -> memref<10240x128xf32, #tpu.memory_space<vmem_shared>>
        tpu.wait_indirect_dma semaphore(%arg19 : memref<!tpu.dma_semaphore, #tpu.memory_space<semaphore_mem>>) src(%arg10 : memref<64x128xf32, #tpu.memory_space<vmem>>) dst(%dma_wait3A_287 : memref<10240x128xf32, #tpu.memory_space<vmem_shared>>)
        %add3A_288 = arith.constant 4 : i32
        %add3A_289 = arith.addi %add3A_179, %add3A_288 : i32
        %add3A_290 = arith.constant 2 : i32
        %add3A_291 = arith.addi %add3A_289, %add3A_290 : i32
        %dma_start3A_292 = arith.constant 0 : i32
        %dma_start3A_293 = tpu.memref_slice %arg6[%add3A_291, %dma_start3A_292] : memref<40x64xi32, #tpu.memory_space<vmem>> -> memref<1x64xi32, #tpu.memory_space<vmem>>
        %dma_start3A_294 = tpu.memref_squeeze %dma_start3A_293 : memref<1x64xi32, #tpu.memory_space<vmem>> -> memref<64xi32, #tpu.memory_space<vmem>>
        %dma_start3A_295 = arith.constant 0 : i32
        %dma_start3A_296 = arith.constant 0 : i32
        %dma_start3A_297 = tpu.memref_slice %arg2[%dma_start3A_295, %dma_start3A_296] : memref<10240x128xf32, #tpu.memory_space<hbm>> -> memref<10240x128xf32, #tpu.memory_space<hbm>>
        tpu.enqueue_indirect_dma source(%dma_start3A_297 : memref<10240x128xf32, #tpu.memory_space<hbm>>) target(%arg10 : memref<64x128xf32, #tpu.memory_space<vmem>>) offsets(%dma_start3A_294 : memref<64xi32, #tpu.memory_space<vmem>>) semaphore(%arg15 : memref<!tpu.dma_semaphore, #tpu.memory_space<semaphore_mem>>)
        %add3A_298 = arith.constant 3 : i32
        %add3A_299 = arith.addi %add3A_179, %add3A_298 : i32
        %dma_wait3A_300 = arith.constant 0 : i32
        %dma_wait3A_301 = tpu.memref_slice %arg7[%add3A_299, %dma_wait3A_300] : memref<40x64xi32, #tpu.memory_space<vmem>> -> memref<1x64xi32, #tpu.memory_space<vmem>>
        %dma_wait3A_302 = tpu.memref_squeeze %dma_wait3A_301 : memref<1x64xi32, #tpu.memory_space<vmem>> -> memref<64xi32, #tpu.memory_space<vmem>>
        %dma_wait3A_303 = arith.constant 0 : i32
        %dma_wait3A_304 = arith.constant 0 : i32
        %dma_wait3A_305 = tpu.memref_slice %arg12[%dma_wait3A_303, %dma_wait3A_304] : memref<10240x128xf32, #tpu.memory_space<vmem_shared>> -> memref<10240x128xf32, #tpu.memory_space<vmem_shared>>
        tpu.wait_indirect_dma semaphore(%arg20 : memref<!tpu.dma_semaphore, #tpu.memory_space<semaphore_mem>>) src(%arg11 : memref<64x128xf32, #tpu.memory_space<vmem>>) dst(%dma_wait3A_305 : memref<10240x128xf32, #tpu.memory_space<vmem_shared>>)
        %add3A_306 = arith.constant 4 : i32
        %add3A_307 = arith.addi %add3A_179, %add3A_306 : i32
        %add3A_308 = arith.constant 3 : i32
        %add3A_309 = arith.addi %add3A_307, %add3A_308 : i32
        %dma_start3A_310 = arith.constant 0 : i32
        %dma_start3A_311 = tpu.memref_slice %arg6[%add3A_309, %dma_start3A_310] : memref<40x64xi32, #tpu.memory_space<vmem>> -> memref<1x64xi32, #tpu.memory_space<vmem>>
        %dma_start3A_312 = tpu.memref_squeeze %dma_start3A_311 : memref<1x64xi32, #tpu.memory_space<vmem>> -> memref<64xi32, #tpu.memory_space<vmem>>
        %dma_start3A_313 = arith.constant 0 : i32
        %dma_start3A_314 = arith.constant 0 : i32
        %dma_start3A_315 = tpu.memref_slice %arg2[%dma_start3A_313, %dma_start3A_314] : memref<10240x128xf32, #tpu.memory_space<hbm>> -> memref<10240x128xf32, #tpu.memory_space<hbm>>
        tpu.enqueue_indirect_dma source(%dma_start3A_315 : memref<10240x128xf32, #tpu.memory_space<hbm>>) target(%arg11 : memref<64x128xf32, #tpu.memory_space<vmem>>) offsets(%dma_start3A_312 : memref<64xi32, #tpu.memory_space<vmem>>) semaphore(%arg16 : memref<!tpu.dma_semaphore, #tpu.memory_space<semaphore_mem>>)
      }
      %scan3A_91 = arith.constant 9 : i32
      %dma_wait3A = arith.constant 36 : i32
      %dma_wait3A_92 = arith.constant 0 : i32
      %dma_wait3A_93 = tpu.memref_slice %arg6[%dma_wait3A, %dma_wait3A_92] : memref<40x64xi32, #tpu.memory_space<vmem>> -> memref<1x64xi32, #tpu.memory_space<vmem>>
      %dma_wait3A_94 = tpu.memref_squeeze %dma_wait3A_93 : memref<1x64xi32, #tpu.memory_space<vmem>> -> memref<64xi32, #tpu.memory_space<vmem>>
      %dma_wait3A_95 = arith.constant 0 : i32
      %dma_wait3A_96 = arith.constant 0 : i32
      %dma_wait3A_97 = tpu.memref_slice %arg2[%dma_wait3A_95, %dma_wait3A_96] : memref<10240x128xf32, #tpu.memory_space<hbm>> -> memref<10240x128xf32, #tpu.memory_space<hbm>>
      tpu.wait_indirect_dma semaphore(%arg13 : memref<!tpu.dma_semaphore, #tpu.memory_space<semaphore_mem>>) src(%dma_wait3A_97 : memref<10240x128xf32, #tpu.memory_space<hbm>>) dst(%arg8 : memref<64x128xf32, #tpu.memory_space<vmem>>)
      %dma_start3A_98 = arith.constant 36 : i32
      %dma_start3A_99 = arith.constant 0 : i32
      %dma_start3A_100 = tpu.memref_slice %arg7[%dma_start3A_98, %dma_start3A_99] : memref<40x64xi32, #tpu.memory_space<vmem>> -> memref<1x64xi32, #tpu.memory_space<vmem>>
      %dma_start3A_101 = tpu.memref_squeeze %dma_start3A_100 : memref<1x64xi32, #tpu.memory_space<vmem>> -> memref<64xi32, #tpu.memory_space<vmem>>
      %dma_start3A_102 = arith.constant 0 : i32
      %dma_start3A_103 = arith.constant 0 : i32
      %dma_start3A_104 = tpu.memref_slice %arg12[%dma_start3A_102, %dma_start3A_103] : memref<10240x128xf32, #tpu.memory_space<vmem_shared>> -> memref<10240x128xf32, #tpu.memory_space<vmem_shared>>
      tpu.enqueue_indirect_dma source(%arg8 : memref<64x128xf32, #tpu.memory_space<vmem>>) target(%dma_start3A_104 : memref<10240x128xf32, #tpu.memory_space<vmem_shared>>) offsets(%dma_start3A_101 : memref<64xi32, #tpu.memory_space<vmem>>) semaphore(%arg17 : memref<!tpu.dma_semaphore, #tpu.memory_space<semaphore_mem>>) {add = true}
      %dma_wait3A_105 = arith.constant 37 : i32
      %dma_wait3A_106 = arith.constant 0 : i32
      %dma_wait3A_107 = tpu.memref_slice %arg6[%dma_wait3A_105, %dma_wait3A_106] : memref<40x64xi32, #tpu.memory_space<vmem>> -> memref<1x64xi32, #tpu.memory_space<vmem>>
      %dma_wait3A_108 = tpu.memref_squeeze %dma_wait3A_107 : memref<1x64xi32, #tpu.memory_space<vmem>> -> memref<64xi32, #tpu.memory_space<vmem>>
      %dma_wait3A_109 = arith.constant 0 : i32
      %dma_wait3A_110 = arith.constant 0 : i32
      %dma_wait3A_111 = tpu.memref_slice %arg2[%dma_wait3A_109, %dma_wait3A_110] : memref<10240x128xf32, #tpu.memory_space<hbm>> -> memref<10240x128xf32, #tpu.memory_space<hbm>>
      tpu.wait_indirect_dma semaphore(%arg14 : memref<!tpu.dma_semaphore, #tpu.memory_space<semaphore_mem>>) src(%dma_wait3A_111 : memref<10240x128xf32, #tpu.memory_space<hbm>>) dst(%arg9 : memref<64x128xf32, #tpu.memory_space<vmem>>)
      %dma_start3A_112 = arith.constant 37 : i32
      %dma_start3A_113 = arith.constant 0 : i32
      %dma_start3A_114 = tpu.memref_slice %arg7[%dma_start3A_112, %dma_start3A_113] : memref<40x64xi32, #tpu.memory_space<vmem>> -> memref<1x64xi32, #tpu.memory_space<vmem>>
      %dma_start3A_115 = tpu.memref_squeeze %dma_start3A_114 : memref<1x64xi32, #tpu.memory_space<vmem>> -> memref<64xi32, #tpu.memory_space<vmem>>
      %dma_start3A_116 = arith.constant 0 : i32
      %dma_start3A_117 = arith.constant 0 : i32
      %dma_start3A_118 = tpu.memref_slice %arg12[%dma_start3A_116, %dma_start3A_117] : memref<10240x128xf32, #tpu.memory_space<vmem_shared>> -> memref<10240x128xf32, #tpu.memory_space<vmem_shared>>
      tpu.enqueue_indirect_dma source(%arg9 : memref<64x128xf32, #tpu.memory_space<vmem>>) target(%dma_start3A_118 : memref<10240x128xf32, #tpu.memory_space<vmem_shared>>) offsets(%dma_start3A_115 : memref<64xi32, #tpu.memory_space<vmem>>) semaphore(%arg18 : memref<!tpu.dma_semaphore, #tpu.memory_space<semaphore_mem>>) {add = true}
      %dma_wait3A_119 = arith.constant 38 : i32
      %dma_wait3A_120 = arith.constant 0 : i32
      %dma_wait3A_121 = tpu.memref_slice %arg6[%dma_wait3A_119, %dma_wait3A_120] : memref<40x64xi32, #tpu.memory_space<vmem>> -> memref<1x64xi32, #tpu.memory_space<vmem>>
      %dma_wait3A_122 = tpu.memref_squeeze %dma_wait3A_121 : memref<1x64xi32, #tpu.memory_space<vmem>> -> memref<64xi32, #tpu.memory_space<vmem>>
      %dma_wait3A_123 = arith.constant 0 : i32
      %dma_wait3A_124 = arith.constant 0 : i32
      %dma_wait3A_125 = tpu.memref_slice %arg2[%dma_wait3A_123, %dma_wait3A_124] : memref<10240x128xf32, #tpu.memory_space<hbm>> -> memref<10240x128xf32, #tpu.memory_space<hbm>>
      tpu.wait_indirect_dma semaphore(%arg15 : memref<!tpu.dma_semaphore, #tpu.memory_space<semaphore_mem>>) src(%dma_wait3A_125 : memref<10240x128xf32, #tpu.memory_space<hbm>>) dst(%arg10 : memref<64x128xf32, #tpu.memory_space<vmem>>)
      %dma_start3A_126 = arith.constant 38 : i32
      %dma_start3A_127 = arith.constant 0 : i32
      %dma_start3A_128 = tpu.memref_slice %arg7[%dma_start3A_126, %dma_start3A_127] : memref<40x64xi32, #tpu.memory_space<vmem>> -> memref<1x64xi32, #tpu.memory_space<vmem>>
      %dma_start3A_129 = tpu.memref_squeeze %dma_start3A_128 : memref<1x64xi32, #tpu.memory_space<vmem>> -> memref<64xi32, #tpu.memory_space<vmem>>
      %dma_start3A_130 = arith.constant 0 : i32
      %dma_start3A_131 = arith.constant 0 : i32
      %dma_start3A_132 = tpu.memref_slice %arg12[%dma_start3A_130, %dma_start3A_131] : memref<10240x128xf32, #tpu.memory_space<vmem_shared>> -> memref<10240x128xf32, #tpu.memory_space<vmem_shared>>
      tpu.enqueue_indirect_dma source(%arg10 : memref<64x128xf32, #tpu.memory_space<vmem>>) target(%dma_start3A_132 : memref<10240x128xf32, #tpu.memory_space<vmem_shared>>) offsets(%dma_start3A_129 : memref<64xi32, #tpu.memory_space<vmem>>) semaphore(%arg19 : memref<!tpu.dma_semaphore, #tpu.memory_space<semaphore_mem>>) {add = true}
      %dma_wait3A_133 = arith.constant 39 : i32
      %dma_wait3A_134 = arith.constant 0 : i32
      %dma_wait3A_135 = tpu.memref_slice %arg6[%dma_wait3A_133, %dma_wait3A_134] : memref<40x64xi32, #tpu.memory_space<vmem>> -> memref<1x64xi32, #tpu.memory_space<vmem>>
      %dma_wait3A_136 = tpu.memref_squeeze %dma_wait3A_135 : memref<1x64xi32, #tpu.memory_space<vmem>> -> memref<64xi32, #tpu.memory_space<vmem>>
      %dma_wait3A_137 = arith.constant 0 : i32
      %dma_wait3A_138 = arith.constant 0 : i32
      %dma_wait3A_139 = tpu.memref_slice %arg2[%dma_wait3A_137, %dma_wait3A_138] : memref<10240x128xf32, #tpu.memory_space<hbm>> -> memref<10240x128xf32, #tpu.memory_space<hbm>>
      tpu.wait_indirect_dma semaphore(%arg16 : memref<!tpu.dma_semaphore, #tpu.memory_space<semaphore_mem>>) src(%dma_wait3A_139 : memref<10240x128xf32, #tpu.memory_space<hbm>>) dst(%arg11 : memref<64x128xf32, #tpu.memory_space<vmem>>)
      %dma_start3A_140 = arith.constant 39 : i32
      %dma_start3A_141 = arith.constant 0 : i32
      %dma_start3A_142 = tpu.memref_slice %arg7[%dma_start3A_140, %dma_start3A_141] : memref<40x64xi32, #tpu.memory_space<vmem>> -> memref<1x64xi32, #tpu.memory_space<vmem>>
      %dma_start3A_143 = tpu.memref_squeeze %dma_start3A_142 : memref<1x64xi32, #tpu.memory_space<vmem>> -> memref<64xi32, #tpu.memory_space<vmem>>
      %dma_start3A_144 = arith.constant 0 : i32
      %dma_start3A_145 = arith.constant 0 : i32
      %dma_start3A_146 = tpu.memref_slice %arg12[%dma_start3A_144, %dma_start3A_145] : memref<10240x128xf32, #tpu.memory_space<vmem_shared>> -> memref<10240x128xf32, #tpu.memory_space<vmem_shared>>
      tpu.enqueue_indirect_dma source(%arg11 : memref<64x128xf32, #tpu.memory_space<vmem>>) target(%dma_start3A_146 : memref<10240x128xf32, #tpu.memory_space<vmem_shared>>) offsets(%dma_start3A_143 : memref<64xi32, #tpu.memory_space<vmem>>) semaphore(%arg20 : memref<!tpu.dma_semaphore, #tpu.memory_space<semaphore_mem>>) {add = true}
      %dma_wait3A_147 = arith.constant 36 : i32
      %dma_wait3A_148 = arith.constant 0 : i32
      %dma_wait3A_149 = tpu.memref_slice %arg7[%dma_wait3A_147, %dma_wait3A_148] : memref<40x64xi32, #tpu.memory_space<vmem>> -> memref<1x64xi32, #tpu.memory_space<vmem>>
      %dma_wait3A_150 = tpu.memref_squeeze %dma_wait3A_149 : memref<1x64xi32, #tpu.memory_space<vmem>> -> memref<64xi32, #tpu.memory_space<vmem>>
      %dma_wait3A_151 = arith.constant 0 : i32
      %dma_wait3A_152 = arith.constant 0 : i32
      %dma_wait3A_153 = tpu.memref_slice %arg12[%dma_wait3A_151, %dma_wait3A_152] : memref<10240x128xf32, #tpu.memory_space<vmem_shared>> -> memref<10240x128xf32, #tpu.memory_space<vmem_shared>>
      tpu.wait_indirect_dma semaphore(%arg17 : memref<!tpu.dma_semaphore, #tpu.memory_space<semaphore_mem>>) src(%arg8 : memref<64x128xf32, #tpu.memory_space<vmem>>) dst(%dma_wait3A_153 : memref<10240x128xf32, #tpu.memory_space<vmem_shared>>)
      %dma_wait3A_154 = arith.constant 37 : i32
      %dma_wait3A_155 = arith.constant 0 : i32
      %dma_wait3A_156 = tpu.memref_slice %arg7[%dma_wait3A_154, %dma_wait3A_155] : memref<40x64xi32, #tpu.memory_space<vmem>> -> memref<1x64xi32, #tpu.memory_space<vmem>>
      %dma_wait3A_157 = tpu.memref_squeeze %dma_wait3A_156 : memref<1x64xi32, #tpu.memory_space<vmem>> -> memref<64xi32, #tpu.memory_space<vmem>>
      %dma_wait3A_158 = arith.constant 0 : i32
      %dma_wait3A_159 = arith.constant 0 : i32
      %dma_wait3A_160 = tpu.memref_slice %arg12[%dma_wait3A_158, %dma_wait3A_159] : memref<10240x128xf32, #tpu.memory_space<vmem_shared>> -> memref<10240x128xf32, #tpu.memory_space<vmem_shared>>
      tpu.wait_indirect_dma semaphore(%arg18 : memref<!tpu.dma_semaphore, #tpu.memory_space<semaphore_mem>>) src(%arg9 : memref<64x128xf32, #tpu.memory_space<vmem>>) dst(%dma_wait3A_160 : memref<10240x128xf32, #tpu.memory_space<vmem_shared>>)
      %dma_wait3A_161 = arith.constant 38 : i32
      %dma_wait3A_162 = arith.constant 0 : i32
      %dma_wait3A_163 = tpu.memref_slice %arg7[%dma_wait3A_161, %dma_wait3A_162] : memref<40x64xi32, #tpu.memory_space<vmem>> -> memref<1x64xi32, #tpu.memory_space<vmem>>
      %dma_wait3A_164 = tpu.memref_squeeze %dma_wait3A_163 : memref<1x64xi32, #tpu.memory_space<vmem>> -> memref<64xi32, #tpu.memory_space<vmem>>
      %dma_wait3A_165 = arith.constant 0 : i32
      %dma_wait3A_166 = arith.constant 0 : i32
      %dma_wait3A_167 = tpu.memref_slice %arg12[%dma_wait3A_165, %dma_wait3A_166] : memref<10240x128xf32, #tpu.memory_space<vmem_shared>> -> memref<10240x128xf32, #tpu.memory_space<vmem_shared>>
      tpu.wait_indirect_dma semaphore(%arg19 : memref<!tpu.dma_semaphore, #tpu.memory_space<semaphore_mem>>) src(%arg10 : memref<64x128xf32, #tpu.memory_space<vmem>>) dst(%dma_wait3A_167 : memref<10240x128xf32, #tpu.memory_space<vmem_shared>>)
      %dma_wait3A_168 = arith.constant 39 : i32
      %dma_wait3A_169 = arith.constant 0 : i32
      %dma_wait3A_170 = tpu.memref_slice %arg7[%dma_wait3A_168, %dma_wait3A_169] : memref<40x64xi32, #tpu.memory_space<vmem>> -> memref<1x64xi32, #tpu.memory_space<vmem>>
      %dma_wait3A_171 = tpu.memref_squeeze %dma_wait3A_170 : memref<1x64xi32, #tpu.memory_space<vmem>> -> memref<64xi32, #tpu.memory_space<vmem>>
      %dma_wait3A_172 = arith.constant 0 : i32
      %dma_wait3A_173 = arith.constant 0 : i32
      %dma_wait3A_174 = tpu.memref_slice %arg12[%dma_wait3A_172, %dma_wait3A_173] : memref<10240x128xf32, #tpu.memory_space<vmem_shared>> -> memref<10240x128xf32, #tpu.memory_space<vmem_shared>>
      tpu.wait_indirect_dma semaphore(%arg20 : memref<!tpu.dma_semaphore, #tpu.memory_space<semaphore_mem>>) src(%arg11 : memref<64x128xf32, #tpu.memory_space<vmem>>) dst(%dma_wait3A_174 : memref<10240x128xf32, #tpu.memory_space<vmem_shared>>)
    }
    %while3A_48 = arith.constant 1 : i32
    scf.for %while3A_54 = %while3A_46 to %while3A_42 step %while3A_48  : i32 {
      %mul3A_55 = arith.muli %while3A_54, %while3A : i32
      %add3A_56 = arith.addi %while3A_39, %mul3A_55 : i32
      %mul3A_57 = arith.constant 40 : i32
      %mul3A_58 = arith.muli %add3A_56, %mul3A_57 : i32
      %add3A_59 = arith.addi %add3A, %mul3A_58 : i32
      %multiple_of3A = tpu.assume_multiple %add3A_59, 40 : i32
      "tpu.region"() ({
        %run_scoped3A = tpu.sem_alloc : memref<!tpu.dma_semaphore, #tpu.memory_space<semaphore_mem>>
        %dma_start3A_175 = arith.constant 0 : i32
        %dma_start3A_176 = tpu.memref_slice %arg3[%multiple_of3A, %dma_start3A_175] : memref<5120x64xi32, #tpu.memory_space<hbm>> -> memref<40x64xi32, #tpu.memory_space<hbm>>
        %dma_start3A_177 = arith.constant 0 : i32
        %dma_start3A_178 = tpu.memref_slice %arg3[%multiple_of3A, %dma_start3A_177] : memref<5120x64xi32, #tpu.memory_space<hbm>> -> memref<40x64xi32, #tpu.memory_space<hbm>>
        tpu.enqueue_dma source(%dma_start3A_178 : memref<40x64xi32, #tpu.memory_space<hbm>>) target(%arg6 : memref<40x64xi32, #tpu.memory_space<vmem>>) target_semaphore(%run_scoped3A : memref<!tpu.dma_semaphore, #tpu.memory_space<semaphore_mem>>)
        %dma_wait3A_179 = arith.constant 0 : i32
        %dma_wait3A_180 = tpu.memref_slice %arg3[%multiple_of3A, %dma_wait3A_179] : memref<5120x64xi32, #tpu.memory_space<hbm>> -> memref<40x64xi32, #tpu.memory_space<hbm>>
        %dma_wait3A_181 = arith.constant 0 : i32
        %dma_wait3A_182 = tpu.memref_slice %arg3[%multiple_of3A, %dma_wait3A_181] : memref<5120x64xi32, #tpu.memory_space<hbm>> -> memref<40x64xi32, #tpu.memory_space<hbm>>
        tpu.wait_dma2 semaphore(%run_scoped3A : memref<!tpu.dma_semaphore, #tpu.memory_space<semaphore_mem>>) src(%dma_wait3A_182 : memref<40x64xi32, #tpu.memory_space<hbm>>) dst(%arg6 : memref<40x64xi32, #tpu.memory_space<vmem>>)
        tpu.yield
      }) : () -> ()
      "tpu.region"() ({
        %run_scoped3A = tpu.sem_alloc : memref<!tpu.dma_semaphore, #tpu.memory_space<semaphore_mem>>
        %dma_start3A_175 = arith.constant 0 : i32
        %dma_start3A_176 = tpu.memref_slice %arg4[%multiple_of3A, %dma_start3A_175] : memref<5120x64xi32, #tpu.memory_space<hbm>> -> memref<40x64xi32, #tpu.memory_space<hbm>>
        %dma_start3A_177 = arith.constant 0 : i32
        %dma_start3A_178 = tpu.memref_slice %arg4[%multiple_of3A, %dma_start3A_177] : memref<5120x64xi32, #tpu.memory_space<hbm>> -> memref<40x64xi32, #tpu.memory_space<hbm>>
        tpu.enqueue_dma source(%dma_start3A_178 : memref<40x64xi32, #tpu.memory_space<hbm>>) target(%arg7 : memref<40x64xi32, #tpu.memory_space<vmem>>) target_semaphore(%run_scoped3A : memref<!tpu.dma_semaphore, #tpu.memory_space<semaphore_mem>>)
        %dma_wait3A_179 = arith.constant 0 : i32
        %dma_wait3A_180 = tpu.memref_slice %arg4[%multiple_of3A, %dma_wait3A_179] : memref<5120x64xi32, #tpu.memory_space<hbm>> -> memref<40x64xi32, #tpu.memory_space<hbm>>
        %dma_wait3A_181 = arith.constant 0 : i32
        %dma_wait3A_182 = tpu.memref_slice %arg4[%multiple_of3A, %dma_wait3A_181] : memref<5120x64xi32, #tpu.memory_space<hbm>> -> memref<40x64xi32, #tpu.memory_space<hbm>>
        tpu.wait_dma2 semaphore(%run_scoped3A : memref<!tpu.dma_semaphore, #tpu.memory_space<semaphore_mem>>) src(%dma_wait3A_182 : memref<40x64xi32, #tpu.memory_space<hbm>>) dst(%arg7 : memref<40x64xi32, #tpu.memory_space<vmem>>)
        tpu.yield
      }) : () -> ()
      %dma_start3A = arith.constant 0 : i32
      %dma_start3A_60 = arith.constant 0 : i32
      %dma_start3A_61 = tpu.memref_slice %arg6[%dma_start3A, %dma_start3A_60] : memref<40x64xi32, #tpu.memory_space<vmem>> -> memref<1x64xi32, #tpu.memory_space<vmem>>
      %dma_start3A_62 = tpu.memref_squeeze %dma_start3A_61 : memref<1x64xi32, #tpu.memory_space<vmem>> -> memref<64xi32, #tpu.memory_space<vmem>>
      %dma_start3A_63 = arith.constant 0 : i32
      %dma_start3A_64 = arith.constant 0 : i32
      %dma_start3A_65 = tpu.memref_slice %arg2[%dma_start3A_63, %dma_start3A_64] : memref<10240x128xf32, #tpu.memory_space<hbm>> -> memref<10240x128xf32, #tpu.memory_space<hbm>>
      tpu.enqueue_indirect_dma source(%dma_start3A_65 : memref<10240x128xf32, #tpu.memory_space<hbm>>) target(%arg8 : memref<64x128xf32, #tpu.memory_space<vmem>>) offsets(%dma_start3A_62 : memref<64xi32, #tpu.memory_space<vmem>>) semaphore(%arg13 : memref<!tpu.dma_semaphore, #tpu.memory_space<semaphore_mem>>)
      %dma_start3A_66 = arith.constant 1 : i32
      %dma_start3A_67 = arith.constant 0 : i32
      %dma_start3A_68 = tpu.memref_slice %arg6[%dma_start3A_66, %dma_start3A_67] : memref<40x64xi32, #tpu.memory_space<vmem>> -> memref<1x64xi32, #tpu.memory_space<vmem>>
      %dma_start3A_69 = tpu.memref_squeeze %dma_start3A_68 : memref<1x64xi32, #tpu.memory_space<vmem>> -> memref<64xi32, #tpu.memory_space<vmem>>
      %dma_start3A_70 = arith.constant 0 : i32
      %dma_start3A_71 = arith.constant 0 : i32
      %dma_start3A_72 = tpu.memref_slice %arg2[%dma_start3A_70, %dma_start3A_71] : memref<10240x128xf32, #tpu.memory_space<hbm>> -> memref<10240x128xf32, #tpu.memory_space<hbm>>
      tpu.enqueue_indirect_dma source(%dma_start3A_72 : memref<10240x128xf32, #tpu.memory_space<hbm>>) target(%arg9 : memref<64x128xf32, #tpu.memory_space<vmem>>) offsets(%dma_start3A_69 : memref<64xi32, #tpu.memory_space<vmem>>) semaphore(%arg14 : memref<!tpu.dma_semaphore, #tpu.memory_space<semaphore_mem>>)
      %dma_start3A_73 = arith.constant 2 : i32
      %dma_start3A_74 = arith.constant 0 : i32
      %dma_start3A_75 = tpu.memref_slice %arg6[%dma_start3A_73, %dma_start3A_74] : memref<40x64xi32, #tpu.memory_space<vmem>> -> memref<1x64xi32, #tpu.memory_space<vmem>>
      %dma_start3A_76 = tpu.memref_squeeze %dma_start3A_75 : memref<1x64xi32, #tpu.memory_space<vmem>> -> memref<64xi32, #tpu.memory_space<vmem>>
      %dma_start3A_77 = arith.constant 0 : i32
      %dma_start3A_78 = arith.constant 0 : i32
      %dma_start3A_79 = tpu.memref_slice %arg2[%dma_start3A_77, %dma_start3A_78] : memref<10240x128xf32, #tpu.memory_space<hbm>> -> memref<10240x128xf32, #tpu.memory_space<hbm>>
      tpu.enqueue_indirect_dma source(%dma_start3A_79 : memref<10240x128xf32, #tpu.memory_space<hbm>>) target(%arg10 : memref<64x128xf32, #tpu.memory_space<vmem>>) offsets(%dma_start3A_76 : memref<64xi32, #tpu.memory_space<vmem>>) semaphore(%arg15 : memref<!tpu.dma_semaphore, #tpu.memory_space<semaphore_mem>>)
      %dma_start3A_80 = arith.constant 3 : i32
      %dma_start3A_81 = arith.constant 0 : i32
      %dma_start3A_82 = tpu.memref_slice %arg6[%dma_start3A_80, %dma_start3A_81] : memref<40x64xi32, #tpu.memory_space<vmem>> -> memref<1x64xi32, #tpu.memory_space<vmem>>
      %dma_start3A_83 = tpu.memref_squeeze %dma_start3A_82 : memref<1x64xi32, #tpu.memory_space<vmem>> -> memref<64xi32, #tpu.memory_space<vmem>>
      %dma_start3A_84 = arith.constant 0 : i32
      %dma_start3A_85 = arith.constant 0 : i32
      %dma_start3A_86 = tpu.memref_slice %arg2[%dma_start3A_84, %dma_start3A_85] : memref<10240x128xf32, #tpu.memory_space<hbm>> -> memref<10240x128xf32, #tpu.memory_space<hbm>>
      tpu.enqueue_indirect_dma source(%dma_start3A_86 : memref<10240x128xf32, #tpu.memory_space<hbm>>) target(%arg11 : memref<64x128xf32, #tpu.memory_space<vmem>>) offsets(%dma_start3A_83 : memref<64xi32, #tpu.memory_space<vmem>>) semaphore(%arg16 : memref<!tpu.dma_semaphore, #tpu.memory_space<semaphore_mem>>)
      %scan3A_87 = arith.constant 0 : i32
      %scan3A_88 = arith.constant 9 : i32
      %scan3A_89 = arith.addi %scan3A_87, %scan3A_88 : i32
      %scan3A_90 = arith.constant 1 : i32
      scf.for %scan3A_175 = %scan3A_87 to %scan3A_89 step %scan3A_90  : i32 {
        %mul3A_176 = arith.constant 4 : i32
        %mul3A_177 = arith.muli %scan3A_175, %mul3A_176 : i32
        %add3A_178 = arith.constant 0 : i32
        %add3A_179 = arith.addi %add3A_178, %mul3A_177 : i32
        %add3A_180 = arith.constant 0 : i32
        %add3A_181 = arith.addi %add3A_179, %add3A_180 : i32
        %dma_wait3A_182 = arith.constant 0 : i32
        %dma_wait3A_183 = tpu.memref_slice %arg6[%add3A_181, %dma_wait3A_182] : memref<40x64xi32, #tpu.memory_space<vmem>> -> memref<1x64xi32, #tpu.memory_space<vmem>>
        %dma_wait3A_184 = tpu.memref_squeeze %dma_wait3A_183 : memref<1x64xi32, #tpu.memory_space<vmem>> -> memref<64xi32, #tpu.memory_space<vmem>>
        %dma_wait3A_185 = arith.constant 0 : i32
        %dma_wait3A_186 = arith.constant 0 : i32
        %dma_wait3A_187 = tpu.memref_slice %arg2[%dma_wait3A_185, %dma_wait3A_186] : memref<10240x128xf32, #tpu.memory_space<hbm>> -> memref<10240x128xf32, #tpu.memory_space<hbm>>
        tpu.wait_indirect_dma semaphore(%arg13 : memref<!tpu.dma_semaphore, #tpu.memory_space<semaphore_mem>>) src(%dma_wait3A_187 : memref<10240x128xf32, #tpu.memory_space<hbm>>) dst(%arg8 : memref<64x128xf32, #tpu.memory_space<vmem>>)
        %add3A_188 = arith.constant 0 : i32
        %add3A_189 = arith.addi %add3A_179, %add3A_188 : i32
        %dma_start3A_190 = arith.constant 0 : i32
        %dma_start3A_191 = tpu.memref_slice %arg7[%add3A_189, %dma_start3A_190] : memref<40x64xi32, #tpu.memory_space<vmem>> -> memref<1x64xi32, #tpu.memory_space<vmem>>
        %dma_start3A_192 = tpu.memref_squeeze %dma_start3A_191 : memref<1x64xi32, #tpu.memory_space<vmem>> -> memref<64xi32, #tpu.memory_space<vmem>>
        %dma_start3A_193 = arith.constant 0 : i32
        %dma_start3A_194 = arith.constant 0 : i32
        %dma_start3A_195 = tpu.memref_slice %arg12[%dma_start3A_193, %dma_start3A_194] : memref<10240x128xf32, #tpu.memory_space<vmem_shared>> -> memref<10240x128xf32, #tpu.memory_space<vmem_shared>>
        tpu.enqueue_indirect_dma source(%arg8 : memref<64x128xf32, #tpu.memory_space<vmem>>) target(%dma_start3A_195 : memref<10240x128xf32, #tpu.memory_space<vmem_shared>>) offsets(%dma_start3A_192 : memref<64xi32, #tpu.memory_space<vmem>>) semaphore(%arg17 : memref<!tpu.dma_semaphore, #tpu.memory_space<semaphore_mem>>) {add = true}
        %add3A_196 = arith.constant 1 : i32
        %add3A_197 = arith.addi %add3A_179, %add3A_196 : i32
        %dma_wait3A_198 = arith.constant 0 : i32
        %dma_wait3A_199 = tpu.memref_slice %arg6[%add3A_197, %dma_wait3A_198] : memref<40x64xi32, #tpu.memory_space<vmem>> -> memref<1x64xi32, #tpu.memory_space<vmem>>
        %dma_wait3A_200 = tpu.memref_squeeze %dma_wait3A_199 : memref<1x64xi32, #tpu.memory_space<vmem>> -> memref<64xi32, #tpu.memory_space<vmem>>
        %dma_wait3A_201 = arith.constant 0 : i32
        %dma_wait3A_202 = arith.constant 0 : i32
        %dma_wait3A_203 = tpu.memref_slice %arg2[%dma_wait3A_201, %dma_wait3A_202] : memref<10240x128xf32, #tpu.memory_space<hbm>> -> memref<10240x128xf32, #tpu.memory_space<hbm>>
        tpu.wait_indirect_dma semaphore(%arg14 : memref<!tpu.dma_semaphore, #tpu.memory_space<semaphore_mem>>) src(%dma_wait3A_203 : memref<10240x128xf32, #tpu.memory_space<hbm>>) dst(%arg9 : memref<64x128xf32, #tpu.memory_space<vmem>>)
        %add3A_204 = arith.constant 1 : i32
        %add3A_205 = arith.addi %add3A_179, %add3A_204 : i32
        %dma_start3A_206 = arith.constant 0 : i32
        %dma_start3A_207 = tpu.memref_slice %arg7[%add3A_205, %dma_start3A_206] : memref<40x64xi32, #tpu.memory_space<vmem>> -> memref<1x64xi32, #tpu.memory_space<vmem>>
        %dma_start3A_208 = tpu.memref_squeeze %dma_start3A_207 : memref<1x64xi32, #tpu.memory_space<vmem>> -> memref<64xi32, #tpu.memory_space<vmem>>
        %dma_start3A_209 = arith.constant 0 : i32
        %dma_start3A_210 = arith.constant 0 : i32
        %dma_start3A_211 = tpu.memref_slice %arg12[%dma_start3A_209, %dma_start3A_210] : memref<10240x128xf32, #tpu.memory_space<vmem_shared>> -> memref<10240x128xf32, #tpu.memory_space<vmem_shared>>
        tpu.enqueue_indirect_dma source(%arg9 : memref<64x128xf32, #tpu.memory_space<vmem>>) target(%dma_start3A_211 : memref<10240x128xf32, #tpu.memory_space<vmem_shared>>) offsets(%dma_start3A_208 : memref<64xi32, #tpu.memory_space<vmem>>) semaphore(%arg18 : memref<!tpu.dma_semaphore, #tpu.memory_space<semaphore_mem>>) {add = true}
        %add3A_212 = arith.constant 2 : i32
        %add3A_213 = arith.addi %add3A_179, %add3A_212 : i32
        %dma_wait3A_214 = arith.constant 0 : i32
        %dma_wait3A_215 = tpu.memref_slice %arg6[%add3A_213, %dma_wait3A_214] : memref<40x64xi32, #tpu.memory_space<vmem>> -> memref<1x64xi32, #tpu.memory_space<vmem>>
        %dma_wait3A_216 = tpu.memref_squeeze %dma_wait3A_215 : memref<1x64xi32, #tpu.memory_space<vmem>> -> memref<64xi32, #tpu.memory_space<vmem>>
        %dma_wait3A_217 = arith.constant 0 : i32
        %dma_wait3A_218 = arith.constant 0 : i32
        %dma_wait3A_219 = tpu.memref_slice %arg2[%dma_wait3A_217, %dma_wait3A_218] : memref<10240x128xf32, #tpu.memory_space<hbm>> -> memref<10240x128xf32, #tpu.memory_space<hbm>>
        tpu.wait_indirect_dma semaphore(%arg15 : memref<!tpu.dma_semaphore, #tpu.memory_space<semaphore_mem>>) src(%dma_wait3A_219 : memref<10240x128xf32, #tpu.memory_space<hbm>>) dst(%arg10 : memref<64x128xf32, #tpu.memory_space<vmem>>)
        %add3A_220 = arith.constant 2 : i32
        %add3A_221 = arith.addi %add3A_179, %add3A_220 : i32
        %dma_start3A_222 = arith.constant 0 : i32
        %dma_start3A_223 = tpu.memref_slice %arg7[%add3A_221, %dma_start3A_222] : memref<40x64xi32, #tpu.memory_space<vmem>> -> memref<1x64xi32, #tpu.memory_space<vmem>>
        %dma_start3A_224 = tpu.memref_squeeze %dma_start3A_223 : memref<1x64xi32, #tpu.memory_space<vmem>> -> memref<64xi32, #tpu.memory_space<vmem>>
        %dma_start3A_225 = arith.constant 0 : i32
        %dma_start3A_226 = arith.constant 0 : i32
        %dma_start3A_227 = tpu.memref_slice %arg12[%dma_start3A_225, %dma_start3A_226] : memref<10240x128xf32, #tpu.memory_space<vmem_shared>> -> memref<10240x128xf32, #tpu.memory_space<vmem_shared>>
        tpu.enqueue_indirect_dma source(%arg10 : memref<64x128xf32, #tpu.memory_space<vmem>>) target(%dma_start3A_227 : memref<10240x128xf32, #tpu.memory_space<vmem_shared>>) offsets(%dma_start3A_224 : memref<64xi32, #tpu.memory_space<vmem>>) semaphore(%arg19 : memref<!tpu.dma_semaphore, #tpu.memory_space<semaphore_mem>>) {add = true}
        %add3A_228 = arith.constant 3 : i32
        %add3A_229 = arith.addi %add3A_179, %add3A_228 : i32
        %dma_wait3A_230 = arith.constant 0 : i32
        %dma_wait3A_231 = tpu.memref_slice %arg6[%add3A_229, %dma_wait3A_230] : memref<40x64xi32, #tpu.memory_space<vmem>> -> memref<1x64xi32, #tpu.memory_space<vmem>>
        %dma_wait3A_232 = tpu.memref_squeeze %dma_wait3A_231 : memref<1x64xi32, #tpu.memory_space<vmem>> -> memref<64xi32, #tpu.memory_space<vmem>>
        %dma_wait3A_233 = arith.constant 0 : i32
        %dma_wait3A_234 = arith.constant 0 : i32
        %dma_wait3A_235 = tpu.memref_slice %arg2[%dma_wait3A_233, %dma_wait3A_234] : memref<10240x128xf32, #tpu.memory_space<hbm>> -> memref<10240x128xf32, #tpu.memory_space<hbm>>
        tpu.wait_indirect_dma semaphore(%arg16 : memref<!tpu.dma_semaphore, #tpu.memory_space<semaphore_mem>>) src(%dma_wait3A_235 : memref<10240x128xf32, #tpu.memory_space<hbm>>) dst(%arg11 : memref<64x128xf32, #tpu.memory_space<vmem>>)
        %add3A_236 = arith.constant 3 : i32
        %add3A_237 = arith.addi %add3A_179, %add3A_236 : i32
        %dma_start3A_238 = arith.constant 0 : i32
        %dma_start3A_239 = tpu.memref_slice %arg7[%add3A_237, %dma_start3A_238] : memref<40x64xi32, #tpu.memory_space<vmem>> -> memref<1x64xi32, #tpu.memory_space<vmem>>
        %dma_start3A_240 = tpu.memref_squeeze %dma_start3A_239 : memref<1x64xi32, #tpu.memory_space<vmem>> -> memref<64xi32, #tpu.memory_space<vmem>>
        %dma_start3A_241 = arith.constant 0 : i32
        %dma_start3A_242 = arith.constant 0 : i32
        %dma_start3A_243 = tpu.memref_slice %arg12[%dma_start3A_241, %dma_start3A_242] : memref<10240x128xf32, #tpu.memory_space<vmem_shared>> -> memref<10240x128xf32, #tpu.memory_space<vmem_shared>>
        tpu.enqueue_indirect_dma source(%arg11 : memref<64x128xf32, #tpu.memory_space<vmem>>) target(%dma_start3A_243 : memref<10240x128xf32, #tpu.memory_space<vmem_shared>>) offsets(%dma_start3A_240 : memref<64xi32, #tpu.memory_space<vmem>>) semaphore(%arg20 : memref<!tpu.dma_semaphore, #tpu.memory_space<semaphore_mem>>) {add = true}
        %add3A_244 = arith.constant 0 : i32
        %add3A_245 = arith.addi %add3A_179, %add3A_244 : i32
        %dma_wait3A_246 = arith.constant 0 : i32
        %dma_wait3A_247 = tpu.memref_slice %arg7[%add3A_245, %dma_wait3A_246] : memref<40x64xi32, #tpu.memory_space<vmem>> -> memref<1x64xi32, #tpu.memory_space<vmem>>
        %dma_wait3A_248 = tpu.memref_squeeze %dma_wait3A_247 : memref<1x64xi32, #tpu.memory_space<vmem>> -> memref<64xi32, #tpu.memory_space<vmem>>
        %dma_wait3A_249 = arith.constant 0 : i32
        %dma_wait3A_250 = arith.constant 0 : i32
        %dma_wait3A_251 = tpu.memref_slice %arg12[%dma_wait3A_249, %dma_wait3A_250] : memref<10240x128xf32, #tpu.memory_space<vmem_shared>> -> memref<10240x128xf32, #tpu.memory_space<vmem_shared>>
        tpu.wait_indirect_dma semaphore(%arg17 : memref<!tpu.dma_semaphore, #tpu.memory_space<semaphore_mem>>) src(%arg8 : memref<64x128xf32, #tpu.memory_space<vmem>>) dst(%dma_wait3A_251 : memref<10240x128xf32, #tpu.memory_space<vmem_shared>>)
        %add3A_252 = arith.constant 4 : i32
        %add3A_253 = arith.addi %add3A_179, %add3A_252 : i32
        %add3A_254 = arith.constant 0 : i32
        %add3A_255 = arith.addi %add3A_253, %add3A_254 : i32
        %dma_start3A_256 = arith.constant 0 : i32
        %dma_start3A_257 = tpu.memref_slice %arg6[%add3A_255, %dma_start3A_256] : memref<40x64xi32, #tpu.memory_space<vmem>> -> memref<1x64xi32, #tpu.memory_space<vmem>>
        %dma_start3A_258 = tpu.memref_squeeze %dma_start3A_257 : memref<1x64xi32, #tpu.memory_space<vmem>> -> memref<64xi32, #tpu.memory_space<vmem>>
        %dma_start3A_259 = arith.constant 0 : i32
        %dma_start3A_260 = arith.constant 0 : i32
        %dma_start3A_261 = tpu.memref_slice %arg2[%dma_start3A_259, %dma_start3A_260] : memref<10240x128xf32, #tpu.memory_space<hbm>> -> memref<10240x128xf32, #tpu.memory_space<hbm>>
        tpu.enqueue_indirect_dma source(%dma_start3A_261 : memref<10240x128xf32, #tpu.memory_space<hbm>>) target(%arg8 : memref<64x128xf32, #tpu.memory_space<vmem>>) offsets(%dma_start3A_258 : memref<64xi32, #tpu.memory_space<vmem>>) semaphore(%arg13 : memref<!tpu.dma_semaphore, #tpu.memory_space<semaphore_mem>>)
        %add3A_262 = arith.constant 1 : i32
        %add3A_263 = arith.addi %add3A_179, %add3A_262 : i32
        %dma_wait3A_264 = arith.constant 0 : i32
        %dma_wait3A_265 = tpu.memref_slice %arg7[%add3A_263, %dma_wait3A_264] : memref<40x64xi32, #tpu.memory_space<vmem>> -> memref<1x64xi32, #tpu.memory_space<vmem>>
        %dma_wait3A_266 = tpu.memref_squeeze %dma_wait3A_265 : memref<1x64xi32, #tpu.memory_space<vmem>> -> memref<64xi32, #tpu.memory_space<vmem>>
        %dma_wait3A_267 = arith.constant 0 : i32
        %dma_wait3A_268 = arith.constant 0 : i32
        %dma_wait3A_269 = tpu.memref_slice %arg12[%dma_wait3A_267, %dma_wait3A_268] : memref<10240x128xf32, #tpu.memory_space<vmem_shared>> -> memref<10240x128xf32, #tpu.memory_space<vmem_shared>>
        tpu.wait_indirect_dma semaphore(%arg18 : memref<!tpu.dma_semaphore, #tpu.memory_space<semaphore_mem>>) src(%arg9 : memref<64x128xf32, #tpu.memory_space<vmem>>) dst(%dma_wait3A_269 : memref<10240x128xf32, #tpu.memory_space<vmem_shared>>)
        %add3A_270 = arith.constant 4 : i32
        %add3A_271 = arith.addi %add3A_179, %add3A_270 : i32
        %add3A_272 = arith.constant 1 : i32
        %add3A_273 = arith.addi %add3A_271, %add3A_272 : i32
        %dma_start3A_274 = arith.constant 0 : i32
        %dma_start3A_275 = tpu.memref_slice %arg6[%add3A_273, %dma_start3A_274] : memref<40x64xi32, #tpu.memory_space<vmem>> -> memref<1x64xi32, #tpu.memory_space<vmem>>
        %dma_start3A_276 = tpu.memref_squeeze %dma_start3A_275 : memref<1x64xi32, #tpu.memory_space<vmem>> -> memref<64xi32, #tpu.memory_space<vmem>>
        %dma_start3A_277 = arith.constant 0 : i32
        %dma_start3A_278 = arith.constant 0 : i32
        %dma_start3A_279 = tpu.memref_slice %arg2[%dma_start3A_277, %dma_start3A_278] : memref<10240x128xf32, #tpu.memory_space<hbm>> -> memref<10240x128xf32, #tpu.memory_space<hbm>>
        tpu.enqueue_indirect_dma source(%dma_start3A_279 : memref<10240x128xf32, #tpu.memory_space<hbm>>) target(%arg9 : memref<64x128xf32, #tpu.memory_space<vmem>>) offsets(%dma_start3A_276 : memref<64xi32, #tpu.memory_space<vmem>>) semaphore(%arg14 : memref<!tpu.dma_semaphore, #tpu.memory_space<semaphore_mem>>)
        %add3A_280 = arith.constant 2 : i32
        %add3A_281 = arith.addi %add3A_179, %add3A_280 : i32
        %dma_wait3A_282 = arith.constant 0 : i32
        %dma_wait3A_283 = tpu.memref_slice %arg7[%add3A_281, %dma_wait3A_282] : memref<40x64xi32, #tpu.memory_space<vmem>> -> memref<1x64xi32, #tpu.memory_space<vmem>>
        %dma_wait3A_284 = tpu.memref_squeeze %dma_wait3A_283 : memref<1x64xi32, #tpu.memory_space<vmem>> -> memref<64xi32, #tpu.memory_space<vmem>>
        %dma_wait3A_285 = arith.constant 0 : i32
        %dma_wait3A_286 = arith.constant 0 : i32
        %dma_wait3A_287 = tpu.memref_slice %arg12[%dma_wait3A_285, %dma_wait3A_286] : memref<10240x128xf32, #tpu.memory_space<vmem_shared>> -> memref<10240x128xf32, #tpu.memory_space<vmem_shared>>
        tpu.wait_indirect_dma semaphore(%arg19 : memref<!tpu.dma_semaphore, #tpu.memory_space<semaphore_mem>>) src(%arg10 : memref<64x128xf32, #tpu.memory_space<vmem>>) dst(%dma_wait3A_287 : memref<10240x128xf32, #tpu.memory_space<vmem_shared>>)
        %add3A_288 = arith.constant 4 : i32
        %add3A_289 = arith.addi %add3A_179, %add3A_288 : i32
        %add3A_290 = arith.constant 2 : i32
        %add3A_291 = arith.addi %add3A_289, %add3A_290 : i32
        %dma_start3A_292 = arith.constant 0 : i32
        %dma_start3A_293 = tpu.memref_slice %arg6[%add3A_291, %dma_start3A_292] : memref<40x64xi32, #tpu.memory_space<vmem>> -> memref<1x64xi32, #tpu.memory_space<vmem>>
        %dma_start3A_294 = tpu.memref_squeeze %dma_start3A_293 : memref<1x64xi32, #tpu.memory_space<vmem>> -> memref<64xi32, #tpu.memory_space<vmem>>
        %dma_start3A_295 = arith.constant 0 : i32
        %dma_start3A_296 = arith.constant 0 : i32
        %dma_start3A_297 = tpu.memref_slice %arg2[%dma_start3A_295, %dma_start3A_296] : memref<10240x128xf32, #tpu.memory_space<hbm>> -> memref<10240x128xf32, #tpu.memory_space<hbm>>
        tpu.enqueue_indirect_dma source(%dma_start3A_297 : memref<10240x128xf32, #tpu.memory_space<hbm>>) target(%arg10 : memref<64x128xf32, #tpu.memory_space<vmem>>) offsets(%dma_start3A_294 : memref<64xi32, #tpu.memory_space<vmem>>) semaphore(%arg15 : memref<!tpu.dma_semaphore, #tpu.memory_space<semaphore_mem>>)
        %add3A_298 = arith.constant 3 : i32
        %add3A_299 = arith.addi %add3A_179, %add3A_298 : i32
        %dma_wait3A_300 = arith.constant 0 : i32
        %dma_wait3A_301 = tpu.memref_slice %arg7[%add3A_299, %dma_wait3A_300] : memref<40x64xi32, #tpu.memory_space<vmem>> -> memref<1x64xi32, #tpu.memory_space<vmem>>
        %dma_wait3A_302 = tpu.memref_squeeze %dma_wait3A_301 : memref<1x64xi32, #tpu.memory_space<vmem>> -> memref<64xi32, #tpu.memory_space<vmem>>
        %dma_wait3A_303 = arith.constant 0 : i32
        %dma_wait3A_304 = arith.constant 0 : i32
        %dma_wait3A_305 = tpu.memref_slice %arg12[%dma_wait3A_303, %dma_wait3A_304] : memref<10240x128xf32, #tpu.memory_space<vmem_shared>> -> memref<10240x128xf32, #tpu.memory_space<vmem_shared>>
        tpu.wait_indirect_dma semaphore(%arg20 : memref<!tpu.dma_semaphore, #tpu.memory_space<semaphore_mem>>) src(%arg11 : memref<64x128xf32, #tpu.memory_space<vmem>>) dst(%dma_wait3A_305 : memref<10240x128xf32, #tpu.memory_space<vmem_shared>>)
        %add3A_306 = arith.constant 4 : i32
        %add3A_307 = arith.addi %add3A_179, %add3A_306 : i32
        %add3A_308 = arith.constant 3 : i32
        %add3A_309 = arith.addi %add3A_307, %add3A_308 : i32
        %dma_start3A_310 = arith.constant 0 : i32
        %dma_start3A_311 = tpu.memref_slice %arg6[%add3A_309, %dma_start3A_310] : memref<40x64xi32, #tpu.memory_space<vmem>> -> memref<1x64xi32, #tpu.memory_space<vmem>>
        %dma_start3A_312 = tpu.memref_squeeze %dma_start3A_311 : memref<1x64xi32, #tpu.memory_space<vmem>> -> memref<64xi32, #tpu.memory_space<vmem>>
        %dma_start3A_313 = arith.constant 0 : i32
        %dma_start3A_314 = arith.constant 0 : i32
        %dma_start3A_315 = tpu.memref_slice %arg2[%dma_start3A_313, %dma_start3A_314] : memref<10240x128xf32, #tpu.memory_space<hbm>> -> memref<10240x128xf32, #tpu.memory_space<hbm>>
        tpu.enqueue_indirect_dma source(%dma_start3A_315 : memref<10240x128xf32, #tpu.memory_space<hbm>>) target(%arg11 : memref<64x128xf32, #tpu.memory_space<vmem>>) offsets(%dma_start3A_312 : memref<64xi32, #tpu.memory_space<vmem>>) semaphore(%arg16 : memref<!tpu.dma_semaphore, #tpu.memory_space<semaphore_mem>>)
      }
      %scan3A_91 = arith.constant 9 : i32
      %dma_wait3A = arith.constant 36 : i32
      %dma_wait3A_92 = arith.constant 0 : i32
      %dma_wait3A_93 = tpu.memref_slice %arg6[%dma_wait3A, %dma_wait3A_92] : memref<40x64xi32, #tpu.memory_space<vmem>> -> memref<1x64xi32, #tpu.memory_space<vmem>>
      %dma_wait3A_94 = tpu.memref_squeeze %dma_wait3A_93 : memref<1x64xi32, #tpu.memory_space<vmem>> -> memref<64xi32, #tpu.memory_space<vmem>>
      %dma_wait3A_95 = arith.constant 0 : i32
      %dma_wait3A_96 = arith.constant 0 : i32
      %dma_wait3A_97 = tpu.memref_slice %arg2[%dma_wait3A_95, %dma_wait3A_96] : memref<10240x128xf32, #tpu.memory_space<hbm>> -> memref<10240x128xf32, #tpu.memory_space<hbm>>
      tpu.wait_indirect_dma semaphore(%arg13 : memref<!tpu.dma_semaphore, #tpu.memory_space<semaphore_mem>>) src(%dma_wait3A_97 : memref<10240x128xf32, #tpu.memory_space<hbm>>) dst(%arg8 : memref<64x128xf32, #tpu.memory_space<vmem>>)
      %dma_start3A_98 = arith.constant 36 : i32
      %dma_start3A_99 = arith.constant 0 : i32
      %dma_start3A_100 = tpu.memref_slice %arg7[%dma_start3A_98, %dma_start3A_99] : memref<40x64xi32, #tpu.memory_space<vmem>> -> memref<1x64xi32, #tpu.memory_space<vmem>>
      %dma_start3A_101 = tpu.memref_squeeze %dma_start3A_100 : memref<1x64xi32, #tpu.memory_space<vmem>> -> memref<64xi32, #tpu.memory_space<vmem>>
      %dma_start3A_102 = arith.constant 0 : i32
      %dma_start3A_103 = arith.constant 0 : i32
      %dma_start3A_104 = tpu.memref_slice %arg12[%dma_start3A_102, %dma_start3A_103] : memref<10240x128xf32, #tpu.memory_space<vmem_shared>> -> memref<10240x128xf32, #tpu.memory_space<vmem_shared>>
      tpu.enqueue_indirect_dma source(%arg8 : memref<64x128xf32, #tpu.memory_space<vmem>>) target(%dma_start3A_104 : memref<10240x128xf32, #tpu.memory_space<vmem_shared>>) offsets(%dma_start3A_101 : memref<64xi32, #tpu.memory_space<vmem>>) semaphore(%arg17 : memref<!tpu.dma_semaphore, #tpu.memory_space<semaphore_mem>>) {add = true}
      %dma_wait3A_105 = arith.constant 37 : i32
      %dma_wait3A_106 = arith.constant 0 : i32
      %dma_wait3A_107 = tpu.memref_slice %arg6[%dma_wait3A_105, %dma_wait3A_106] : memref<40x64xi32, #tpu.memory_space<vmem>> -> memref<1x64xi32, #tpu.memory_space<vmem>>
      %dma_wait3A_108 = tpu.memref_squeeze %dma_wait3A_107 : memref<1x64xi32, #tpu.memory_space<vmem>> -> memref<64xi32, #tpu.memory_space<vmem>>
      %dma_wait3A_109 = arith.constant 0 : i32
      %dma_wait3A_110 = arith.constant 0 : i32
      %dma_wait3A_111 = tpu.memref_slice %arg2[%dma_wait3A_109, %dma_wait3A_110] : memref<10240x128xf32, #tpu.memory_space<hbm>> -> memref<10240x128xf32, #tpu.memory_space<hbm>>
      tpu.wait_indirect_dma semaphore(%arg14 : memref<!tpu.dma_semaphore, #tpu.memory_space<semaphore_mem>>) src(%dma_wait3A_111 : memref<10240x128xf32, #tpu.memory_space<hbm>>) dst(%arg9 : memref<64x128xf32, #tpu.memory_space<vmem>>)
      %dma_start3A_112 = arith.constant 37 : i32
      %dma_start3A_113 = arith.constant 0 : i32
      %dma_start3A_114 = tpu.memref_slice %arg7[%dma_start3A_112, %dma_start3A_113] : memref<40x64xi32, #tpu.memory_space<vmem>> -> memref<1x64xi32, #tpu.memory_space<vmem>>
      %dma_start3A_115 = tpu.memref_squeeze %dma_start3A_114 : memref<1x64xi32, #tpu.memory_space<vmem>> -> memref<64xi32, #tpu.memory_space<vmem>>
      %dma_start3A_116 = arith.constant 0 : i32
      %dma_start3A_117 = arith.constant 0 : i32
      %dma_start3A_118 = tpu.memref_slice %arg12[%dma_start3A_116, %dma_start3A_117] : memref<10240x128xf32, #tpu.memory_space<vmem_shared>> -> memref<10240x128xf32, #tpu.memory_space<vmem_shared>>
      tpu.enqueue_indirect_dma source(%arg9 : memref<64x128xf32, #tpu.memory_space<vmem>>) target(%dma_start3A_118 : memref<10240x128xf32, #tpu.memory_space<vmem_shared>>) offsets(%dma_start3A_115 : memref<64xi32, #tpu.memory_space<vmem>>) semaphore(%arg18 : memref<!tpu.dma_semaphore, #tpu.memory_space<semaphore_mem>>) {add = true}
      %dma_wait3A_119 = arith.constant 38 : i32
      %dma_wait3A_120 = arith.constant 0 : i32
      %dma_wait3A_121 = tpu.memref_slice %arg6[%dma_wait3A_119, %dma_wait3A_120] : memref<40x64xi32, #tpu.memory_space<vmem>> -> memref<1x64xi32, #tpu.memory_space<vmem>>
      %dma_wait3A_122 = tpu.memref_squeeze %dma_wait3A_121 : memref<1x64xi32, #tpu.memory_space<vmem>> -> memref<64xi32, #tpu.memory_space<vmem>>
      %dma_wait3A_123 = arith.constant 0 : i32
      %dma_wait3A_124 = arith.constant 0 : i32
      %dma_wait3A_125 = tpu.memref_slice %arg2[%dma_wait3A_123, %dma_wait3A_124] : memref<10240x128xf32, #tpu.memory_space<hbm>> -> memref<10240x128xf32, #tpu.memory_space<hbm>>
      tpu.wait_indirect_dma semaphore(%arg15 : memref<!tpu.dma_semaphore, #tpu.memory_space<semaphore_mem>>) src(%dma_wait3A_125 : memref<10240x128xf32, #tpu.memory_space<hbm>>) dst(%arg10 : memref<64x128xf32, #tpu.memory_space<vmem>>)
      %dma_start3A_126 = arith.constant 38 : i32
      %dma_start3A_127 = arith.constant 0 : i32
      %dma_start3A_128 = tpu.memref_slice %arg7[%dma_start3A_126, %dma_start3A_127] : memref<40x64xi32, #tpu.memory_space<vmem>> -> memref<1x64xi32, #tpu.memory_space<vmem>>
      %dma_start3A_129 = tpu.memref_squeeze %dma_start3A_128 : memref<1x64xi32, #tpu.memory_space<vmem>> -> memref<64xi32, #tpu.memory_space<vmem>>
      %dma_start3A_130 = arith.constant 0 : i32
      %dma_start3A_131 = arith.constant 0 : i32
      %dma_start3A_132 = tpu.memref_slice %arg12[%dma_start3A_130, %dma_start3A_131] : memref<10240x128xf32, #tpu.memory_space<vmem_shared>> -> memref<10240x128xf32, #tpu.memory_space<vmem_shared>>
      tpu.enqueue_indirect_dma source(%arg10 : memref<64x128xf32, #tpu.memory_space<vmem>>) target(%dma_start3A_132 : memref<10240x128xf32, #tpu.memory_space<vmem_shared>>) offsets(%dma_start3A_129 : memref<64xi32, #tpu.memory_space<vmem>>) semaphore(%arg19 : memref<!tpu.dma_semaphore, #tpu.memory_space<semaphore_mem>>) {add = true}
      %dma_wait3A_133 = arith.constant 39 : i32
      %dma_wait3A_134 = arith.constant 0 : i32
      %dma_wait3A_135 = tpu.memref_slice %arg6[%dma_wait3A_133, %dma_wait3A_134] : memref<40x64xi32, #tpu.memory_space<vmem>> -> memref<1x64xi32, #tpu.memory_space<vmem>>
      %dma_wait3A_136 = tpu.memref_squeeze %dma_wait3A_135 : memref<1x64xi32, #tpu.memory_space<vmem>> -> memref<64xi32, #tpu.memory_space<vmem>>
      %dma_wait3A_137 = arith.constant 0 : i32
      %dma_wait3A_138 = arith.constant 0 : i32
      %dma_wait3A_139 = tpu.memref_slice %arg2[%dma_wait3A_137, %dma_wait3A_138] : memref<10240x128xf32, #tpu.memory_space<hbm>> -> memref<10240x128xf32, #tpu.memory_space<hbm>>
      tpu.wait_indirect_dma semaphore(%arg16 : memref<!tpu.dma_semaphore, #tpu.memory_space<semaphore_mem>>) src(%dma_wait3A_139 : memref<10240x128xf32, #tpu.memory_space<hbm>>) dst(%arg11 : memref<64x128xf32, #tpu.memory_space<vmem>>)
      %dma_start3A_140 = arith.constant 39 : i32
      %dma_start3A_141 = arith.constant 0 : i32
      %dma_start3A_142 = tpu.memref_slice %arg7[%dma_start3A_140, %dma_start3A_141] : memref<40x64xi32, #tpu.memory_space<vmem>> -> memref<1x64xi32, #tpu.memory_space<vmem>>
      %dma_start3A_143 = tpu.memref_squeeze %dma_start3A_142 : memref<1x64xi32, #tpu.memory_space<vmem>> -> memref<64xi32, #tpu.memory_space<vmem>>
      %dma_start3A_144 = arith.constant 0 : i32
      %dma_start3A_145 = arith.constant 0 : i32
      %dma_start3A_146 = tpu.memref_slice %arg12[%dma_start3A_144, %dma_start3A_145] : memref<10240x128xf32, #tpu.memory_space<vmem_shared>> -> memref<10240x128xf32, #tpu.memory_space<vmem_shared>>
      tpu.enqueue_indirect_dma source(%arg11 : memref<64x128xf32, #tpu.memory_space<vmem>>) target(%dma_start3A_146 : memref<10240x128xf32, #tpu.memory_space<vmem_shared>>) offsets(%dma_start3A_143 : memref<64xi32, #tpu.memory_space<vmem>>) semaphore(%arg20 : memref<!tpu.dma_semaphore, #tpu.memory_space<semaphore_mem>>) {add = true}
      %dma_wait3A_147 = arith.constant 36 : i32
      %dma_wait3A_148 = arith.constant 0 : i32
      %dma_wait3A_149 = tpu.memref_slice %arg7[%dma_wait3A_147, %dma_wait3A_148] : memref<40x64xi32, #tpu.memory_space<vmem>> -> memref<1x64xi32, #tpu.memory_space<vmem>>
      %dma_wait3A_150 = tpu.memref_squeeze %dma_wait3A_149 : memref<1x64xi32, #tpu.memory_space<vmem>> -> memref<64xi32, #tpu.memory_space<vmem>>
      %dma_wait3A_151 = arith.constant 0 : i32
      %dma_wait3A_152 = arith.constant 0 : i32
      %dma_wait3A_153 = tpu.memref_slice %arg12[%dma_wait3A_151, %dma_wait3A_152] : memref<10240x128xf32, #tpu.memory_space<vmem_shared>> -> memref<10240x128xf32, #tpu.memory_space<vmem_shared>>
      tpu.wait_indirect_dma semaphore(%arg17 : memref<!tpu.dma_semaphore, #tpu.memory_space<semaphore_mem>>) src(%arg8 : memref<64x128xf32, #tpu.memory_space<vmem>>) dst(%dma_wait3A_153 : memref<10240x128xf32, #tpu.memory_space<vmem_shared>>)
      %dma_wait3A_154 = arith.constant 37 : i32
      %dma_wait3A_155 = arith.constant 0 : i32
      %dma_wait3A_156 = tpu.memref_slice %arg7[%dma_wait3A_154, %dma_wait3A_155] : memref<40x64xi32, #tpu.memory_space<vmem>> -> memref<1x64xi32, #tpu.memory_space<vmem>>
      %dma_wait3A_157 = tpu.memref_squeeze %dma_wait3A_156 : memref<1x64xi32, #tpu.memory_space<vmem>> -> memref<64xi32, #tpu.memory_space<vmem>>
      %dma_wait3A_158 = arith.constant 0 : i32
      %dma_wait3A_159 = arith.constant 0 : i32
      %dma_wait3A_160 = tpu.memref_slice %arg12[%dma_wait3A_158, %dma_wait3A_159] : memref<10240x128xf32, #tpu.memory_space<vmem_shared>> -> memref<10240x128xf32, #tpu.memory_space<vmem_shared>>
      tpu.wait_indirect_dma semaphore(%arg18 : memref<!tpu.dma_semaphore, #tpu.memory_space<semaphore_mem>>) src(%arg9 : memref<64x128xf32, #tpu.memory_space<vmem>>) dst(%dma_wait3A_160 : memref<10240x128xf32, #tpu.memory_space<vmem_shared>>)
      %dma_wait3A_161 = arith.constant 38 : i32
      %dma_wait3A_162 = arith.constant 0 : i32
      %dma_wait3A_163 = tpu.memref_slice %arg7[%dma_wait3A_161, %dma_wait3A_162] : memref<40x64xi32, #tpu.memory_space<vmem>> -> memref<1x64xi32, #tpu.memory_space<vmem>>
      %dma_wait3A_164 = tpu.memref_squeeze %dma_wait3A_163 : memref<1x64xi32, #tpu.memory_space<vmem>> -> memref<64xi32, #tpu.memory_space<vmem>>
      %dma_wait3A_165 = arith.constant 0 : i32
      %dma_wait3A_166 = arith.constant 0 : i32
      %dma_wait3A_167 = tpu.memref_slice %arg12[%dma_wait3A_165, %dma_wait3A_166] : memref<10240x128xf32, #tpu.memory_space<vmem_shared>> -> memref<10240x128xf32, #tpu.memory_space<vmem_shared>>
      tpu.wait_indirect_dma semaphore(%arg19 : memref<!tpu.dma_semaphore, #tpu.memory_space<semaphore_mem>>) src(%arg10 : memref<64x128xf32, #tpu.memory_space<vmem>>) dst(%dma_wait3A_167 : memref<10240x128xf32, #tpu.memory_space<vmem_shared>>)
      %dma_wait3A_168 = arith.constant 39 : i32
      %dma_wait3A_169 = arith.constant 0 : i32
      %dma_wait3A_170 = tpu.memref_slice %arg7[%dma_wait3A_168, %dma_wait3A_169] : memref<40x64xi32, #tpu.memory_space<vmem>> -> memref<1x64xi32, #tpu.memory_space<vmem>>
      %dma_wait3A_171 = tpu.memref_squeeze %dma_wait3A_170 : memref<1x64xi32, #tpu.memory_space<vmem>> -> memref<64xi32, #tpu.memory_space<vmem>>
      %dma_wait3A_172 = arith.constant 0 : i32
      %dma_wait3A_173 = arith.constant 0 : i32
      %dma_wait3A_174 = tpu.memref_slice %arg12[%dma_wait3A_172, %dma_wait3A_173] : memref<10240x128xf32, #tpu.memory_space<vmem_shared>> -> memref<10240x128xf32, #tpu.memory_space<vmem_shared>>
      tpu.wait_indirect_dma semaphore(%arg20 : memref<!tpu.dma_semaphore, #tpu.memory_space<semaphore_mem>>) src(%arg11 : memref<64x128xf32, #tpu.memory_space<vmem>>) dst(%dma_wait3A_174 : memref<10240x128xf32, #tpu.memory_space<vmem_shared>>)
    }
    %barrier3A_49 = arith.constant 0 : index
    tpu.barrier barrier_id(%barrier3A_49)
    %mul3A_50 = arith.constant 640 : i32
    %mul3A_51 = arith.muli %arg1, %mul3A_50 : i32
    %mul3A_52 = arith.constant 640 : i32
    %mul3A_53 = arith.muli %arg1, %mul3A_52 : i32
    "tpu.region"() ({
      %run_scoped3A = tpu.sem_alloc : memref<!tpu.dma_semaphore, #tpu.memory_space<semaphore_mem>>
      %dma_start3A = arith.constant 0 : i32
      %dma_start3A_54 = tpu.memref_slice %arg5[%arg0, %mul3A_53, %dma_start3A] : memref<2x10240x128xf32, #tpu.memory_space<hbm>> -> memref<1x640x128xf32, #tpu.memory_space<hbm>>
      %dma_start3A_55 = tpu.memref_squeeze %dma_start3A_54 : memref<1x640x128xf32, #tpu.memory_space<hbm>> -> memref<640x128xf32, #tpu.memory_space<hbm>>
      %dma_start3A_56 = arith.constant 0 : i32
      %dma_start3A_57 = tpu.memref_slice %arg12[%mul3A_51, %dma_start3A_56] : memref<10240x128xf32, #tpu.memory_space<vmem_shared>> -> memref<640x128xf32, #tpu.memory_space<vmem_shared>>
      tpu.enqueue_dma source(%dma_start3A_57 : memref<640x128xf32, #tpu.memory_space<vmem_shared>>) target(%dma_start3A_55 : memref<640x128xf32, #tpu.memory_space<hbm>>) target_semaphore(%run_scoped3A : memref<!tpu.dma_semaphore, #tpu.memory_space<semaphore_mem>>)
      %dma_wait3A = arith.constant 0 : i32
      %dma_wait3A_58 = tpu.memref_slice %arg5[%arg0, %mul3A_53, %dma_wait3A] : memref<2x10240x128xf32, #tpu.memory_space<hbm>> -> memref<1x640x128xf32, #tpu.memory_space<hbm>>
      %dma_wait3A_59 = tpu.memref_squeeze %dma_wait3A_58 : memref<1x640x128xf32, #tpu.memory_space<hbm>> -> memref<640x128xf32, #tpu.memory_space<hbm>>
      %dma_wait3A_60 = arith.constant 0 : i32
      %dma_wait3A_61 = tpu.memref_slice %arg12[%mul3A_51, %dma_wait3A_60] : memref<10240x128xf32, #tpu.memory_space<vmem_shared>> -> memref<640x128xf32, #tpu.memory_space<vmem_shared>>
      tpu.wait_dma2 semaphore(%run_scoped3A : memref<!tpu.dma_semaphore, #tpu.memory_space<semaphore_mem>>) src(%dma_wait3A_61 : memref<640x128xf32, #tpu.memory_space<vmem_shared>>) dst(%dma_wait3A_59 : memref<640x128xf32, #tpu.memory_space<hbm>>)
      tpu.yield
    }) : () -> ()
    return
  }
}

module attributes {stable_mosaic.version = 14 : i64} {
  func.func @body(%arg0: i32, %arg1: memref<1024x128xf32, #tpu.memory_space<vmem>>, %arg2: memref<128x128xf32, #tpu.memory_space<vmem>>, %arg3: memref<1024x128xf32, #tpu.memory_space<vmem>>) attributes {dimension_semantics = [#tpu.dimension_semantics<arbitrary>], iteration_bounds = array<i64: 10>, scalar_prefetch = 0 : i64, scratch_operands = 0 : i64, tpu.core_type = #tpu.core_type<tc>, window_params = [{transform_indices = @transform_0, window_bounds = array<i64: 1024, 128>}, {pipeline_mode = #tpu.pipeline_mode<synchronous>, transform_indices = @transform_1, window_bounds = array<i64: 128, 128>}, {transform_indices = @transform_2, window_bounds = array<i64: 1024, 128>}]} {
    %get3A = arith.constant 0 : index
    %get3A_0 = arith.constant 0 : index
    %get3A_1 = vector.load %arg1[%get3A, %get3A_0] : memref<1024x128xf32, #tpu.memory_space<vmem>>, vector<1024x128xf32>
    %get3A_2 = arith.constant 0 : index
    %get3A_3 = arith.constant 0 : index
    %get3A_4 = vector.load %arg2[%get3A_2, %get3A_3] : memref<128x128xf32, #tpu.memory_space<vmem>>, vector<128x128xf32>
    %dot_general3A = arith.constant dense<0.000000e+00> : vector<1024x128xf32>
    %dot_general3A_5 = tpu.matmul %get3A_1, %get3A_4, %dot_general3A {dimension_numbers = #tpu.dot_dimension_numbers<[1], [0], [0], [1], [0, 0, 1, 1], [], []>, transpose_lhs_hint = false} : vector<1024x128xf32>, vector<128x128xf32>, vector<1024x128xf32> -> vector<1024x128xf32>
    %swap3A = arith.constant 0 : index
    %swap3A_6 = arith.constant 0 : index
    %swap3A_7 = vector.load %arg3[%swap3A, %swap3A_6] : memref<1024x128xf32, #tpu.memory_space<vmem>>, vector<1024x128xf32>
    tpu.vector_store %arg3[%swap3A, %swap3A_6], %dot_general3A_5 {strides = array<i32>} : memref<1024x128xf32, #tpu.memory_space<vmem>>, vector<1024x128xf32>,
    return
  }
  func.func @transform_0(%arg0: i32) -> (i32, i32) {
    %c0_i32 = arith.constant 0 : i32
    %c0_i32_0 = arith.constant 0 : i32
    return %arg0, %c0_i32 : i32, i32
  }
  func.func @transform_1(%arg0: i32) -> (i32, i32) {
    %c0_i32 = arith.constant 0 : i32
    %c0_i32_0 = arith.constant 0 : i32
    %c0_i32_1 = arith.constant 0 : i32
    return %c0_i32, %c0_i32_0 : i32, i32
  }
  func.func @transform_2(%arg0: i32) -> (i32, i32) {
    %c0_i32 = arith.constant 0 : i32
    %c0_i32_0 = arith.constant 0 : i32
    return %arg0, %c0_i32 : i32, i32
  }
}

module attributes {stable_mosaic.version = 14 : i64} {
  func.func @body(%arg0: i32, %arg1: memref<1024x128xf32, #tpu.memory_space<vmem>>, %arg2: memref<2x1024x128xf32, #tpu.memory_space<vmem>>, %arg3: memref<1024x128xf32, #tpu.memory_space<vmem>>, %arg4: memref<1024x16xf32, #tpu.memory_space<vmem>>) attributes {dimension_semantics = [#tpu.dimension_semantics<arbitrary>], iteration_bounds = array<i64: 10>, scalar_prefetch = 0 : i64, scratch_operands = 0 : i64, tpu.core_type = #tpu.core_type<tc>, window_params = [{transform_indices = @transform_0, window_bounds = array<i64: 1024, 128>}, {transform_indices = @transform_1, window_bounds = array<i64: 2, 1024, 128>}, {transform_indices = @transform_2, window_bounds = array<i64: 1024, 128>}, {transform_indices = @transform_3, window_bounds = array<i64: 1024, 16>}]} {
    %get3A = arith.constant 0 : index
    %get3A_0 = arith.constant 0 : index
    %get3A_1 = arith.constant 0 : index
    %get3A_2 = vector.load %arg2[%get3A, %get3A_0, %get3A_1] : memref<2x1024x128xf32, #tpu.memory_space<vmem>>, vector<1x1024x16xf32>
    %get3A_3 = vector.shape_cast %get3A_2 : vector<1x1024x16xf32> to vector<1024x16xf32>
    %get3A_4 = arith.constant 1 : index
    %get3A_5 = arith.constant 0 : index
    %get3A_6 = arith.constant 0 : index
    %get3A_7 = vector.load %arg2[%get3A_4, %get3A_5, %get3A_6] : memref<2x1024x128xf32, #tpu.memory_space<vmem>>, vector<1x1024x16xf32>
    %get3A_8 = vector.shape_cast %get3A_7 : vector<1x1024x16xf32> to vector<1024x16xf32>
    %add3A = arith.addf %get3A_3, %get3A_8 : vector<1024x16xf32>
    %add3A_9 = arith.constant 1.000000e+00 : f32
    %add3A_10 = vector.broadcast %add3A_9 : f32 to vector<1024x16xf32>
    %add3A_11 = arith.addf %add3A, %add3A_10 : vector<1024x16xf32>
    %rsqrt3A = math.rsqrt %add3A_11 : vector<1024x16xf32>
    %get3A_12 = arith.constant 0 : index
    %get3A_13 = arith.constant 0 : index
    %get3A_14 = vector.load %arg1[%get3A_12, %get3A_13] : memref<1024x128xf32, #tpu.memory_space<vmem>>, vector<1024x128xf32>
    %slice3A = vector.extract_strided_slice %rsqrt3A {offsets = [0, 0], sizes = [1024, 1], strides = [1, 1]} : vector<1024x16xf32> to vector<1024x1xf32>
    %mul3A = vector.broadcast %slice3A : vector<1024x1xf32> to vector<1024x128xf32>
    %mul3A_15 = arith.mulf %get3A_14, %mul3A : vector<1024x128xf32>
    %swap3A = arith.constant 0 : index
    %swap3A_16 = arith.constant 0 : index
    %swap3A_17 = vector.load %arg3[%swap3A, %swap3A_16] : memref<1024x128xf32, #tpu.memory_space<vmem>>, vector<1024x128xf32>
    tpu.vector_store %arg3[%swap3A, %swap3A_16], %mul3A_15 {strides = array<i32>} : memref<1024x128xf32, #tpu.memory_space<vmem>>, vector<1024x128xf32>,
    %swap3A_18 = arith.constant 0 : index
    %swap3A_19 = arith.constant 0 : index
    %swap3A_20 = vector.load %arg4[%swap3A_18, %swap3A_19] : memref<1024x16xf32, #tpu.memory_space<vmem>>, vector<1024x16xf32>
    tpu.vector_store %arg4[%swap3A_18, %swap3A_19], %rsqrt3A {strides = array<i32>} : memref<1024x16xf32, #tpu.memory_space<vmem>>, vector<1024x16xf32>,
    return
  }
  func.func @transform_0(%arg0: i32) -> (i32, i32) {
    %c0_i32 = arith.constant 0 : i32
    %c0_i32_0 = arith.constant 0 : i32
    return %arg0, %c0_i32 : i32, i32
  }
  func.func @transform_1(%arg0: i32) -> (i32, i32, i32) {
    %c0_i32 = arith.constant 0 : i32
    %c0_i32_0 = arith.constant 0 : i32
    %c0_i32_1 = arith.constant 0 : i32
    return %c0_i32, %arg0, %c0_i32_0 : i32, i32, i32
  }
  func.func @transform_2(%arg0: i32) -> (i32, i32) {
    %c0_i32 = arith.constant 0 : i32
    %c0_i32_0 = arith.constant 0 : i32
    return %arg0, %c0_i32 : i32, i32
  }
  func.func @transform_3(%arg0: i32) -> (i32, i32) {
    %c0_i32 = arith.constant 0 : i32
    %c0_i32_0 = arith.constant 0 : i32
    return %arg0, %c0_i32 : i32, i32
  }
}

module attributes {stable_mosaic.version = 14 : i64} {
  func.func @body(%arg0: i32, %arg1: memref<2x1024x128xf32, #tpu.memory_space<vmem>>, %arg2: memref<1024x128xf32, #tpu.memory_space<vmem>>, %arg3: memref<1024x16xf32, #tpu.memory_space<vmem>>, %arg4: memref<128x128xf32, #tpu.memory_space<vmem>>, %arg5: memref<1x128xf32, #tpu.memory_space<vmem>>, %arg6: memref<1024x128xf32, #tpu.memory_space<vmem>>) attributes {dimension_semantics = [#tpu.dimension_semantics<arbitrary>], iteration_bounds = array<i64: 10>, scalar_prefetch = 0 : i64, scratch_operands = 0 : i64, tpu.core_type = #tpu.core_type<tc>, window_params = [{transform_indices = @transform_0, window_bounds = array<i64: 2, 1024, 128>}, {transform_indices = @transform_1, window_bounds = array<i64: 1024, 128>}, {transform_indices = @transform_2, window_bounds = array<i64: 1024, 16>}, {pipeline_mode = #tpu.pipeline_mode<synchronous>, transform_indices = @transform_3, window_bounds = array<i64: 128, 128>}, {pipeline_mode = #tpu.pipeline_mode<synchronous>, transform_indices = @transform_4, window_bounds = array<i64: 1, 128>}, {transform_indices = @transform_5, window_bounds = array<i64: 1024, 128>}]} {
    %get3A = arith.constant 0 : index
    %get3A_0 = arith.constant 0 : index
    %get3A_1 = vector.load %arg3[%get3A, %get3A_0] : memref<1024x16xf32, #tpu.memory_space<vmem>>, vector<1024x1xf32>
    %get3A_2 = arith.constant 0 : index
    %get3A_3 = arith.constant 0 : index
    %get3A_4 = arith.constant 0 : index
    %get3A_5 = vector.load %arg1[%get3A_2, %get3A_3, %get3A_4] : memref<2x1024x128xf32, #tpu.memory_space<vmem>>, vector<1x1024x128xf32>
    %get3A_6 = vector.shape_cast %get3A_5 : vector<1x1024x128xf32> to vector<1024x128xf32>
    %get3A_7 = arith.constant 1 : index
    %get3A_8 = arith.constant 0 : index
    %get3A_9 = arith.constant 0 : index
    %get3A_10 = vector.load %arg1[%get3A_7, %get3A_8, %get3A_9] : memref<2x1024x128xf32, #tpu.memory_space<vmem>>, vector<1x1024x128xf32>
    %get3A_11 = vector.shape_cast %get3A_10 : vector<1x1024x128xf32> to vector<1024x128xf32>
    %add3A = arith.addf %get3A_6, %get3A_11 : vector<1024x128xf32>
    %get3A_12 = arith.constant 0 : index
    %get3A_13 = arith.constant 0 : index
    %get3A_14 = vector.load %arg2[%get3A_12, %get3A_13] : memref<1024x128xf32, #tpu.memory_space<vmem>>, vector<1024x128xf32>
    %add3A_15 = arith.addf %add3A, %get3A_14 : vector<1024x128xf32>
    %mul3A = vector.broadcast %get3A_1 : vector<1024x1xf32> to vector<1024x128xf32>
    %mul3A_16 = arith.mulf %add3A_15, %mul3A : vector<1024x128xf32>
    %get3A_17 = arith.constant 0 : index
    %get3A_18 = arith.constant 0 : index
    %get3A_19 = vector.load %arg5[%get3A_17, %get3A_18] : memref<1x128xf32, #tpu.memory_space<vmem>>, vector<1x128xf32>
    %add3A_20 = vector.broadcast %get3A_19 : vector<1x128xf32> to vector<1024x128xf32>
    %add3A_21 = arith.addf %mul3A_16, %add3A_20 : vector<1024x128xf32>
    %max3A = arith.constant 0.000000e+00 : f32
    %max3A_22 = vector.broadcast %max3A : f32 to vector<1024x128xf32>
    %max3A_23 = arith.maximumf %add3A_21, %max3A_22 : vector<1024x128xf32>
    %get3A_24 = arith.constant 0 : index
    %get3A_25 = arith.constant 0 : index
    %get3A_26 = vector.load %arg4[%get3A_24, %get3A_25] : memref<128x128xf32, #tpu.memory_space<vmem>>, vector<128x128xf32>
    %dot_general3A = arith.constant dense<0.000000e+00> : vector<1024x128xf32>
    %dot_general3A_27 = tpu.matmul %max3A_23, %get3A_26, %dot_general3A {dimension_numbers = #tpu.dot_dimension_numbers<[1], [0], [0], [1], [0, 0, 1, 1], [], []>, transpose_lhs_hint = false} : vector<1024x128xf32>, vector<128x128xf32>, vector<1024x128xf32> -> vector<1024x128xf32>
    %mul3A_28 = vector.broadcast %get3A_1 : vector<1024x1xf32> to vector<1024x128xf32>
    %mul3A_29 = arith.mulf %dot_general3A_27, %mul3A_28 : vector<1024x128xf32>
    %swap3A = arith.constant 0 : index
    %swap3A_30 = arith.constant 0 : index
    %swap3A_31 = vector.load %arg6[%swap3A, %swap3A_30] : memref<1024x128xf32, #tpu.memory_space<vmem>>, vector<1024x128xf32>
    tpu.vector_store %arg6[%swap3A, %swap3A_30], %mul3A_29 {strides = array<i32>} : memref<1024x128xf32, #tpu.memory_space<vmem>>, vector<1024x128xf32>,
    return
  }
  func.func @transform_0(%arg0: i32) -> (i32, i32, i32) {
    %c0_i32 = arith.constant 0 : i32
    %c0_i32_0 = arith.constant 0 : i32
    %c0_i32_1 = arith.constant 0 : i32
    return %c0_i32, %arg0, %c0_i32_0 : i32, i32, i32
  }
  func.func @transform_1(%arg0: i32) -> (i32, i32) {
    %c0_i32 = arith.constant 0 : i32
    %c0_i32_0 = arith.constant 0 : i32
    return %arg0, %c0_i32 : i32, i32
  }
  func.func @transform_2(%arg0: i32) -> (i32, i32) {
    %c0_i32 = arith.constant 0 : i32
    %c0_i32_0 = arith.constant 0 : i32
    return %arg0, %c0_i32 : i32, i32
  }
  func.func @transform_3(%arg0: i32) -> (i32, i32) {
    %c0_i32 = arith.constant 0 : i32
    %c0_i32_0 = arith.constant 0 : i32
    %c0_i32_1 = arith.constant 0 : i32
    return %c0_i32, %c0_i32_0 : i32, i32
  }
  func.func @transform_4(%arg0: i32) -> (i32, i32) {
    %c0_i32 = arith.constant 0 : i32
    %c0_i32_0 = arith.constant 0 : i32
    %c0_i32_1 = arith.constant 0 : i32
    return %c0_i32, %c0_i32_0 : i32, i32
  }
  func.func @transform_5(%arg0: i32) -> (i32, i32) {
    %c0_i32 = arith.constant 0 : i32
    %c0_i32_0 = arith.constant 0 : i32
    return %arg0, %c0_i32 : i32, i32
  }
}

module attributes {stable_mosaic.version = 14 : i64} {
  func.func @body(%arg0: i32, %arg1: memref<2x1024x128xf32, #tpu.memory_space<vmem>>, %arg2: memref<1024x128xf32, #tpu.memory_space<vmem>>, %arg3: memref<1024x16xf32, #tpu.memory_space<vmem>>, %arg4: memref<1x128xf32, #tpu.memory_space<vmem>>, %arg5: memref<1024x128xf32, #tpu.memory_space<vmem>>) attributes {dimension_semantics = [#tpu.dimension_semantics<arbitrary>], iteration_bounds = array<i64: 10>, scalar_prefetch = 0 : i64, scratch_operands = 0 : i64, tpu.core_type = #tpu.core_type<tc>, window_params = [{transform_indices = @transform_0, window_bounds = array<i64: 2, 1024, 128>}, {transform_indices = @transform_1, window_bounds = array<i64: 1024, 128>}, {transform_indices = @transform_2, window_bounds = array<i64: 1024, 16>}, {pipeline_mode = #tpu.pipeline_mode<synchronous>, transform_indices = @transform_3, window_bounds = array<i64: 1, 128>}, {transform_indices = @transform_4, window_bounds = array<i64: 1024, 128>}]} {
    %get3A = arith.constant 0 : index
    %get3A_0 = arith.constant 0 : index
    %get3A_1 = vector.load %arg3[%get3A, %get3A_0] : memref<1024x16xf32, #tpu.memory_space<vmem>>, vector<1024x1xf32>
    %get3A_2 = arith.constant 0 : index
    %get3A_3 = arith.constant 0 : index
    %get3A_4 = arith.constant 0 : index
    %get3A_5 = vector.load %arg1[%get3A_2, %get3A_3, %get3A_4] : memref<2x1024x128xf32, #tpu.memory_space<vmem>>, vector<1x1024x128xf32>
    %get3A_6 = vector.shape_cast %get3A_5 : vector<1x1024x128xf32> to vector<1024x128xf32>
    %get3A_7 = arith.constant 1 : index
    %get3A_8 = arith.constant 0 : index
    %get3A_9 = arith.constant 0 : index
    %get3A_10 = vector.load %arg1[%get3A_7, %get3A_8, %get3A_9] : memref<2x1024x128xf32, #tpu.memory_space<vmem>>, vector<1x1024x128xf32>
    %get3A_11 = vector.shape_cast %get3A_10 : vector<1x1024x128xf32> to vector<1024x128xf32>
    %add3A = arith.addf %get3A_6, %get3A_11 : vector<1024x128xf32>
    %get3A_12 = arith.constant 0 : index
    %get3A_13 = arith.constant 0 : index
    %get3A_14 = vector.load %arg2[%get3A_12, %get3A_13] : memref<1024x128xf32, #tpu.memory_space<vmem>>, vector<1024x128xf32>
    %add3A_15 = arith.addf %add3A, %get3A_14 : vector<1024x128xf32>
    %mul3A = vector.broadcast %get3A_1 : vector<1024x1xf32> to vector<1024x128xf32>
    %mul3A_16 = arith.mulf %add3A_15, %mul3A : vector<1024x128xf32>
    %get3A_17 = arith.constant 0 : index
    %get3A_18 = arith.constant 0 : index
    %get3A_19 = vector.load %arg4[%get3A_17, %get3A_18] : memref<1x128xf32, #tpu.memory_space<vmem>>, vector<1x128xf32>
    %add3A_20 = vector.broadcast %get3A_19 : vector<1x128xf32> to vector<1024x128xf32>
    %add3A_21 = arith.addf %mul3A_16, %add3A_20 : vector<1024x128xf32>
    %iota3A = tpu.iota {dimensions = array<i32: 1>} : vector<1024x128xi32>
    %lt3A = arith.constant 40 : i32
    %lt3A_22 = vector.broadcast %lt3A : i32 to vector<1024x128xi32>
    %lt3A_23 = arith.cmpi slt, %iota3A, %lt3A_22 : vector<1024x128xi32>
    %jit3A = arith.constant -1.000000e+30 : f32
    %broadcast_in_dim3A = vector.broadcast %jit3A : f32 to vector<1024x128xf32>
    %select_n3A = arith.select %lt3A_23, %add3A_21, %broadcast_in_dim3A : vector<1024x128xi1>, vector<1024x128xf32>
    %reduce_max3A = arith.constant dense<0xFF800000> : vector<1024xf32>
    %reduce_max3A_24 = vector.multi_reduction <maximumf>, %select_n3A, %reduce_max3A [1] : vector<1024x128xf32> to vector<1024xf32>
    %broadcast_in_dim3A_25 = vector.shape_cast %reduce_max3A_24 : vector<1024xf32> to vector<1024x1xf32>
    %sub3A = vector.broadcast %broadcast_in_dim3A_25 : vector<1024x1xf32> to vector<1024x128xf32>
    %sub3A_26 = arith.subf %add3A_21, %sub3A : vector<1024x128xf32>
    %exp3A = math.exp %sub3A_26 : vector<1024x128xf32>
    %jit3A_27 = arith.constant 0.000000e+00 : f32
    %broadcast_in_dim3A_28 = vector.broadcast %jit3A_27 : f32 to vector<1024x128xf32>
    %select_n3A_29 = arith.select %lt3A_23, %exp3A, %broadcast_in_dim3A_28 : vector<1024x128xi1>, vector<1024x128xf32>
    %reduce_sum3A = arith.constant dense<0.000000e+00> : vector<1024xf32>
    %reduce_sum3A_30 = vector.multi_reduction <add>, %select_n3A_29, %reduce_sum3A [1] : vector<1024x128xf32> to vector<1024xf32>
    %broadcast_in_dim3A_31 = vector.shape_cast %reduce_sum3A_30 : vector<1024xf32> to vector<1024x1xf32>
    %sub3A_32 = vector.broadcast %broadcast_in_dim3A_25 : vector<1024x1xf32> to vector<1024x128xf32>
    %sub3A_33 = arith.subf %add3A_21, %sub3A_32 : vector<1024x128xf32>
    %log3A = math.log %broadcast_in_dim3A_31 : vector<1024x1xf32>
    %sub3A_34 = vector.broadcast %log3A : vector<1024x1xf32> to vector<1024x128xf32>
    %sub3A_35 = arith.subf %sub3A_33, %sub3A_34 : vector<1024x128xf32>
    %swap3A = arith.constant 0 : index
    %swap3A_36 = arith.constant 0 : index
    %swap3A_37 = vector.load %arg5[%swap3A, %swap3A_36] : memref<1024x128xf32, #tpu.memory_space<vmem>>, vector<1024x128xf32>
    tpu.vector_store %arg5[%swap3A, %swap3A_36], %sub3A_35 {strides = array<i32>} : memref<1024x128xf32, #tpu.memory_space<vmem>>, vector<1024x128xf32>,
    return
  }
  func.func @transform_0(%arg0: i32) -> (i32, i32, i32) {
    %c0_i32 = arith.constant 0 : i32
    %c0_i32_0 = arith.constant 0 : i32
    %c0_i32_1 = arith.constant 0 : i32
    return %c0_i32, %arg0, %c0_i32_0 : i32, i32, i32
  }
  func.func @transform_1(%arg0: i32) -> (i32, i32) {
    %c0_i32 = arith.constant 0 : i32
    %c0_i32_0 = arith.constant 0 : i32
    return %arg0, %c0_i32 : i32, i32
  }
  func.func @transform_2(%arg0: i32) -> (i32, i32) {
    %c0_i32 = arith.constant 0 : i32
    %c0_i32_0 = arith.constant 0 : i32
    return %arg0, %c0_i32 : i32, i32
  }
  func.func @transform_3(%arg0: i32) -> (i32, i32) {
    %c0_i32 = arith.constant 0 : i32
    %c0_i32_0 = arith.constant 0 : i32
    %c0_i32_1 = arith.constant 0 : i32
    return %c0_i32, %c0_i32_0 : i32, i32
  }
  func.func @transform_4(%arg0: i32) -> (i32, i32) {
    %c0_i32 = arith.constant 0 : i32
    %c0_i32_0 = arith.constant 0 : i32
    return %arg0, %c0_i32 : i32, i32
  }
}

</mosaic_0001>

<sc_bundles>
// kernel: kernel.12.cloned.1.call-start
scs
__scs_entry_jumppad:
0x0: {  	(pc) =	sbr.rel $0x88, $3  }
0x1: {  	(tag) =	ssettag $0x0;
	lr =	simm.s32 $0x1  }
0x2: {  	[smem:$0x3F9B] =	sst lr;
	_ =	strace $0xD0000000  }
0x3: {  	_ = 	snop  }
0x4: {  	_ = 	snop  }
0x5: {  	_ = 	snop  }
0x6: {  	_ = 	snop  }
0x7: {  	_ = 	snop  }
__scs_overlays_trampoline_lowered:
0x8: {  	[smem:$0x3FAA] =	sst s0  }
0x9: {  	[smem:$0x3FAB] =	sst s1  }
0xa: {  	[smem:$0x3FAC] =	sst s2  }
0xb: {  	[smem:$0x3FAD] =	sst s3  }
0xc: {  	[smem:$0x3FAE] =	sst s4  }
0xd: {  	[smem:$0x3FAF] =	sst s5  }
0xe: {  	[smem:$0x3FB0] =	sst s6  }
0xf: {  	[smem:$0x3FB1] =	sst s7  }
0x10: {  	[smem:$0x3FB2] =	sst s8  }
0x11: {  	[smem:$0x3FB3] =	sst s9;
	s0 =	simm.s32 @!p0 $0x0  }
0x12: {  	s1 =	sld [smem:$0x3F99];
	s0 =	simm.s32 @p0 $0x1  }
0x13: {  	[smem:$0x3FB4] =	sst s0;
	s0 =	simm.s32 @!p1 $0x0  }
0x14: {  	s2 =	sld [smem:$0x3F98];
	s0 =	simm.s32 @p1 $0x1  }
0x15: {  	[smem:$0x3FB5] =	sst s0;
	s0 =	simm.s32 @!p2 $0x0  }
0x16: {  	s3 =	sld [smem:$0x3FDB];
	s0 =	simm.s32 @p2 $0x1  }
0x17: {  	s4 =	simm.s32 $0x1BF5;
	[smem:$0x3FB7] =	sst s0  }
0x18: {  	s0 =	sld [smem:$0x3F9A];
	_ =	swait.ge [sflag:s4], $0x0  }
0x19: {  	s7 =	sld [smem:$0x3F9B]  }
0x1a: {  	s8 =	sadd.s32 $0xFFFFE003, lr  }
0x1b: {  	s9 =	sadd.s32 $0xFFFFFEF7, lr;
	s5 =	simm.s32 $0xFFFFFFFF;
	p2 =	slt.u32 s8, $0xFFFFF086  }
0x1c: {  	p1 =	slt.u32 s9, $0xF7A;
	s5 =	simm.s32 @!p2 $0x0  }
0x1d: {  	s5 =	simm.s32 @p1 $0x1;
	p0 =	seq.s32 s7, s2  }
0x1e: {  	s7 =	smul.u32 @!p0 $0xF7A, s2;
	p2 =	seq.s32 @!p0 s5, $0x0  }
0x1f: {  	s9 =	smul.u32 $0xF7A, s1;
	s8 =	simm.s32 @!p0 $0x1BF5;
	p2 =	por !p2, p0  }
0x20: {  	[sflag:s8] =	ssyncset.s32 @!p0 $0xFFFFF086;
	s6 =	sadd.s32 @!p0 s3, s7;
	s7 =	simm.s32 @!p0 $0x108  }
0x21: {  	s3 =	sadd.s32 s3, s9;
	s6 =	sadd.s32 @!p0 $0x88, s6;
	s7 =	simm.s32 @p2 $0x1082  }
0x22: {  	[simem:s7], [sflag:s8] =	dma.local @!p0 [hbm:s6], $0xF7A  }
0x23: {  	s9 =	sor.u32 $0xD0000000, s2;
	s6 =	simm.s32 $0x108;
	_ =	swait.ge @!p0 [sflag:s8], $0x0  }
0x24: {  	s3 =	sadd.s32 $0x88, s3;
	s6 =	simm.s32 @!p1 $0x1082;
	[sflag:s4] =	ssyncset.s32 $0xFFFFF086  }
0x25: {  	[simem:s6], [sflag:s4] =	dma.local [hbm:s3], $0xF7A  }
0x26: {  	[smem:$0x3F9B] =	sst s1;
	(tag) =	ssettag s2;
	_ =	strace s9  }
0x27: {  	s1 =	sld [smem:$0x3FAB]  }
0x28: {  	s2 =	sld [smem:$0x3FAC]  }
0x29: {  	s4 =	sld [smem:$0x3FAE]  }
0x2a: {  	p0 =	seq.s32 s5, $0x0;
	s5 =	sld [smem:$0x3FAF]  }
0x2b: {  	s6 =	sld [smem:$0x3FB0]  }
0x2c: {  	s7 =	sld [smem:$0x3FB1]  }
0x2d: {  	s3 =	simm.s32 $0x108;
	s8 =	sld [smem:$0x3FB2]  }
0x2e: {  	s3 =	simm.s32 @!p0 $0x1082;
	s9 =	sld [smem:$0x3FB3]  }
0x2f: {  	lr =	sadd.s32 s0, s3;
	s0 =	sld [smem:$0x3FAA]  }
0x30: {  	s3 =	sld [smem:$0x3FAD]  }
0x31: {  	[smem:$0x3FB6] =	sst s10  }
0x32: {  	s10 =	sld [smem:$0x3FB4];
	_ =	sdelay $0x3  }
0x33: {  	p0 =	seq.s32 s10, $0x1;
	s10 =	sld [smem:$0x3FB6];
	_ =	sdelay $0x3  }
0x34: {  	[smem:$0x3FB6] =	sst s10  }
0x35: {  	s10 =	sld [smem:$0x3FB5];
	_ =	sdelay $0x3  }
0x36: {  	p1 =	seq.s32 s10, $0x1;
	s10 =	sld [smem:$0x3FB6];
	_ =	sdelay $0x3  }
0x37: {  	[smem:$0x3FB6] =	sst s10  }
0x38: {  	s10 =	sld [smem:$0x3FB7]  }
0x39: {  	_ = 	snop;
	(pc) =	sbr.ind lr, $3  }
0x3a: {  	_ = 	snop  }
0x3b: {  	_ = 	snop  }
0x3c: {  	p2 =	seq.s32 s10, $0x1;
	s10 =	sld [smem:$0x3FB6]  }
0x3d: {  	_ =	shalt  }
0x3e: {  	_ =	shalt  }
0x3f: {  	_ =	shalt  }
0x40: {  	_ =	shalt  }
0x41: {  	_ =	shalt  }
0x42: {  	_ =	shalt  }
0x43: {  	_ =	shalt  }
0x44: {  	_ =	shalt  }
0x45: {  	_ =	shalt  }
0x46: {  	_ =	shalt  }
0x47: {  	_ =	shalt  }
0x48: {  	_ =	shalt  }
0x49: {  	_ =	shalt  }
0x4a: {  	_ =	shalt  }
0x4b: {  	_ =	shalt  }
0x4c: {  	_ =	shalt  }
0x4d: {  	_ =	shalt  }
0x4e: {  	_ =	shalt  }
0x4f: {  	_ =	shalt  }
0x50: {  	_ =	shalt  }
0x51: {  	_ =	shalt  }
0x52: {  	_ =	shalt  }
0x53: {  	_ =	shalt  }
0x54: {  	_ =	shalt  }
0x55: {  	_ =	shalt  }
0x56: {  	_ =	shalt  }
0x57: {  	_ =	shalt  }
0x58: {  	_ =	shalt  }
0x59: {  	_ =	shalt  }
0x5a: {  	_ =	shalt  }
0x5b: {  	_ =	shalt  }
0x5c: {  	_ =	shalt  }
0x5d: {  	_ =	shalt  }
0x5e: {  	_ =	shalt  }
0x5f: {  	_ =	shalt  }
0x60: {  	_ =	shalt  }
0x61: {  	_ =	shalt  }
0x62: {  	_ =	shalt  }
0x63: {  	_ =	shalt  }
0x64: {  	_ =	shalt  }
0x65: {  	_ =	shalt  }
0x66: {  	_ =	shalt  }
0x67: {  	_ =	shalt  }
0x68: {  	_ =	shalt  }
0x69: {  	_ =	shalt  }
0x6a: {  	_ =	shalt  }
0x6b: {  	_ =	shalt  }
0x6c: {  	_ =	shalt  }
0x6d: {  	_ =	shalt  }
0x6e: {  	_ =	shalt  }
0x6f: {  	_ =	shalt  }
0x70: {  	_ =	shalt  }
0x71: {  	_ =	shalt  }
0x72: {  	_ =	shalt  }
0x73: {  	_ =	shalt  }
0x74: {  	_ =	shalt  }
0x75: {  	_ =	shalt  }
0x76: {  	_ =	shalt  }
0x77: {  	_ =	shalt  }
0x78: {  	_ =	shalt  }
0x79: {  	_ =	shalt  }
0x7a: {  	_ =	shalt  }
0x7b: {  	_ =	shalt  }
0x7c: {  	_ =	shalt  }
0x7d: {  	_ =	shalt  }
0x7e: {  	_ =	shalt  }
0x7f: {  	_ =	shalt  }
0x80: {  	_ =	shalt  }
0x81: {  	_ =	shalt  }
0x82: {  	_ =	shalt  }
0x83: {  	_ =	shalt  }
0x84: {  	_ =	shalt  }
0x85: {  	_ =	shalt  }
0x86: {  	_ =	shalt  }
0x87: {  	_ =	shalt  }
.Lfunc_end0:
.L_simem_size_0:
called_computation.1_lowered:
.L_overlay_start_0:
0x88: {  	s2 =	sld [smem:$0x3FD9]  }
0x89: {  	s3 =	sld [smem:$0x3FFE];
	_ =	sdelay $0x1  }
0x8a: {  	s1 =	srdreg.scid  }
0x8b: {  	s0 =	sand.u32 $0x1, s1  }
0x8c: {  	s16 =	sshll.u32 s0, $0xA;
	s2 =	sadd.s32 s3, s2  }
0x8d: {  	s2 =	sadd.s32 s2, s16  }
0x8e: {  	[smem:$0x3FC2] =	sst s2  }
0x8f: {  	_ = 	snop  }
0x90: {  	(tm) =	ssettm $0x1  }
0x91: {  	s17 =	sld [smem:$0x3FFB];
	_ =	sdelay $0x3  }
0x92: {  	_ =	strace s17  }
0x93: {  	s2 =	sld [smem:$0x3FFC];
	_ =	sdelay $0x3  }
0x94: {  	_ =	strace s2  }
0x95: {  	s2 =	sld [smem:$0x3FFD];
	_ =	sdelay $0x3  }
0x96: {  	_ =	strace s2  }
0x97: {  	_ =	strace $0x8FFFFFFF  }
0x98: {  	s18 =	sld [smem:$0x3FDB];
	_ =	sdelay $0x1  }
0x99: {  	s19 =	simm.s32 $_scs_section_size  }
0x9a: {  	s4 =	simm.s32 $_size__tile_overlayer_lowered;
	s5 =	simm.s32 $_tile_overlayer_lowered  }
0x9b: {  	s22 =	simm.s32 $0x1BFF;
	s21 =	sshll.u32 s5, $0x1;
	s2 =	sadd.s32 s19, s18  }
0x9c: {  	s6 =	simm.s32 $0x0;
	s20 =	sshll.u32 s4, $0x1;
	s4 =	sadd.s32 s21, s2  }
0x9d: {  	[timem:s6], [sflag:s22] =	dma.local [hbm:s4], s20  }
0x9e: {  	_ =	swait.ge [sflag:s22], s20  }
0x9f: {  	s3 =	ssub.s32 $0x0, s20;
	[sflag:s22] =	ssyncset.done $0x0  }
0xa0: {  	[sflag:s22] =	ssyncadd.s32 s3;
	_ =	sdelay $0x1  }
0xa1: {  	s23 =	simm.s32 $0x1B8B  }
0xa2: {  	_ =	swait.ge [sflag:s23], $0x1  }
0xa3: {  	[sflag:s23] =	ssyncset.done $0x0  }
0xa4: {  	s25 =	simm.s32 $0x1B8E;
	s24 =	sld [smem:$0x3FFE];
	[sflag:s23] =	ssyncadd.s32 $0xFFFFFFFF  }
0xa5: {  	s26 =	simm.s32 $execute0_lowered;
	[smem:$0x3FD2] =	sst s25  }
0xa6: {  	s4 =	sshll.u32 s26, $0x1;
	_ =	strace $0x80000049;
	[dreg:$0x1] =	wrdreg $0xFFFFFFFF  }
0xa7: {  	s28 =	simm.s32 $_size_execute0_lowered;
	s2 =	sadd.s32 s2, s4;
	[dreg:$0x0] =	wrdreg $0x0  }
0xa8: {  	s4 =	sshll.u32 s28, $0x1;
	[dreg:$0x2] =	wrdreg s2  }
0xa9: {  	[dreg:$0x3] =	wrdreg s4  }
0xaa: {  	[dreg:$0x4] =	wrdreg $0xC0  }
0xab: {  	_ =	task [dreg:s6], $0x5FFFF  }
0xac: {  	[dreg:$0x1] =	wrdreg $0xFFFFFFFF  }
0xad: {  	[dreg:$0x0] =	wrdreg $0x60  }
0xae: {  	[dreg:$0x2] =	wrdreg s24  }
0xaf: {  	[dreg:$0x3] =	wrdreg $0xA8000  }
0xb0: {  	[dreg:$0x4] =	wrdreg $0x9  }
0xb1: {  	_ =	task.clear_ibuf [dreg:s6], $0x5FFFF;
	_ =	strace $0x90000049  }
0xb2: {  	s29 =	simm.s32 $0x9;
	_ =	strace $0x8000004B  }
0xb3: {  	_ =	swait.ge [sflag:s29], $0x1  }
0xb4: {  	[sflag:s29] =	ssyncadd.s32 $0xFFFFFFFF  }
0xb5: {  	_ =	strace $0x9000004B  }
0xb6: {  	_ =	sfence  }
0xb7: {  	s30 =	sld [smem:$0x0];
	_ =	sdelay $0x2  }
0xb8: {  	s31 =	sshll.u32 s1, $0xD;
	s1 =	sshrl.u32 s1, $0x2  }
0xb9: {  	s3 =	sand.u32 $0x4000, s31;
	s1 =	sadd.s32 s1, s30  }
0xba: {  	s0 =	sor.u32 s3, s0;
	s1 =	sshll.u32 s1, $0x11  }
0xbb: {  	s0 =	sor.u32 s1, s0  }
0xbc: {  	s0 =	sadd.s32 $0x8F2B, s0  }
0xbd: {  	[sflag:s0] =	ssyncadd.remote.s32 $0x1  }
0xbe: {  	_ =	sfence.sel $0xFFFF  }
0xbf: {  	[dreg:$0x0] =	wrdreg $0xFFFFFFFF;
	(pc) =	sbr.abs _section_cstart, $3  }
0xc0: {  	[dreg:$0x1] =	wrdreg $0xFFFFFFFF  }
0xc1: {  	_ =	task.clear_ibuf [dreg:s6], $0x2FFFF;
	_ =	strace $0x9FFFFFFF  }
0xc2: {  	(tm) =	ssettm $0x7FFFFFFF  }
0xc3: {  	_ =	shalt  }
tec
execute0_lowered:
.L_overlay_start_1:
0x0: {  	(tag) =	ssettag $0x1  }
0x1: {  	s0 =	rddreg [dreg:$0x0]  }
0x2: {  	s1 =	rddreg [dreg:$0x1];
	s18 =	simm.s32 $0x0  }
0x3: {  	s2 =	srdreg.scid;
	s9 =	stileid.u32;
	s28 =	simm.s32 $0x6800  }
0x4: {  	s29 =	simm.s32 $0x180;
	s30 =	simm.s32 $0x8800;
	s31 =	simm.s32 $0x1  }
0x5: {  	s10 =	simm.s32 $0x5;
	s2 =	sand.u32 $0x1, s2;
	s8 =	smul.u32 $0x50000, s9  }
0x6: {  	s11 =	simm.s32 $0x6;
	s12 =	simm.s32 $0x7;
	s3 =	smul.u32 $0x140000, s2  }
0x7: {  	[smem:$0x7FF] =	sst s18;
	s13 =	smul.u32 $0xA00, s2;
	s2 =	ssub.s32 $0x2, s2  }
0x8: {  	s7 =	smul.u32 $0x14000, s9;
	s14 =	sshrl.u32 s2, $0x1;
	s8 =	sshrl.u32 s8, $0x2  }
0x9: {  	s4 =	sadd.s32 $0x2800, s0;
	s2 =	ssub.s32 s2, s14;
	s19 =	sadd.s32 s8, s1  }
0xa: {  	_ =	strace $0x8000004A;
	s15 =	smax.u32 s2, $0x1;
	[dreg:$0x4] =	wrdreg s19  }
0xb: {  	s5 =	sadd.s32 $0x52800, s0;
	s16 =	sadd.s32 $0x2000, s19;
	[dreg:$0x6] =	wrdreg s15  }
0xc: {  	s6 =	sadd.s32 $0x66800, s0;
	s17 =	sadd.s32 $0x4000, s19;
	[dreg:$0x7] =	wrdreg s16  }
0xd: {  	s9 =	smul.u32 $0xA0, s9;
	s20 =	sadd.s32 $0x6000, s19;
	[dreg:$0x8] =	wrdreg s17  }
0xe: {  	s3 =	sadd.s32 s7, s3;
	s21 =	sadd.s32 $0x8000, s19;
	[dreg:$0x9] =	wrdreg s20  }
0xf: {  	s8 =	sadd.s32 s9, s13;
	s22 =	sadd.s32 $0xA000, s19;
	[dreg:$0xa] =	wrdreg s21  }
0x10: {  	s9 =	simm.s32 $0x4;
	s23 =	sadd.s32 $0xC000, s19;
	[dreg:$0xb] =	wrdreg s22  }
0x11: {  	s13 =	simm.s32 $0x8;
	s24 =	sadd.s32 $0xE000, s19;
	[dreg:$0xc] =	wrdreg s23  }
0x12: {  	s14 =	simm.s32 $0x2600;
	s25 =	sadd.s32 $0x10000, s19;
	[dreg:$0xd] =	wrdreg s24  }
0x13: {  	s3 =	sshrl.u32 s3, $0x3;
	s26 =	sadd.s32 $0x12000, s19;
	[dreg:$0xe] =	wrdreg s25  }
0x14: {  	s2 =	simm.s32 $0x3;
	s0 =	sadd.s32 s3, s0;
	[dreg:$0xf] =	wrdreg s26  }
0x15: {  	s20 =	simm.s32 $0x2800;
	s21 =	simm.s32 $0x9;
	s23 =	simm.s32 $0x40  }
0x16: {  	s24 =	simm.s32 $0x80;
	s25 =	simm.s32 $0x4800;
	s26 =	simm.s32 $0x100  }
0x17: {  	s15 =	simm.s32 $0x2680;
	s16 =	simm.s32 $0x2700;
	s0 =	sadd.s32 $0x7A800, s0  }
0x18: {  	v0 =	vimm.f32 $0.0e+00;
	s17 =	simm.s32 $0x2780;
	[dreg:$0x5] =	wrdreg s0;
	s0 =	simm.s32 $0x2  }
.LBB2_1:
0x19: {  	[dreg:$0x3] =	wrdreg s18;
	s3 =	simm.s32 $0x0;
	s7 =	simm.s32 $0x200  }
.LBB2_2:
0x1a: {  	p0 =	sne.s32 s7, $0x7E00;
	[tilespmem:s3+$0x2870] =	vst v0  }
0x1b: {  	[tilespmem:s3+$0x2800] =	vst v0  }
0x1c: {  	[tilespmem:s3+$0x2810] =	vst v0  }
.Ltmp0:
0x1d: {  	[tilespmem:s3+$0x2820] =	vst v0;
	(pc) =	sbr.rel @p0 .LBB2_2-.Ltmp0, $4  }
0x1e: {  	[tilespmem:s3+$0x2830] =	vst v0  }
0x1f: {  	[tilespmem:s3+$0x2840] =	vst v0  }
0x20: {  	[tilespmem:s3+$0x2850] =	vst v0  }
0x21: {  	[tilespmem:s3+$0x2860] =	vst v0;
	s3 =	sshra.s32 s7, $0x2;
	s7 =	sadd.s32 $0x200, s7  }
0x22: {  	[tilespmem:s3+$0x2870] =	vst v0  }
0x23: {  	[tilespmem:s3+$0x2800] =	vst v0  }
0x24: {  	[tilespmem:s3+$0x2810] =	vst v0  }
0x25: {  	[tilespmem:s3+$0x2820] =	vst v0  }
0x26: {  	[tilespmem:s3+$0x2830] =	vst v0  }
0x27: {  	[tilespmem:s3+$0x2840] =	vst v0  }
0x28: {  	[tilespmem:s3+$0x2850] =	vst v0  }
0x29: {  	[tilespmem:s3+$0x2860] =	vst v0  }
0x2a: {  	[spmem:s19] =	stream.linear.scatter [tilespmem:s20], [sflag:$0x9], $0x2000, $0x38;
	[tilespmem:$0x1E800] =	vst v63  }
0x2b: {  	_ =	swait.ge [sflag:s21], $0x2000  }
0x2c: {  	[sflag:s21] =	ssyncset.done $0x0  }
0x2d: {  	s22 =	rddreg [dreg:$0x7];
	[sflag:s21] =	ssyncadd.s32 $0xFFFFE000  }
0x2e: {  	[spmem:s22] =	stream.linear.scatter [tilespmem:s20], [sflag:$0x9], $0x2000, $0x38;
	[tilespmem:$0x1E800] =	vst v63  }
0x2f: {  	_ =	swait.ge [sflag:s21], $0x2000  }
0x30: {  	[sflag:s21] =	ssyncset.done $0x0  }
0x31: {  	s7 =	rddreg [dreg:$0x8];
	[sflag:s21] =	ssyncadd.s32 $0xFFFFE000  }
0x32: {  	[spmem:s7] =	stream.linear.scatter [tilespmem:s20], [sflag:$0x9], $0x2000, $0x38;
	[tilespmem:$0x1E800] =	vst v63  }
0x33: {  	_ =	swait.ge [sflag:s21], $0x2000  }
0x34: {  	[sflag:s21] =	ssyncset.done $0x0  }
0x35: {  	s18 =	rddreg [dreg:$0x9];
	[sflag:s21] =	ssyncadd.s32 $0xFFFFE000  }
0x36: {  	[spmem:s18] =	stream.linear.scatter [tilespmem:s20], [sflag:$0x9], $0x2000, $0x38;
	[tilespmem:$0x1E800] =	vst v63  }
0x37: {  	_ =	swait.ge [sflag:s21], $0x2000  }
0x38: {  	[sflag:s21] =	ssyncset.done $0x0  }
0x39: {  	s19 =	rddreg [dreg:$0xa];
	[sflag:s21] =	ssyncadd.s32 $0xFFFFE000  }
0x3a: {  	[spmem:s19] =	stream.linear.scatter [tilespmem:s20], [sflag:$0x9], $0x2000, $0x38;
	[tilespmem:$0x1E800] =	vst v63  }
0x3b: {  	_ =	swait.ge [sflag:s21], $0x2000  }
0x3c: {  	[sflag:s21] =	ssyncset.done $0x0  }
0x3d: {  	s22 =	rddreg [dreg:$0xb];
	[sflag:s21] =	ssyncadd.s32 $0xFFFFE000  }
0x3e: {  	[spmem:s22] =	stream.linear.scatter [tilespmem:s20], [sflag:$0x9], $0x2000, $0x38;
	[tilespmem:$0x1E800] =	vst v63  }
0x3f: {  	_ =	swait.ge [sflag:s21], $0x2000  }
0x40: {  	[sflag:s21] =	ssyncset.done $0x0  }
0x41: {  	s7 =	rddreg [dreg:$0xc];
	[sflag:s21] =	ssyncadd.s32 $0xFFFFE000  }
0x42: {  	[spmem:s7] =	stream.linear.scatter [tilespmem:s20], [sflag:$0x9], $0x2000, $0x38;
	[tilespmem:$0x1E800] =	vst v63  }
0x43: {  	_ =	swait.ge [sflag:s21], $0x2000  }
0x44: {  	[sflag:s21] =	ssyncset.done $0x0  }
0x45: {  	s18 =	rddreg [dreg:$0xd];
	[sflag:s21] =	ssyncadd.s32 $0xFFFFE000  }
0x46: {  	[spmem:s18] =	stream.linear.scatter [tilespmem:s20], [sflag:$0x9], $0x2000, $0x38;
	[tilespmem:$0x1E800] =	vst v63  }
0x47: {  	_ =	swait.ge [sflag:s21], $0x2000  }
0x48: {  	[sflag:s21] =	ssyncset.done $0x0  }
0x49: {  	s19 =	rddreg [dreg:$0xe];
	[sflag:s21] =	ssyncadd.s32 $0xFFFFE000  }
0x4a: {  	[spmem:s19] =	stream.linear.scatter [tilespmem:s20], [sflag:$0x9], $0x2000, $0x38;
	[tilespmem:$0x1E800] =	vst v63  }
0x4b: {  	_ =	swait.ge [sflag:s21], $0x2000  }
0x4c: {  	[sflag:s21] =	ssyncset.done $0x0  }
0x4d: {  	s22 =	rddreg [dreg:$0xf];
	[sflag:s21] =	ssyncadd.s32 $0xFFFFE000  }
0x4e: {  	[spmem:s22] =	stream.linear.scatter [tilespmem:s20], [sflag:$0x9], $0x2000, $0x38;
	[tilespmem:$0x1E800] =	vst v63  }
0x4f: {  	_ =	swait.ge [sflag:s21], $0x2000  }
0x50: {  	[sflag:s21] =	ssyncset.done $0x0  }
0x51: {  	[sflag:s21] =	ssyncadd.s32 $0xFFFFE000  }
0x52: {  	s18 =	simm.s32 $0x0;
	s19 =	simm.s32 $0x0;
	[bflag:$0x0] =	sbarrier.arrive $0xFFFF  }
.LBB2_4:
0x53: {  	s3 =	smul.u32 $0x28, s19;
	_ =	sdelay $0x1  }
0x54: {  	s3 =	sadd.s32 s3, s8  }
0x55: {  	s3 =	sshll.u32 s3, $0x4  }
0x56: {  	s7 =	sadd.s32 s5, s3  }
0x57: {  	[tilespmem:s18], [sflag:$0x9] =	stream.linear.gather [hbm4b:s7+s18], $0x1400, $0x38;
	[tilespmem:$0x1E800] =	vst v63  }
0x58: {  	_ =	swait.ge [sflag:s21], $0x1400  }
0x59: {  	[sflag:s21] =	ssyncset.done $0x0  }
0x5a: {  	s22 =	simm.s32 $0x1400;
	s3 =	sadd.s32 s6, s3;
	[sflag:s21] =	ssyncadd.s32 $0xFFFFEC00  }
0x5b: {  	[tilespmem:s22], [sflag:$0x9] =	stream.linear.gather [hbm4b:s3+s18], $0x1400, $0x38;
	[tilespmem:$0x1E800] =	vst v63  }
0x5c: {  	_ =	swait.ge [sflag:s21], $0x1400  }
0x5d: {  	[sflag:s21] =	ssyncset.done $0x0  }
0x5e: {  	[sflag:s21] =	ssyncadd.s32 $0xFFFFEC00  }
0x5f: {  	[tilespmem:s20], [sflag:$0x1] =	stream.indirect.gather [hbm4b:s4+s23], $0x80, s18, s23, $0xb8;
	[tilespmem:$0x1E800] =	vst v63  }
0x60: {  	_ = 	snop  }
0x61: {  	[tilespmem:s25], [sflag:$0x2] =	stream.indirect.gather [hbm4b:s4+s23], $0x80, s24, s23, $0xb8;
	[tilespmem:$0x1E800] =	vst v63  }
0x62: {  	_ = 	snop  }
0x63: {  	[tilespmem:s28], [sflag:$0x3] =	stream.indirect.gather [hbm4b:s4+s23], $0x80, s26, s23, $0xb8;
	[tilespmem:$0x1E800] =	vst v63  }
0x64: {  	_ = 	snop  }
0x65: {  	[tilespmem:s30], [sflag:$0x4] =	stream.indirect.gather [hbm4b:s4+s23], $0x80, s29, s23, $0xb8;
	[tilespmem:$0x1E800] =	vst v63  }
0x66: {  	_ =	swait.ge [sflag:s31], $0x2000  }
0x67: {  	[sflag:s31] =	ssyncset.done $0x0  }
0x68: {  	s22 =	simm.s32 $0x1400;
	[sflag:s31] =	ssyncadd.s32 $0xFFFFE000  }
0x69: {  	[spmem:s1] =	stream.indirect.scatter.add.f32 [tilespmem:s20], [sflag:$0x5], $0x80, s22, s23, $0xb8;
	[tilespmem:$0x1E800] =	vst v63  }
0x6a: {  	_ =	swait.ge [sflag:s0], $0x2000  }
0x6b: {  	[sflag:s0] =	ssyncset.done $0x0  }
0x6c: {  	s7 =	simm.s32 $0x1480;
	[sflag:s0] =	ssyncadd.s32 $0xFFFFE000  }
0x6d: {  	[spmem:s1] =	stream.indirect.scatter.add.f32 [tilespmem:s25], [sflag:$0x6], $0x80, s7, s23, $0xb8;
	[tilespmem:$0x1E800] =	vst v63  }
0x6e: {  	_ =	swait.ge [sflag:s2], $0x2000  }
0x6f: {  	[sflag:s2] =	ssyncset.done $0x0  }
0x70: {  	s22 =	simm.s32 $0x1500;
	[sflag:s2] =	ssyncadd.s32 $0xFFFFE000  }
0x71: {  	[spmem:s1] =	stream.indirect.scatter.add.f32 [tilespmem:s28], [sflag:$0x7], $0x80, s22, s23, $0xb8;
	[tilespmem:$0x1E800] =	vst v63  }
0x72: {  	_ =	swait.ge [sflag:s9], $0x2000  }
0x73: {  	[sflag:s9] =	ssyncset.done $0x0  }
0x74: {  	s7 =	simm.s32 $0x1580;
	[sflag:s9] =	ssyncadd.s32 $0xFFFFE000  }
0x75: {  	[spmem:s1] =	stream.indirect.scatter.add.f32 [tilespmem:s30], [sflag:$0x8], $0x80, s7, s23, $0xb8;
	[tilespmem:$0x1E800] =	vst v63  }
0x76: {  	_ =	swait.ge [sflag:s10], $0x2000  }
0x77: {  	[sflag:s10] =	ssyncset.done $0x0  }
0x78: {  	s22 =	simm.s32 $0x200;
	[sflag:s10] =	ssyncadd.s32 $0xFFFFE000  }
0x79: {  	[tilespmem:s20], [sflag:$0x1] =	stream.indirect.gather [hbm4b:s4+s23], $0x80, s22, s23, $0xb8;
	[tilespmem:$0x1E800] =	vst v63  }
0x7a: {  	_ =	swait.ge [sflag:s11], $0x2000  }
0x7b: {  	[sflag:s11] =	ssyncset.done $0x0  }
0x7c: {  	s7 =	simm.s32 $0x280;
	[sflag:s11] =	ssyncadd.s32 $0xFFFFE000  }
0x7d: {  	[tilespmem:s25], [sflag:$0x2] =	stream.indirect.gather [hbm4b:s4+s23], $0x80, s7, s23, $0xb8;
	[tilespmem:$0x1E800] =	vst v63  }
0x7e: {  	_ =	swait.ge [sflag:s12], $0x2000  }
0x7f: {  	[sflag:s12] =	ssyncset.done $0x0  }
0x80: {  	s22 =	simm.s32 $0x300;
	[sflag:s12] =	ssyncadd.s32 $0xFFFFE000  }
0x81: {  	[tilespmem:s28], [sflag:$0x3] =	stream.indirect.gather [hbm4b:s4+s23], $0x80, s22, s23, $0xb8;
	[tilespmem:$0x1E800] =	vst v63  }
0x82: {  	_ =	swait.ge [sflag:s13], $0x2000  }
0x83: {  	[sflag:s13] =	ssyncset.done $0x0  }
0x84: {  	s3 =	simm.s32 $0x380;
	s7 =	simm.s32 $0x800;
	[sflag:s13] =	ssyncadd.s32 $0xFFFFE000  }
.LBB2_5:
0x85: {  	[tilespmem:s30], [sflag:$0x4] =	stream.indirect.gather [hbm4b:s4+s23], $0x80, s3, s23, $0xb8;
	[tilespmem:$0x1E800] =	vst v63  }
0x86: {  	s3 =	smov.u32 s7  }
0x87: {  	p0 =	sne.s32 s7, $0x4000;
	s7 =	sadd.s32 $0x800, s7;
	_ =	swait.ge [sflag:s31], $0x2000  }
0x88: {  	s3 =	sshra.s32 s3, $0x2;
	[sflag:s31] =	ssyncset.done $0x0  }
0x89: {  	s22 =	sadd.s32 $0x1400, s3;
	[sflag:s31] =	ssyncadd.s32 $0xFFFFE000  }
0x8a: {  	[spmem:s1] =	stream.indirect.scatter.add.f32 [tilespmem:s20], [sflag:$0x5], $0x80, s22, s23, $0xb8;
	[tilespmem:$0x1E800] =	vst v63  }
0x8b: {  	_ =	swait.ge [sflag:s0], $0x2000  }
0x8c: {  	[sflag:s0] =	ssyncset.done $0x0  }
0x8d: {  	s22 =	sadd.s32 $0x1480, s3;
	[sflag:s0] =	ssyncadd.s32 $0xFFFFE000  }
0x8e: {  	[spmem:s1] =	stream.indirect.scatter.add.f32 [tilespmem:s25], [sflag:$0x6], $0x80, s22, s23, $0xb8;
	[tilespmem:$0x1E800] =	vst v63  }
0x8f: {  	_ =	swait.ge [sflag:s2], $0x2000  }
0x90: {  	[sflag:s2] =	ssyncset.done $0x0  }
0x91: {  	s22 =	sadd.s32 $0x1500, s3;
	[sflag:s2] =	ssyncadd.s32 $0xFFFFE000  }
0x92: {  	[spmem:s1] =	stream.indirect.scatter.add.f32 [tilespmem:s28], [sflag:$0x7], $0x80, s22, s23, $0xb8;
	[tilespmem:$0x1E800] =	vst v63  }
0x93: {  	_ =	swait.ge [sflag:s9], $0x2000  }
0x94: {  	[sflag:s9] =	ssyncset.done $0x0  }
0x95: {  	s22 =	sadd.s32 $0x1580, s3;
	[sflag:s9] =	ssyncadd.s32 $0xFFFFE000  }
0x96: {  	[spmem:s1] =	stream.indirect.scatter.add.f32 [tilespmem:s30], [sflag:$0x8], $0x80, s22, s23, $0xb8;
	[tilespmem:$0x1E800] =	vst v63  }
0x97: {  	_ =	swait.ge [sflag:s10], $0x2000  }
0x98: {  	[sflag:s10] =	ssyncset.done $0x0  }
0x99: {  	s22 =	sadd.s32 $0x200, s3;
	[sflag:s10] =	ssyncadd.s32 $0xFFFFE000  }
0x9a: {  	[tilespmem:s20], [sflag:$0x1] =	stream.indirect.gather [hbm4b:s4+s23], $0x80, s22, s23, $0xb8;
	[tilespmem:$0x1E800] =	vst v63  }
0x9b: {  	_ =	swait.ge [sflag:s11], $0x2000  }
0x9c: {  	[sflag:s11] =	ssyncset.done $0x0  }
0x9d: {  	s22 =	sadd.s32 $0x280, s3;
	[sflag:s11] =	ssyncadd.s32 $0xFFFFE000  }
0x9e: {  	[tilespmem:s25], [sflag:$0x2] =	stream.indirect.gather [hbm4b:s4+s23], $0x80, s22, s23, $0xb8;
	[tilespmem:$0x1E800] =	vst v63  }
0x9f: {  	_ =	swait.ge [sflag:s12], $0x2000  }
0xa0: {  	[sflag:s12] =	ssyncset.done $0x0  }
.Ltmp1:
0xa1: {  	s22 =	sadd.s32 $0x300, s3;
	[sflag:s12] =	ssyncadd.s32 $0xFFFFE000;
	(pc) =	sbr.rel @p0 .LBB2_5-.Ltmp1, $4  }
0xa2: {  	[tilespmem:s28], [sflag:$0x3] =	stream.indirect.gather [hbm4b:s4+s23], $0x80, s22, s23, $0xb8;
	[tilespmem:$0x1E800] =	vst v63  }
0xa3: {  	_ =	swait.ge [sflag:s13], $0x2000  }
0xa4: {  	[sflag:s13] =	ssyncset.done $0x0  }
0xa5: {  	s3 =	sadd.s32 $0x380, s3;
	[sflag:s13] =	ssyncadd.s32 $0xFFFFE000  }
0xa6: {  	[tilespmem:s30], [sflag:$0x4] =	stream.indirect.gather [hbm4b:s4+s23], $0x80, s3, s23, $0xb8;
	[tilespmem:$0x1E800] =	vst v63  }
0xa7: {  	_ =	swait.ge [sflag:s31], $0x2000  }
0xa8: {  	[sflag:s31] =	ssyncset.done $0x0  }
0xa9: {  	[sflag:s31] =	ssyncadd.s32 $0xFFFFE000  }
0xaa: {  	[spmem:s1] =	stream.indirect.scatter.add.f32 [tilespmem:s20], [sflag:$0x5], $0x80, s14, s23, $0xb8;
	[tilespmem:$0x1E800] =	vst v63  }
0xab: {  	_ =	swait.ge [sflag:s0], $0x2000  }
0xac: {  	[sflag:s0] =	ssyncset.done $0x0  }
0xad: {  	[sflag:s0] =	ssyncadd.s32 $0xFFFFE000  }
0xae: {  	[spmem:s1] =	stream.indirect.scatter.add.f32 [tilespmem:s25], [sflag:$0x6], $0x80, s15, s23, $0xb8;
	[tilespmem:$0x1E800] =	vst v63  }
0xaf: {  	_ =	swait.ge [sflag:s2], $0x2000  }
0xb0: {  	[sflag:s2] =	ssyncset.done $0x0  }
0xb1: {  	[sflag:s2] =	ssyncadd.s32 $0xFFFFE000  }
0xb2: {  	[spmem:s1] =	stream.indirect.scatter.add.f32 [tilespmem:s28], [sflag:$0x7], $0x80, s16, s23, $0xb8;
	[tilespmem:$0x1E800] =	vst v63  }
0xb3: {  	_ =	swait.ge [sflag:s9], $0x2000  }
0xb4: {  	[sflag:s9] =	ssyncset.done $0x0  }
0xb5: {  	[sflag:s9] =	ssyncadd.s32 $0xFFFFE000  }
0xb6: {  	[spmem:s1] =	stream.indirect.scatter.add.f32 [tilespmem:s30], [sflag:$0x8], $0x80, s17, s23, $0xb8;
	[tilespmem:$0x1E800] =	vst v63  }
0xb7: {  	_ =	swait.ge [sflag:s10], $0x2000  }
0xb8: {  	[sflag:s10] =	ssyncset.done $0x0  }
0xb9: {  	[sflag:s10] =	ssyncadd.s32 $0xFFFFE000  }
0xba: {  	_ =	swait.ge [sflag:s11], $0x2000  }
0xbb: {  	[sflag:s11] =	ssyncset.done $0x0  }
0xbc: {  	s19 =	sadd.s32 $0x1, s19;
	[sflag:s11] =	ssyncadd.s32 $0xFFFFE000  }
0xbd: {  	p0 =	sne.s32 s19, $0x4;
	_ =	swait.ge [sflag:s12], $0x2000  }
.Ltmp2:
0xbe: {  	[sflag:s12] =	ssyncset.done $0x0;
	(pc) =	sbr.rel @p0 .LBB2_4-.Ltmp2, $4  }
0xbf: {  	[sflag:s12] =	ssyncadd.s32 $0xFFFFE000  }
0xc0: {  	_ =	swait.ge [sflag:s13], $0x2000  }
0xc1: {  	[sflag:s13] =	ssyncset.done $0x0  }
0xc2: {  	[sflag:s13] =	ssyncadd.s32 $0xFFFFE000  }
0xc3: {  	s3 =	stileid.u32;
	[bflag:$0x0] =	sbarrier.arrive $0xFFFF  }
0xc4: {  	s3 =	sshll.u32 s3, $0x6;
	s19 =	rddreg [dreg:$0x4]  }
0xc5: {  	s18 =	rddreg [dreg:$0x5];
	s3 =	sor.u32 $0x1C09, s3;
	s7 =	sshrl.u32 s19, $0x3  }
0xc6: {  	[hbm:s18], [sflag:s3] =	dma.local [spmem:s7], $0x2800  }
0xc7: {  	_ =	swait.ge [sflag:s21], $0x2800  }
0xc8: {  	s7 =	rddreg [dreg:$0x3]  }
0xc9: {  	s22 =	rddreg [dreg:$0x6];
	s18 =	sadd.s32 $0x1, s7  }
0xca: {  	p0 =	sne.s32 s18, s22  }
.Ltmp3:
0xcb: {  	_ = 	snop;
	(pc) =	sbr.rel @p0 .LBB2_1-.Ltmp3, $3  }
0xcc: {  	_ =	sdelay $0x1  }
0xcd: {  	[sflag:s21] =	ssyncset.done $0x0  }
0xce: {  	[sflag:s21] =	ssyncadd.s32 $0xFFFFD800  }
0xcf: {  	_ =	sfence.sel $0x180000  }
0xd0: {  	[bflag:$0x0] =	sbarrier.arrive $0xFFFF  }
0xd1: {  	_ =	strace $0x9000004A  }
0xd2: {  	s0 =	stileid.u32;
	[bflag:$0x2] =	sbarrier.arrive $0xFFFF  }
0xd3: {  	p0 =	sne.s32 s0, $0x0;
	s0 =	rddreg [dreg:$0x2]  }
0xd4: {  	s0 =	sadd.s32 @!p0 $0x100000, s0  }
0xd5: {  	[sflag:s0] =	ssyncadd.tile.s32 @!p0 $0x1;
	_ =	shalt  }
.Lfunc_end2:
_tile_overlayer_lowered:
.L_overlay_start_2:
0xd6: {  	(tag) =	ssettag $0x2  }
0xd7: {  	s0 =	rddreg [dreg:$0x0];
	s2 =	stileid.u32  }
0xd8: {  	s1 =	rddreg [dreg:$0x1];
	p0 =	sne.s32 s2, $0x0  }
0xd9: {  	s3 =	rddreg [dreg:$0x2];
	[bflag:$0x3] =	sbarrier.arrive $0xFFFF;
	s2 =	simm.s32 @!p0 $0x1C09  }
0xda: {  	[timem:s3], [sflag:s2] =	dma.local @!p0 [hbm:s0], s1  }
0xdb: {  	s0 =	simm.s32 @!p0 $0x9  }
0xdc: {  	_ =	swait.ge @!p0 [sflag:s0], s1  }
0xdd: {  	s1 =	ssub.s32 @!p0 $0x0, s1;
	[sflag:s0] =	ssyncset.done @!p0 $0x0  }
0xde: {  	[sflag:s0] =	ssyncadd.s32 @!p0 s1  }
0xdf: {  	[bflag:$0x3] =	sbarrier.arrive $0xFFFF  }
0xe0: {  	_ =	shalt  }

// kernel: kernel.15.cloned.1.call-start
scs
__scs_entry_jumppad:
0x0: {  	(pc) =	sbr.rel $0x88, $3  }
0x1: {  	(tag) =	ssettag $0x0;
	lr =	simm.s32 $0x1  }
0x2: {  	[smem:$0x3F9B] =	sst lr;
	_ =	strace $0xD0000000  }
0x3: {  	_ = 	snop  }
0x4: {  	_ = 	snop  }
0x5: {  	_ = 	snop  }
0x6: {  	_ = 	snop  }
0x7: {  	_ = 	snop  }
__scs_overlays_trampoline_lowered:
0x8: {  	[smem:$0x3FAA] =	sst s0  }
0x9: {  	[smem:$0x3FAB] =	sst s1  }
0xa: {  	[smem:$0x3FAC] =	sst s2  }
0xb: {  	[smem:$0x3FAD] =	sst s3  }
0xc: {  	[smem:$0x3FAE] =	sst s4  }
0xd: {  	[smem:$0x3FAF] =	sst s5  }
0xe: {  	[smem:$0x3FB0] =	sst s6  }
0xf: {  	[smem:$0x3FB1] =	sst s7  }
0x10: {  	[smem:$0x3FB2] =	sst s8  }
0x11: {  	[smem:$0x3FB3] =	sst s9;
	s0 =	simm.s32 @!p0 $0x0  }
0x12: {  	s1 =	sld [smem:$0x3F99];
	s0 =	simm.s32 @p0 $0x1  }
0x13: {  	[smem:$0x3FB4] =	sst s0;
	s0 =	simm.s32 @!p1 $0x0  }
0x14: {  	s2 =	sld [smem:$0x3F98];
	s0 =	simm.s32 @p1 $0x1  }
0x15: {  	[smem:$0x3FB5] =	sst s0;
	s0 =	simm.s32 @!p2 $0x0  }
0x16: {  	s3 =	sld [smem:$0x3FDB];
	s0 =	simm.s32 @p2 $0x1  }
0x17: {  	s4 =	simm.s32 $0x1BF5;
	[smem:$0x3FB7] =	sst s0  }
0x18: {  	s0 =	sld [smem:$0x3F9A];
	_ =	swait.ge [sflag:s4], $0x0  }
0x19: {  	s7 =	sld [smem:$0x3F9B]  }
0x1a: {  	s8 =	sadd.s32 $0xFFFFE003, lr  }
0x1b: {  	s9 =	sadd.s32 $0xFFFFFEF7, lr;
	s5 =	simm.s32 $0xFFFFFFFF;
	p2 =	slt.u32 s8, $0xFFFFF086  }
0x1c: {  	p1 =	slt.u32 s9, $0xF7A;
	s5 =	simm.s32 @!p2 $0x0  }
0x1d: {  	s5 =	simm.s32 @p1 $0x1;
	p0 =	seq.s32 s7, s2  }
0x1e: {  	s7 =	smul.u32 @!p0 $0xF7A, s2;
	p2 =	seq.s32 @!p0 s5, $0x0  }
0x1f: {  	s9 =	smul.u32 $0xF7A, s1;
	s8 =	simm.s32 @!p0 $0x1BF5;
	p2 =	por !p2, p0  }
0x20: {  	[sflag:s8] =	ssyncset.s32 @!p0 $0xFFFFF086;
	s6 =	sadd.s32 @!p0 s3, s7;
	s7 =	simm.s32 @!p0 $0x108  }
0x21: {  	s3 =	sadd.s32 s3, s9;
	s6 =	sadd.s32 @!p0 $0x88, s6;
	s7 =	simm.s32 @p2 $0x1082  }
0x22: {  	[simem:s7], [sflag:s8] =	dma.local @!p0 [hbm:s6], $0xF7A  }
0x23: {  	s9 =	sor.u32 $0xD0000000, s2;
	s6 =	simm.s32 $0x108;
	_ =	swait.ge @!p0 [sflag:s8], $0x0  }
0x24: {  	s3 =	sadd.s32 $0x88, s3;
	s6 =	simm.s32 @!p1 $0x1082;
	[sflag:s4] =	ssyncset.s32 $0xFFFFF086  }
0x25: {  	[simem:s6], [sflag:s4] =	dma.local [hbm:s3], $0xF7A  }
0x26: {  	[smem:$0x3F9B] =	sst s1;
	(tag) =	ssettag s2;
	_ =	strace s9  }
0x27: {  	s1 =	sld [smem:$0x3FAB]  }
0x28: {  	s2 =	sld [smem:$0x3FAC]  }
0x29: {  	s4 =	sld [smem:$0x3FAE]  }
0x2a: {  	p0 =	seq.s32 s5, $0x0;
	s5 =	sld [smem:$0x3FAF]  }
0x2b: {  	s6 =	sld [smem:$0x3FB0]  }
0x2c: {  	s7 =	sld [smem:$0x3FB1]  }
0x2d: {  	s3 =	simm.s32 $0x108;
	s8 =	sld [smem:$0x3FB2]  }
0x2e: {  	s3 =	simm.s32 @!p0 $0x1082;
	s9 =	sld [smem:$0x3FB3]  }
0x2f: {  	lr =	sadd.s32 s0, s3;
	s0 =	sld [smem:$0x3FAA]  }
0x30: {  	s3 =	sld [smem:$0x3FAD]  }
0x31: {  	[smem:$0x3FB6] =	sst s10  }
0x32: {  	s10 =	sld [smem:$0x3FB4];
	_ =	sdelay $0x3  }
0x33: {  	p0 =	seq.s32 s10, $0x1;
	s10 =	sld [smem:$0x3FB6];
	_ =	sdelay $0x3  }
0x34: {  	[smem:$0x3FB6] =	sst s10  }
0x35: {  	s10 =	sld [smem:$0x3FB5];
	_ =	sdelay $0x3  }
0x36: {  	p1 =	seq.s32 s10, $0x1;
	s10 =	sld [smem:$0x3FB6];
	_ =	sdelay $0x3  }
0x37: {  	[smem:$0x3FB6] =	sst s10  }
0x38: {  	s10 =	sld [smem:$0x3FB7]  }
0x39: {  	_ = 	snop;
	(pc) =	sbr.ind lr, $3  }
0x3a: {  	_ = 	snop  }
0x3b: {  	_ = 	snop  }
0x3c: {  	p2 =	seq.s32 s10, $0x1;
	s10 =	sld [smem:$0x3FB6]  }
0x3d: {  	_ =	shalt  }
0x3e: {  	_ =	shalt  }
0x3f: {  	_ =	shalt  }
0x40: {  	_ =	shalt  }
0x41: {  	_ =	shalt  }
0x42: {  	_ =	shalt  }
0x43: {  	_ =	shalt  }
0x44: {  	_ =	shalt  }
0x45: {  	_ =	shalt  }
0x46: {  	_ =	shalt  }
0x47: {  	_ =	shalt  }
0x48: {  	_ =	shalt  }
0x49: {  	_ =	shalt  }
0x4a: {  	_ =	shalt  }
0x4b: {  	_ =	shalt  }
0x4c: {  	_ =	shalt  }
0x4d: {  	_ =	shalt  }
0x4e: {  	_ =	shalt  }
0x4f: {  	_ =	shalt  }
0x50: {  	_ =	shalt  }
0x51: {  	_ =	shalt  }
0x52: {  	_ =	shalt  }
0x53: {  	_ =	shalt  }
0x54: {  	_ =	shalt  }
0x55: {  	_ =	shalt  }
0x56: {  	_ =	shalt  }
0x57: {  	_ =	shalt  }
0x58: {  	_ =	shalt  }
0x59: {  	_ =	shalt  }
0x5a: {  	_ =	shalt  }
0x5b: {  	_ =	shalt  }
0x5c: {  	_ =	shalt  }
0x5d: {  	_ =	shalt  }
0x5e: {  	_ =	shalt  }
0x5f: {  	_ =	shalt  }
0x60: {  	_ =	shalt  }
0x61: {  	_ =	shalt  }
0x62: {  	_ =	shalt  }
0x63: {  	_ =	shalt  }
0x64: {  	_ =	shalt  }
0x65: {  	_ =	shalt  }
0x66: {  	_ =	shalt  }
0x67: {  	_ =	shalt  }
0x68: {  	_ =	shalt  }
0x69: {  	_ =	shalt  }
0x6a: {  	_ =	shalt  }
0x6b: {  	_ =	shalt  }
0x6c: {  	_ =	shalt  }
0x6d: {  	_ =	shalt  }
0x6e: {  	_ =	shalt  }
0x6f: {  	_ =	shalt  }
0x70: {  	_ =	shalt  }
0x71: {  	_ =	shalt  }
0x72: {  	_ =	shalt  }
0x73: {  	_ =	shalt  }
0x74: {  	_ =	shalt  }
0x75: {  	_ =	shalt  }
0x76: {  	_ =	shalt  }
0x77: {  	_ =	shalt  }
0x78: {  	_ =	shalt  }
0x79: {  	_ =	shalt  }
0x7a: {  	_ =	shalt  }
0x7b: {  	_ =	shalt  }
0x7c: {  	_ =	shalt  }
0x7d: {  	_ =	shalt  }
0x7e: {  	_ =	shalt  }
0x7f: {  	_ =	shalt  }
0x80: {  	_ =	shalt  }
0x81: {  	_ =	shalt  }
0x82: {  	_ =	shalt  }
0x83: {  	_ =	shalt  }
0x84: {  	_ =	shalt  }
0x85: {  	_ =	shalt  }
0x86: {  	_ =	shalt  }
0x87: {  	_ =	shalt  }
.Lfunc_end0:
.L_simem_size_0:
called_computation.2_lowered:
.L_overlay_start_0:
0x88: {  	s2 =	sld [smem:$0x3FD9]  }
0x89: {  	s3 =	sld [smem:$0x3FFE];
	_ =	sdelay $0x1  }
0x8a: {  	s1 =	srdreg.scid  }
0x8b: {  	s0 =	sand.u32 $0x1, s1  }
0x8c: {  	s16 =	sshll.u32 s0, $0xA;
	s2 =	sadd.s32 s3, s2  }
0x8d: {  	s2 =	sadd.s32 s2, s16  }
0x8e: {  	[smem:$0x3FC2] =	sst s2  }
0x8f: {  	_ = 	snop  }
0x90: {  	(tm) =	ssettm $0x1  }
0x91: {  	s17 =	sld [smem:$0x3FFB];
	_ =	sdelay $0x3  }
0x92: {  	_ =	strace s17  }
0x93: {  	s2 =	sld [smem:$0x3FFC];
	_ =	sdelay $0x3  }
0x94: {  	_ =	strace s2  }
0x95: {  	s2 =	sld [smem:$0x3FFD];
	_ =	sdelay $0x3  }
0x96: {  	_ =	strace s2  }
0x97: {  	_ =	strace $0x8FFFFFFF  }
0x98: {  	s18 =	sld [smem:$0x3FDB];
	_ =	sdelay $0x1  }
0x99: {  	s19 =	simm.s32 $_scs_section_size  }
0x9a: {  	s4 =	simm.s32 $_size__tile_overlayer_lowered;
	s5 =	simm.s32 $_tile_overlayer_lowered  }
0x9b: {  	s22 =	simm.s32 $0x1BFF;
	s21 =	sshll.u32 s5, $0x1;
	s2 =	sadd.s32 s19, s18  }
0x9c: {  	s6 =	simm.s32 $0x0;
	s20 =	sshll.u32 s4, $0x1;
	s4 =	sadd.s32 s21, s2  }
0x9d: {  	[timem:s6], [sflag:s22] =	dma.local [hbm:s4], s20  }
0x9e: {  	_ =	swait.ge [sflag:s22], s20  }
0x9f: {  	s3 =	ssub.s32 $0x0, s20;
	[sflag:s22] =	ssyncset.done $0x0  }
0xa0: {  	[sflag:s22] =	ssyncadd.s32 s3;
	_ =	sdelay $0x1  }
0xa1: {  	s23 =	simm.s32 $0x1B8B  }
0xa2: {  	_ =	swait.ge [sflag:s23], $0x1  }
0xa3: {  	[sflag:s23] =	ssyncset.done $0x0  }
0xa4: {  	s25 =	simm.s32 $0x1B8E;
	s24 =	sld [smem:$0x3FFE];
	[sflag:s23] =	ssyncadd.s32 $0xFFFFFFFF  }
0xa5: {  	s26 =	simm.s32 $execute0_lowered;
	[smem:$0x3FD2] =	sst s25  }
0xa6: {  	s4 =	sshll.u32 s26, $0x1;
	_ =	strace $0x8000004C;
	[dreg:$0x1] =	wrdreg $0xFFFFFFFF  }
0xa7: {  	s28 =	simm.s32 $_size_execute0_lowered;
	s2 =	sadd.s32 s2, s4;
	[dreg:$0x0] =	wrdreg $0x0  }
0xa8: {  	s4 =	sshll.u32 s28, $0x1;
	[dreg:$0x2] =	wrdreg s2  }
0xa9: {  	[dreg:$0x3] =	wrdreg s4  }
0xaa: {  	[dreg:$0x4] =	wrdreg $0xC0  }
0xab: {  	_ =	task [dreg:s6], $0x5FFFF  }
0xac: {  	[dreg:$0x1] =	wrdreg $0xFFFFFFFF  }
0xad: {  	[dreg:$0x0] =	wrdreg $0x60  }
0xae: {  	[dreg:$0x2] =	wrdreg s24  }
0xaf: {  	[dreg:$0x3] =	wrdreg $0xA8000  }
0xb0: {  	[dreg:$0x4] =	wrdreg $0x9  }
0xb1: {  	_ =	task.clear_ibuf [dreg:s6], $0x5FFFF;
	_ =	strace $0x9000004C  }
0xb2: {  	s29 =	simm.s32 $0x9;
	_ =	strace $0x8000004E  }
0xb3: {  	_ =	swait.ge [sflag:s29], $0x1  }
0xb4: {  	[sflag:s29] =	ssyncadd.s32 $0xFFFFFFFF  }
0xb5: {  	_ =	strace $0x9000004E  }
0xb6: {  	_ =	sfence  }
0xb7: {  	s30 =	sld [smem:$0x0];
	_ =	sdelay $0x2  }
0xb8: {  	s31 =	sshll.u32 s1, $0xD;
	s1 =	sshrl.u32 s1, $0x2  }
0xb9: {  	s3 =	sand.u32 $0x4000, s31;
	s1 =	sadd.s32 s1, s30  }
0xba: {  	s0 =	sor.u32 s3, s0;
	s1 =	sshll.u32 s1, $0x11  }
0xbb: {  	s0 =	sor.u32 s1, s0  }
0xbc: {  	s0 =	sadd.s32 $0x8F2B, s0  }
0xbd: {  	[sflag:s0] =	ssyncadd.remote.s32 $0x1  }
0xbe: {  	_ =	sfence.sel $0xFFFF  }
0xbf: {  	[dreg:$0x0] =	wrdreg $0xFFFFFFFF;
	(pc) =	sbr.abs _section_cstart, $3  }
0xc0: {  	[dreg:$0x1] =	wrdreg $0xFFFFFFFF  }
0xc1: {  	_ =	task.clear_ibuf [dreg:s6], $0x2FFFF;
	_ =	strace $0x9FFFFFFF  }
0xc2: {  	(tm) =	ssettm $0x7FFFFFFF  }
0xc3: {  	_ =	shalt  }
tec
execute0_lowered:
.L_overlay_start_1:
0x0: {  	(tag) =	ssettag $0x1  }
0x1: {  	s0 =	rddreg [dreg:$0x0]  }
0x2: {  	s1 =	rddreg [dreg:$0x1];
	s18 =	simm.s32 $0x0  }
0x3: {  	s2 =	srdreg.scid;
	s9 =	stileid.u32;
	s28 =	simm.s32 $0x6800  }
0x4: {  	s29 =	simm.s32 $0x180;
	s30 =	simm.s32 $0x8800;
	s31 =	simm.s32 $0x1  }
0x5: {  	s10 =	simm.s32 $0x5;
	s2 =	sand.u32 $0x1, s2;
	s8 =	smul.u32 $0x50000, s9  }
0x6: {  	s11 =	simm.s32 $0x6;
	s12 =	simm.s32 $0x7;
	s3 =	smul.u32 $0x140000, s2  }
0x7: {  	[smem:$0x7FF] =	sst s18;
	s13 =	smul.u32 $0xA00, s2;
	s2 =	ssub.s32 $0x2, s2  }
0x8: {  	s7 =	smul.u32 $0x14000, s9;
	s14 =	sshrl.u32 s2, $0x1;
	s8 =	sshrl.u32 s8, $0x2  }
0x9: {  	s4 =	sadd.s32 $0x2800, s0;
	s2 =	ssub.s32 s2, s14;
	s19 =	sadd.s32 s8, s1  }
0xa: {  	_ =	strace $0x8000004D;
	s15 =	smax.u32 s2, $0x1;
	[dreg:$0x4] =	wrdreg s19  }
0xb: {  	s5 =	sadd.s32 $0x52800, s0;
	s16 =	sadd.s32 $0x2000, s19;
	[dreg:$0x6] =	wrdreg s15  }
0xc: {  	s6 =	sadd.s32 $0x66800, s0;
	s17 =	sadd.s32 $0x4000, s19;
	[dreg:$0x7] =	wrdreg s16  }
0xd: {  	s9 =	smul.u32 $0xA0, s9;
	s20 =	sadd.s32 $0x6000, s19;
	[dreg:$0x8] =	wrdreg s17  }
0xe: {  	s3 =	sadd.s32 s7, s3;
	s21 =	sadd.s32 $0x8000, s19;
	[dreg:$0x9] =	wrdreg s20  }
0xf: {  	s8 =	sadd.s32 s9, s13;
	s22 =	sadd.s32 $0xA000, s19;
	[dreg:$0xa] =	wrdreg s21  }
0x10: {  	s9 =	simm.s32 $0x4;
	s23 =	sadd.s32 $0xC000, s19;
	[dreg:$0xb] =	wrdreg s22  }
0x11: {  	s13 =	simm.s32 $0x8;
	s24 =	sadd.s32 $0xE000, s19;
	[dreg:$0xc] =	wrdreg s23  }
0x12: {  	s14 =	simm.s32 $0x2600;
	s25 =	sadd.s32 $0x10000, s19;
	[dreg:$0xd] =	wrdreg s24  }
0x13: {  	s3 =	sshrl.u32 s3, $0x3;
	s26 =	sadd.s32 $0x12000, s19;
	[dreg:$0xe] =	wrdreg s25  }
0x14: {  	s2 =	simm.s32 $0x3;
	s0 =	sadd.s32 s3, s0;
	[dreg:$0xf] =	wrdreg s26  }
0x15: {  	s20 =	simm.s32 $0x2800;
	s21 =	simm.s32 $0x9;
	s23 =	simm.s32 $0x40  }
0x16: {  	s24 =	simm.s32 $0x80;
	s25 =	simm.s32 $0x4800;
	s26 =	simm.s32 $0x100  }
0x17: {  	s15 =	simm.s32 $0x2680;
	s16 =	simm.s32 $0x2700;
	s0 =	sadd.s32 $0x7A800, s0  }
0x18: {  	v0 =	vimm.f32 $0.0e+00;
	s17 =	simm.s32 $0x2780;
	[dreg:$0x5] =	wrdreg s0;
	s0 =	simm.s32 $0x2  }
.LBB2_1:
0x19: {  	[dreg:$0x3] =	wrdreg s18;
	s3 =	simm.s32 $0x0;
	s7 =	simm.s32 $0x200  }
.LBB2_2:
0x1a: {  	p0 =	sne.s32 s7, $0x7E00;
	[tilespmem:s3+$0x2870] =	vst v0  }
0x1b: {  	[tilespmem:s3+$0x2800] =	vst v0  }
0x1c: {  	[tilespmem:s3+$0x2810] =	vst v0  }
.Ltmp0:
0x1d: {  	[tilespmem:s3+$0x2820] =	vst v0;
	(pc) =	sbr.rel @p0 .LBB2_2-.Ltmp0, $4  }
0x1e: {  	[tilespmem:s3+$0x2830] =	vst v0  }
0x1f: {  	[tilespmem:s3+$0x2840] =	vst v0  }
0x20: {  	[tilespmem:s3+$0x2850] =	vst v0  }
0x21: {  	[tilespmem:s3+$0x2860] =	vst v0;
	s3 =	sshra.s32 s7, $0x2;
	s7 =	sadd.s32 $0x200, s7  }
0x22: {  	[tilespmem:s3+$0x2870] =	vst v0  }
0x23: {  	[tilespmem:s3+$0x2800] =	vst v0  }
0x24: {  	[tilespmem:s3+$0x2810] =	vst v0  }
0x25: {  	[tilespmem:s3+$0x2820] =	vst v0  }
0x26: {  	[tilespmem:s3+$0x2830] =	vst v0  }
0x27: {  	[tilespmem:s3+$0x2840] =	vst v0  }
0x28: {  	[tilespmem:s3+$0x2850] =	vst v0  }
0x29: {  	[tilespmem:s3+$0x2860] =	vst v0  }
0x2a: {  	[spmem:s19] =	stream.linear.scatter [tilespmem:s20], [sflag:$0x9], $0x2000, $0x38;
	[tilespmem:$0x1E800] =	vst v63  }
0x2b: {  	_ =	swait.ge [sflag:s21], $0x2000  }
0x2c: {  	[sflag:s21] =	ssyncset.done $0x0  }
0x2d: {  	s22 =	rddreg [dreg:$0x7];
	[sflag:s21] =	ssyncadd.s32 $0xFFFFE000  }
0x2e: {  	[spmem:s22] =	stream.linear.scatter [tilespmem:s20], [sflag:$0x9], $0x2000, $0x38;
	[tilespmem:$0x1E800] =	vst v63  }
0x2f: {  	_ =	swait.ge [sflag:s21], $0x2000  }
0x30: {  	[sflag:s21] =	ssyncset.done $0x0  }
0x31: {  	s7 =	rddreg [dreg:$0x8];
	[sflag:s21] =	ssyncadd.s32 $0xFFFFE000  }
0x32: {  	[spmem:s7] =	stream.linear.scatter [tilespmem:s20], [sflag:$0x9], $0x2000, $0x38;
	[tilespmem:$0x1E800] =	vst v63  }
0x33: {  	_ =	swait.ge [sflag:s21], $0x2000  }
0x34: {  	[sflag:s21] =	ssyncset.done $0x0  }
0x35: {  	s18 =	rddreg [dreg:$0x9];
	[sflag:s21] =	ssyncadd.s32 $0xFFFFE000  }
0x36: {  	[spmem:s18] =	stream.linear.scatter [tilespmem:s20], [sflag:$0x9], $0x2000, $0x38;
	[tilespmem:$0x1E800] =	vst v63  }
0x37: {  	_ =	swait.ge [sflag:s21], $0x2000  }
0x38: {  	[sflag:s21] =	ssyncset.done $0x0  }
0x39: {  	s19 =	rddreg [dreg:$0xa];
	[sflag:s21] =	ssyncadd.s32 $0xFFFFE000  }
0x3a: {  	[spmem:s19] =	stream.linear.scatter [tilespmem:s20], [sflag:$0x9], $0x2000, $0x38;
	[tilespmem:$0x1E800] =	vst v63  }
0x3b: {  	_ =	swait.ge [sflag:s21], $0x2000  }
0x3c: {  	[sflag:s21] =	ssyncset.done $0x0  }
0x3d: {  	s22 =	rddreg [dreg:$0xb];
	[sflag:s21] =	ssyncadd.s32 $0xFFFFE000  }
0x3e: {  	[spmem:s22] =	stream.linear.scatter [tilespmem:s20], [sflag:$0x9], $0x2000, $0x38;
	[tilespmem:$0x1E800] =	vst v63  }
0x3f: {  	_ =	swait.ge [sflag:s21], $0x2000  }
0x40: {  	[sflag:s21] =	ssyncset.done $0x0  }
0x41: {  	s7 =	rddreg [dreg:$0xc];
	[sflag:s21] =	ssyncadd.s32 $0xFFFFE000  }
0x42: {  	[spmem:s7] =	stream.linear.scatter [tilespmem:s20], [sflag:$0x9], $0x2000, $0x38;
	[tilespmem:$0x1E800] =	vst v63  }
0x43: {  	_ =	swait.ge [sflag:s21], $0x2000  }
0x44: {  	[sflag:s21] =	ssyncset.done $0x0  }
0x45: {  	s18 =	rddreg [dreg:$0xd];
	[sflag:s21] =	ssyncadd.s32 $0xFFFFE000  }
0x46: {  	[spmem:s18] =	stream.linear.scatter [tilespmem:s20], [sflag:$0x9], $0x2000, $0x38;
	[tilespmem:$0x1E800] =	vst v63  }
0x47: {  	_ =	swait.ge [sflag:s21], $0x2000  }
0x48: {  	[sflag:s21] =	ssyncset.done $0x0  }
0x49: {  	s19 =	rddreg [dreg:$0xe];
	[sflag:s21] =	ssyncadd.s32 $0xFFFFE000  }
0x4a: {  	[spmem:s19] =	stream.linear.scatter [tilespmem:s20], [sflag:$0x9], $0x2000, $0x38;
	[tilespmem:$0x1E800] =	vst v63  }
0x4b: {  	_ =	swait.ge [sflag:s21], $0x2000  }
0x4c: {  	[sflag:s21] =	ssyncset.done $0x0  }
0x4d: {  	s22 =	rddreg [dreg:$0xf];
	[sflag:s21] =	ssyncadd.s32 $0xFFFFE000  }
0x4e: {  	[spmem:s22] =	stream.linear.scatter [tilespmem:s20], [sflag:$0x9], $0x2000, $0x38;
	[tilespmem:$0x1E800] =	vst v63  }
0x4f: {  	_ =	swait.ge [sflag:s21], $0x2000  }
0x50: {  	[sflag:s21] =	ssyncset.done $0x0  }
0x51: {  	[sflag:s21] =	ssyncadd.s32 $0xFFFFE000  }
0x52: {  	s18 =	simm.s32 $0x0;
	s19 =	simm.s32 $0x0;
	[bflag:$0x0] =	sbarrier.arrive $0xFFFF  }
.LBB2_4:
0x53: {  	s3 =	smul.u32 $0x28, s19;
	_ =	sdelay $0x1  }
0x54: {  	s3 =	sadd.s32 s3, s8  }
0x55: {  	s3 =	sshll.u32 s3, $0x4  }
0x56: {  	s7 =	sadd.s32 s5, s3  }
0x57: {  	[tilespmem:s18], [sflag:$0x9] =	stream.linear.gather [hbm4b:s7+s18], $0x1400, $0x38;
	[tilespmem:$0x1E800] =	vst v63  }
0x58: {  	_ =	swait.ge [sflag:s21], $0x1400  }
0x59: {  	[sflag:s21] =	ssyncset.done $0x0  }
0x5a: {  	s22 =	simm.s32 $0x1400;
	s3 =	sadd.s32 s6, s3;
	[sflag:s21] =	ssyncadd.s32 $0xFFFFEC00  }
0x5b: {  	[tilespmem:s22], [sflag:$0x9] =	stream.linear.gather [hbm4b:s3+s18], $0x1400, $0x38;
	[tilespmem:$0x1E800] =	vst v63  }
0x5c: {  	_ =	swait.ge [sflag:s21], $0x1400  }
0x5d: {  	[sflag:s21] =	ssyncset.done $0x0  }
0x5e: {  	[sflag:s21] =	ssyncadd.s32 $0xFFFFEC00  }
0x5f: {  	[tilespmem:s20], [sflag:$0x1] =	stream.indirect.gather [hbm4b:s4+s23], $0x80, s18, s23, $0xb8;
	[tilespmem:$0x1E800] =	vst v63  }
0x60: {  	_ = 	snop  }
0x61: {  	[tilespmem:s25], [sflag:$0x2] =	stream.indirect.gather [hbm4b:s4+s23], $0x80, s24, s23, $0xb8;
	[tilespmem:$0x1E800] =	vst v63  }
0x62: {  	_ = 	snop  }
0x63: {  	[tilespmem:s28], [sflag:$0x3] =	stream.indirect.gather [hbm4b:s4+s23], $0x80, s26, s23, $0xb8;
	[tilespmem:$0x1E800] =	vst v63  }
0x64: {  	_ = 	snop  }
0x65: {  	[tilespmem:s30], [sflag:$0x4] =	stream.indirect.gather [hbm4b:s4+s23], $0x80, s29, s23, $0xb8;
	[tilespmem:$0x1E800] =	vst v63  }
0x66: {  	_ =	swait.ge [sflag:s31], $0x2000  }
0x67: {  	[sflag:s31] =	ssyncset.done $0x0  }
0x68: {  	s22 =	simm.s32 $0x1400;
	[sflag:s31] =	ssyncadd.s32 $0xFFFFE000  }
0x69: {  	[spmem:s1] =	stream.indirect.scatter.add.f32 [tilespmem:s20], [sflag:$0x5], $0x80, s22, s23, $0xb8;
	[tilespmem:$0x1E800] =	vst v63  }
0x6a: {  	_ =	swait.ge [sflag:s0], $0x2000  }
0x6b: {  	[sflag:s0] =	ssyncset.done $0x0  }
0x6c: {  	s7 =	simm.s32 $0x1480;
	[sflag:s0] =	ssyncadd.s32 $0xFFFFE000  }
0x6d: {  	[spmem:s1] =	stream.indirect.scatter.add.f32 [tilespmem:s25], [sflag:$0x6], $0x80, s7, s23, $0xb8;
	[tilespmem:$0x1E800] =	vst v63  }
0x6e: {  	_ =	swait.ge [sflag:s2], $0x2000  }
0x6f: {  	[sflag:s2] =	ssyncset.done $0x0  }
0x70: {  	s22 =	simm.s32 $0x1500;
	[sflag:s2] =	ssyncadd.s32 $0xFFFFE000  }
0x71: {  	[spmem:s1] =	stream.indirect.scatter.add.f32 [tilespmem:s28], [sflag:$0x7], $0x80, s22, s23, $0xb8;
	[tilespmem:$0x1E800] =	vst v63  }
0x72: {  	_ =	swait.ge [sflag:s9], $0x2000  }
0x73: {  	[sflag:s9] =	ssyncset.done $0x0  }
0x74: {  	s7 =	simm.s32 $0x1580;
	[sflag:s9] =	ssyncadd.s32 $0xFFFFE000  }
0x75: {  	[spmem:s1] =	stream.indirect.scatter.add.f32 [tilespmem:s30], [sflag:$0x8], $0x80, s7, s23, $0xb8;
	[tilespmem:$0x1E800] =	vst v63  }
0x76: {  	_ =	swait.ge [sflag:s10], $0x2000  }
0x77: {  	[sflag:s10] =	ssyncset.done $0x0  }
0x78: {  	s22 =	simm.s32 $0x200;
	[sflag:s10] =	ssyncadd.s32 $0xFFFFE000  }
0x79: {  	[tilespmem:s20], [sflag:$0x1] =	stream.indirect.gather [hbm4b:s4+s23], $0x80, s22, s23, $0xb8;
	[tilespmem:$0x1E800] =	vst v63  }
0x7a: {  	_ =	swait.ge [sflag:s11], $0x2000  }
0x7b: {  	[sflag:s11] =	ssyncset.done $0x0  }
0x7c: {  	s7 =	simm.s32 $0x280;
	[sflag:s11] =	ssyncadd.s32 $0xFFFFE000  }
0x7d: {  	[tilespmem:s25], [sflag:$0x2] =	stream.indirect.gather [hbm4b:s4+s23], $0x80, s7, s23, $0xb8;
	[tilespmem:$0x1E800] =	vst v63  }
0x7e: {  	_ =	swait.ge [sflag:s12], $0x2000  }
0x7f: {  	[sflag:s12] =	ssyncset.done $0x0  }
0x80: {  	s22 =	simm.s32 $0x300;
	[sflag:s12] =	ssyncadd.s32 $0xFFFFE000  }
0x81: {  	[tilespmem:s28], [sflag:$0x3] =	stream.indirect.gather [hbm4b:s4+s23], $0x80, s22, s23, $0xb8;
	[tilespmem:$0x1E800] =	vst v63  }
0x82: {  	_ =	swait.ge [sflag:s13], $0x2000  }
0x83: {  	[sflag:s13] =	ssyncset.done $0x0  }
0x84: {  	s3 =	simm.s32 $0x380;
	s7 =	simm.s32 $0x800;
	[sflag:s13] =	ssyncadd.s32 $0xFFFFE000  }
.LBB2_5:
0x85: {  	[tilespmem:s30], [sflag:$0x4] =	stream.indirect.gather [hbm4b:s4+s23], $0x80, s3, s23, $0xb8;
	[tilespmem:$0x1E800] =	vst v63  }
0x86: {  	s3 =	smov.u32 s7  }
0x87: {  	p0 =	sne.s32 s7, $0x4000;
	s7 =	sadd.s32 $0x800, s7;
	_ =	swait.ge [sflag:s31], $0x2000  }
0x88: {  	s3 =	sshra.s32 s3, $0x2;
	[sflag:s31] =	ssyncset.done $0x0  }
0x89: {  	s22 =	sadd.s32 $0x1400, s3;
	[sflag:s31] =	ssyncadd.s32 $0xFFFFE000  }
0x8a: {  	[spmem:s1] =	stream.indirect.scatter.add.f32 [tilespmem:s20], [sflag:$0x5], $0x80, s22, s23, $0xb8;
	[tilespmem:$0x1E800] =	vst v63  }
0x8b: {  	_ =	swait.ge [sflag:s0], $0x2000  }
0x8c: {  	[sflag:s0] =	ssyncset.done $0x0  }
0x8d: {  	s22 =	sadd.s32 $0x1480, s3;
	[sflag:s0] =	ssyncadd.s32 $0xFFFFE000  }
0x8e: {  	[spmem:s1] =	stream.indirect.scatter.add.f32 [tilespmem:s25], [sflag:$0x6], $0x80, s22, s23, $0xb8;
	[tilespmem:$0x1E800] =	vst v63  }
0x8f: {  	_ =	swait.ge [sflag:s2], $0x2000  }
0x90: {  	[sflag:s2] =	ssyncset.done $0x0  }
0x91: {  	s22 =	sadd.s32 $0x1500, s3;
	[sflag:s2] =	ssyncadd.s32 $0xFFFFE000  }
0x92: {  	[spmem:s1] =	stream.indirect.scatter.add.f32 [tilespmem:s28], [sflag:$0x7], $0x80, s22, s23, $0xb8;
	[tilespmem:$0x1E800] =	vst v63  }
0x93: {  	_ =	swait.ge [sflag:s9], $0x2000  }
0x94: {  	[sflag:s9] =	ssyncset.done $0x0  }
0x95: {  	s22 =	sadd.s32 $0x1580, s3;
	[sflag:s9] =	ssyncadd.s32 $0xFFFFE000  }
0x96: {  	[spmem:s1] =	stream.indirect.scatter.add.f32 [tilespmem:s30], [sflag:$0x8], $0x80, s22, s23, $0xb8;
	[tilespmem:$0x1E800] =	vst v63  }
0x97: {  	_ =	swait.ge [sflag:s10], $0x2000  }
0x98: {  	[sflag:s10] =	ssyncset.done $0x0  }
0x99: {  	s22 =	sadd.s32 $0x200, s3;
	[sflag:s10] =	ssyncadd.s32 $0xFFFFE000  }
0x9a: {  	[tilespmem:s20], [sflag:$0x1] =	stream.indirect.gather [hbm4b:s4+s23], $0x80, s22, s23, $0xb8;
	[tilespmem:$0x1E800] =	vst v63  }
0x9b: {  	_ =	swait.ge [sflag:s11], $0x2000  }
0x9c: {  	[sflag:s11] =	ssyncset.done $0x0  }
0x9d: {  	s22 =	sadd.s32 $0x280, s3;
	[sflag:s11] =	ssyncadd.s32 $0xFFFFE000  }
0x9e: {  	[tilespmem:s25], [sflag:$0x2] =	stream.indirect.gather [hbm4b:s4+s23], $0x80, s22, s23, $0xb8;
	[tilespmem:$0x1E800] =	vst v63  }
0x9f: {  	_ =	swait.ge [sflag:s12], $0x2000  }
0xa0: {  	[sflag:s12] =	ssyncset.done $0x0  }
.Ltmp1:
0xa1: {  	s22 =	sadd.s32 $0x300, s3;
	[sflag:s12] =	ssyncadd.s32 $0xFFFFE000;
	(pc) =	sbr.rel @p0 .LBB2_5-.Ltmp1, $4  }
0xa2: {  	[tilespmem:s28], [sflag:$0x3] =	stream.indirect.gather [hbm4b:s4+s23], $0x80, s22, s23, $0xb8;
	[tilespmem:$0x1E800] =	vst v63  }
0xa3: {  	_ =	swait.ge [sflag:s13], $0x2000  }
0xa4: {  	[sflag:s13] =	ssyncset.done $0x0  }
0xa5: {  	s3 =	sadd.s32 $0x380, s3;
	[sflag:s13] =	ssyncadd.s32 $0xFFFFE000  }
0xa6: {  	[tilespmem:s30], [sflag:$0x4] =	stream.indirect.gather [hbm4b:s4+s23], $0x80, s3, s23, $0xb8;
	[tilespmem:$0x1E800] =	vst v63  }
0xa7: {  	_ =	swait.ge [sflag:s31], $0x2000  }
0xa8: {  	[sflag:s31] =	ssyncset.done $0x0  }
0xa9: {  	[sflag:s31] =	ssyncadd.s32 $0xFFFFE000  }
0xaa: {  	[spmem:s1] =	stream.indirect.scatter.add.f32 [tilespmem:s20], [sflag:$0x5], $0x80, s14, s23, $0xb8;
	[tilespmem:$0x1E800] =	vst v63  }
0xab: {  	_ =	swait.ge [sflag:s0], $0x2000  }
0xac: {  	[sflag:s0] =	ssyncset.done $0x0  }
0xad: {  	[sflag:s0] =	ssyncadd.s32 $0xFFFFE000  }
0xae: {  	[spmem:s1] =	stream.indirect.scatter.add.f32 [tilespmem:s25], [sflag:$0x6], $0x80, s15, s23, $0xb8;
	[tilespmem:$0x1E800] =	vst v63  }
0xaf: {  	_ =	swait.ge [sflag:s2], $0x2000  }
0xb0: {  	[sflag:s2] =	ssyncset.done $0x0  }
0xb1: {  	[sflag:s2] =	ssyncadd.s32 $0xFFFFE000  }
0xb2: {  	[spmem:s1] =	stream.indirect.scatter.add.f32 [tilespmem:s28], [sflag:$0x7], $0x80, s16, s23, $0xb8;
	[tilespmem:$0x1E800] =	vst v63  }
0xb3: {  	_ =	swait.ge [sflag:s9], $0x2000  }
0xb4: {  	[sflag:s9] =	ssyncset.done $0x0  }
0xb5: {  	[sflag:s9] =	ssyncadd.s32 $0xFFFFE000  }
0xb6: {  	[spmem:s1] =	stream.indirect.scatter.add.f32 [tilespmem:s30], [sflag:$0x8], $0x80, s17, s23, $0xb8;
	[tilespmem:$0x1E800] =	vst v63  }
0xb7: {  	_ =	swait.ge [sflag:s10], $0x2000  }
0xb8: {  	[sflag:s10] =	ssyncset.done $0x0  }
0xb9: {  	[sflag:s10] =	ssyncadd.s32 $0xFFFFE000  }
0xba: {  	_ =	swait.ge [sflag:s11], $0x2000  }
0xbb: {  	[sflag:s11] =	ssyncset.done $0x0  }
0xbc: {  	s19 =	sadd.s32 $0x1, s19;
	[sflag:s11] =	ssyncadd.s32 $0xFFFFE000  }
0xbd: {  	p0 =	sne.s32 s19, $0x4;
	_ =	swait.ge [sflag:s12], $0x2000  }
.Ltmp2:
0xbe: {  	[sflag:s12] =	ssyncset.done $0x0;
	(pc) =	sbr.rel @p0 .LBB2_4-.Ltmp2, $4  }
0xbf: {  	[sflag:s12] =	ssyncadd.s32 $0xFFFFE000  }
0xc0: {  	_ =	swait.ge [sflag:s13], $0x2000  }
0xc1: {  	[sflag:s13] =	ssyncset.done $0x0  }
0xc2: {  	[sflag:s13] =	ssyncadd.s32 $0xFFFFE000  }
0xc3: {  	s3 =	stileid.u32;
	[bflag:$0x0] =	sbarrier.arrive $0xFFFF  }
0xc4: {  	s3 =	sshll.u32 s3, $0x6;
	s19 =	rddreg [dreg:$0x4]  }
0xc5: {  	s18 =	rddreg [dreg:$0x5];
	s3 =	sor.u32 $0x1C09, s3;
	s7 =	sshrl.u32 s19, $0x3  }
0xc6: {  	[hbm:s18], [sflag:s3] =	dma.local [spmem:s7], $0x2800  }
0xc7: {  	_ =	swait.ge [sflag:s21], $0x2800  }
0xc8: {  	s7 =	rddreg [dreg:$0x3]  }
0xc9: {  	s22 =	rddreg [dreg:$0x6];
	s18 =	sadd.s32 $0x1, s7  }
0xca: {  	p0 =	sne.s32 s18, s22  }
.Ltmp3:
0xcb: {  	_ = 	snop;
	(pc) =	sbr.rel @p0 .LBB2_1-.Ltmp3, $3  }
0xcc: {  	_ =	sdelay $0x1  }
0xcd: {  	[sflag:s21] =	ssyncset.done $0x0  }
0xce: {  	[sflag:s21] =	ssyncadd.s32 $0xFFFFD800  }
0xcf: {  	_ =	sfence.sel $0x180000  }
0xd0: {  	[bflag:$0x0] =	sbarrier.arrive $0xFFFF  }
0xd1: {  	_ =	strace $0x9000004D  }
0xd2: {  	s0 =	stileid.u32;
	[bflag:$0x2] =	sbarrier.arrive $0xFFFF  }
0xd3: {  	p0 =	sne.s32 s0, $0x0;
	s0 =	rddreg [dreg:$0x2]  }
0xd4: {  	s0 =	sadd.s32 @!p0 $0x100000, s0  }
0xd5: {  	[sflag:s0] =	ssyncadd.tile.s32 @!p0 $0x1;
	_ =	shalt  }
.Lfunc_end2:
_tile_overlayer_lowered:
.L_overlay_start_2:
0xd6: {  	(tag) =	ssettag $0x2  }
0xd7: {  	s0 =	rddreg [dreg:$0x0];
	s2 =	stileid.u32  }
0xd8: {  	s1 =	rddreg [dreg:$0x1];
	p0 =	sne.s32 s2, $0x0  }
0xd9: {  	s3 =	rddreg [dreg:$0x2];
	[bflag:$0x3] =	sbarrier.arrive $0xFFFF;
	s2 =	simm.s32 @!p0 $0x1C09  }
0xda: {  	[timem:s3], [sflag:s2] =	dma.local @!p0 [hbm:s0], s1  }
0xdb: {  	s0 =	simm.s32 @!p0 $0x9  }
0xdc: {  	_ =	swait.ge @!p0 [sflag:s0], s1  }
0xdd: {  	s1 =	ssub.s32 @!p0 $0x0, s1;
	[sflag:s0] =	ssyncset.done @!p0 $0x0  }
0xde: {  	[sflag:s0] =	ssyncadd.s32 @!p0 s1  }
0xdf: {  	[bflag:$0x3] =	sbarrier.arrive $0xFFFF  }
0xe0: {  	_ =	shalt  }

// kernel: kernel.9.cloned.1.call-start
scs
__scs_entry_jumppad:
0x0: {  	(pc) =	sbr.rel $0x88, $3  }
0x1: {  	(tag) =	ssettag $0x0;
	lr =	simm.s32 $0x1  }
0x2: {  	[smem:$0x3F9B] =	sst lr;
	_ =	strace $0xD0000000  }
0x3: {  	_ = 	snop  }
0x4: {  	_ = 	snop  }
0x5: {  	_ = 	snop  }
0x6: {  	_ = 	snop  }
0x7: {  	_ = 	snop  }
__scs_overlays_trampoline_lowered:
0x8: {  	[smem:$0x3FAA] =	sst s0  }
0x9: {  	[smem:$0x3FAB] =	sst s1  }
0xa: {  	[smem:$0x3FAC] =	sst s2  }
0xb: {  	[smem:$0x3FAD] =	sst s3  }
0xc: {  	[smem:$0x3FAE] =	sst s4  }
0xd: {  	[smem:$0x3FAF] =	sst s5  }
0xe: {  	[smem:$0x3FB0] =	sst s6  }
0xf: {  	[smem:$0x3FB1] =	sst s7  }
0x10: {  	[smem:$0x3FB2] =	sst s8  }
0x11: {  	[smem:$0x3FB3] =	sst s9;
	s0 =	simm.s32 @!p0 $0x0  }
0x12: {  	s1 =	sld [smem:$0x3F99];
	s0 =	simm.s32 @p0 $0x1  }
0x13: {  	[smem:$0x3FB4] =	sst s0;
	s0 =	simm.s32 @!p1 $0x0  }
0x14: {  	s2 =	sld [smem:$0x3F98];
	s0 =	simm.s32 @p1 $0x1  }
0x15: {  	[smem:$0x3FB5] =	sst s0;
	s0 =	simm.s32 @!p2 $0x0  }
0x16: {  	s3 =	sld [smem:$0x3FDB];
	s0 =	simm.s32 @p2 $0x1  }
0x17: {  	s4 =	simm.s32 $0x1BF5;
	[smem:$0x3FB7] =	sst s0  }
0x18: {  	s0 =	sld [smem:$0x3F9A];
	_ =	swait.ge [sflag:s4], $0x0  }
0x19: {  	s7 =	sld [smem:$0x3F9B]  }
0x1a: {  	s8 =	sadd.s32 $0xFFFFE003, lr  }
0x1b: {  	s9 =	sadd.s32 $0xFFFFFEF7, lr;
	s5 =	simm.s32 $0xFFFFFFFF;
	p2 =	slt.u32 s8, $0xFFFFF086  }
0x1c: {  	p1 =	slt.u32 s9, $0xF7A;
	s5 =	simm.s32 @!p2 $0x0  }
0x1d: {  	s5 =	simm.s32 @p1 $0x1;
	p0 =	seq.s32 s7, s2  }
0x1e: {  	s7 =	smul.u32 @!p0 $0xF7A, s2;
	p2 =	seq.s32 @!p0 s5, $0x0  }
0x1f: {  	s9 =	smul.u32 $0xF7A, s1;
	s8 =	simm.s32 @!p0 $0x1BF5;
	p2 =	por !p2, p0  }
0x20: {  	[sflag:s8] =	ssyncset.s32 @!p0 $0xFFFFF086;
	s6 =	sadd.s32 @!p0 s3, s7;
	s7 =	simm.s32 @!p0 $0x108  }
0x21: {  	s3 =	sadd.s32 s3, s9;
	s6 =	sadd.s32 @!p0 $0x88, s6;
	s7 =	simm.s32 @p2 $0x1082  }
0x22: {  	[simem:s7], [sflag:s8] =	dma.local @!p0 [hbm:s6], $0xF7A  }
0x23: {  	s9 =	sor.u32 $0xD0000000, s2;
	s6 =	simm.s32 $0x108;
	_ =	swait.ge @!p0 [sflag:s8], $0x0  }
0x24: {  	s3 =	sadd.s32 $0x88, s3;
	s6 =	simm.s32 @!p1 $0x1082;
	[sflag:s4] =	ssyncset.s32 $0xFFFFF086  }
0x25: {  	[simem:s6], [sflag:s4] =	dma.local [hbm:s3], $0xF7A  }
0x26: {  	[smem:$0x3F9B] =	sst s1;
	(tag) =	ssettag s2;
	_ =	strace s9  }
0x27: {  	s1 =	sld [smem:$0x3FAB]  }
0x28: {  	s2 =	sld [smem:$0x3FAC]  }
0x29: {  	s4 =	sld [smem:$0x3FAE]  }
0x2a: {  	p0 =	seq.s32 s5, $0x0;
	s5 =	sld [smem:$0x3FAF]  }
0x2b: {  	s6 =	sld [smem:$0x3FB0]  }
0x2c: {  	s7 =	sld [smem:$0x3FB1]  }
0x2d: {  	s3 =	simm.s32 $0x108;
	s8 =	sld [smem:$0x3FB2]  }
0x2e: {  	s3 =	simm.s32 @!p0 $0x1082;
	s9 =	sld [smem:$0x3FB3]  }
0x2f: {  	lr =	sadd.s32 s0, s3;
	s0 =	sld [smem:$0x3FAA]  }
0x30: {  	s3 =	sld [smem:$0x3FAD]  }
0x31: {  	[smem:$0x3FB6] =	sst s10  }
0x32: {  	s10 =	sld [smem:$0x3FB4];
	_ =	sdelay $0x3  }
0x33: {  	p0 =	seq.s32 s10, $0x1;
	s10 =	sld [smem:$0x3FB6];
	_ =	sdelay $0x3  }
0x34: {  	[smem:$0x3FB6] =	sst s10  }
0x35: {  	s10 =	sld [smem:$0x3FB5];
	_ =	sdelay $0x3  }
0x36: {  	p1 =	seq.s32 s10, $0x1;
	s10 =	sld [smem:$0x3FB6];
	_ =	sdelay $0x3  }
0x37: {  	[smem:$0x3FB6] =	sst s10  }
0x38: {  	s10 =	sld [smem:$0x3FB7]  }
0x39: {  	_ = 	snop;
	(pc) =	sbr.ind lr, $3  }
0x3a: {  	_ = 	snop  }
0x3b: {  	_ = 	snop  }
0x3c: {  	p2 =	seq.s32 s10, $0x1;
	s10 =	sld [smem:$0x3FB6]  }
0x3d: {  	_ =	shalt  }
0x3e: {  	_ =	shalt  }
0x3f: {  	_ =	shalt  }
0x40: {  	_ =	shalt  }
0x41: {  	_ =	shalt  }
0x42: {  	_ =	shalt  }
0x43: {  	_ =	shalt  }
0x44: {  	_ =	shalt  }
0x45: {  	_ =	shalt  }
0x46: {  	_ =	shalt  }
0x47: {  	_ =	shalt  }
0x48: {  	_ =	shalt  }
0x49: {  	_ =	shalt  }
0x4a: {  	_ =	shalt  }
0x4b: {  	_ =	shalt  }
0x4c: {  	_ =	shalt  }
0x4d: {  	_ =	shalt  }
0x4e: {  	_ =	shalt  }
0x4f: {  	_ =	shalt  }
0x50: {  	_ =	shalt  }
0x51: {  	_ =	shalt  }
0x52: {  	_ =	shalt  }
0x53: {  	_ =	shalt  }
0x54: {  	_ =	shalt  }
0x55: {  	_ =	shalt  }
0x56: {  	_ =	shalt  }
0x57: {  	_ =	shalt  }
0x58: {  	_ =	shalt  }
0x59: {  	_ =	shalt  }
0x5a: {  	_ =	shalt  }
0x5b: {  	_ =	shalt  }
0x5c: {  	_ =	shalt  }
0x5d: {  	_ =	shalt  }
0x5e: {  	_ =	shalt  }
0x5f: {  	_ =	shalt  }
0x60: {  	_ =	shalt  }
0x61: {  	_ =	shalt  }
0x62: {  	_ =	shalt  }
0x63: {  	_ =	shalt  }
0x64: {  	_ =	shalt  }
0x65: {  	_ =	shalt  }
0x66: {  	_ =	shalt  }
0x67: {  	_ =	shalt  }
0x68: {  	_ =	shalt  }
0x69: {  	_ =	shalt  }
0x6a: {  	_ =	shalt  }
0x6b: {  	_ =	shalt  }
0x6c: {  	_ =	shalt  }
0x6d: {  	_ =	shalt  }
0x6e: {  	_ =	shalt  }
0x6f: {  	_ =	shalt  }
0x70: {  	_ =	shalt  }
0x71: {  	_ =	shalt  }
0x72: {  	_ =	shalt  }
0x73: {  	_ =	shalt  }
0x74: {  	_ =	shalt  }
0x75: {  	_ =	shalt  }
0x76: {  	_ =	shalt  }
0x77: {  	_ =	shalt  }
0x78: {  	_ =	shalt  }
0x79: {  	_ =	shalt  }
0x7a: {  	_ =	shalt  }
0x7b: {  	_ =	shalt  }
0x7c: {  	_ =	shalt  }
0x7d: {  	_ =	shalt  }
0x7e: {  	_ =	shalt  }
0x7f: {  	_ =	shalt  }
0x80: {  	_ =	shalt  }
0x81: {  	_ =	shalt  }
0x82: {  	_ =	shalt  }
0x83: {  	_ =	shalt  }
0x84: {  	_ =	shalt  }
0x85: {  	_ =	shalt  }
0x86: {  	_ =	shalt  }
0x87: {  	_ =	shalt  }
.Lfunc_end0:
.L_simem_size_0:
called_computation_lowered:
.L_overlay_start_0:
0x88: {  	s2 =	sld [smem:$0x3FD9]  }
0x89: {  	s3 =	sld [smem:$0x3FFE];
	_ =	sdelay $0x1  }
0x8a: {  	s1 =	srdreg.scid  }
0x8b: {  	s0 =	sand.u32 $0x1, s1  }
0x8c: {  	s17 =	sshll.u32 s0, $0xA;
	s2 =	sadd.s32 s3, s2  }
0x8d: {  	s2 =	sadd.s32 s2, s17  }
0x8e: {  	[smem:$0x3FC2] =	sst s2  }
0x8f: {  	_ = 	snop  }
0x90: {  	s2 =	sld [smem:$0x3FD0];
	(tm) =	ssettm $0x1  }
0x91: {  	s18 =	sld [smem:$0x3FFB];
	_ =	sdelay $0x3  }
0x92: {  	_ =	strace s18  }
0x93: {  	s3 =	sld [smem:$0x3FFC];
	_ =	sdelay $0x3  }
0x94: {  	_ =	strace s3  }
0x95: {  	s3 =	sld [smem:$0x3FFD];
	_ =	sdelay $0x3  }
0x96: {  	_ =	strace s3  }
0x97: {  	_ =	strace $0x8FFFFFFF  }
0x98: {  	s19 =	sld [smem:$0x3FDB];
	_ =	sdelay $0x1  }
0x99: {  	s4 =	simm.s32 $_scs_section_size  }
0x9a: {  	s5 =	simm.s32 $_size__tile_overlayer_lowered;
	s6 =	simm.s32 $_tile_overlayer_lowered  }
0x9b: {  	s22 =	simm.s32 $0x1BFF;
	s21 =	sshll.u32 s6, $0x1;
	s3 =	sadd.s32 s4, s19  }
0x9c: {  	s7 =	simm.s32 $0x0;
	s20 =	sshll.u32 s5, $0x1;
	s5 =	sadd.s32 s21, s3  }
0x9d: {  	[timem:s7], [sflag:s22] =	dma.local [hbm:s5], s20  }
0x9e: {  	_ =	swait.ge [sflag:s22], s20  }
0x9f: {  	s4 =	ssub.s32 $0x0, s20;
	[sflag:s22] =	ssyncset.done $0x0  }
0xa0: {  	[sflag:s22] =	ssyncadd.s32 s4;
	_ =	sdelay $0x1  }
0xa1: {  	s23 =	simm.s32 $0x1B8B  }
0xa2: {  	_ =	swait.ge [sflag:s23], $0x1  }
0xa3: {  	[sflag:s23] =	ssyncset.done $0x0  }
0xa4: {  	s25 =	simm.s32 $0x1B8E;
	s24 =	sld [smem:$0x3FFE];
	[sflag:s23] =	ssyncadd.s32 $0xFFFFFFFF  }
0xa5: {  	s26 =	simm.s32 $execute0_lowered;
	[smem:$0x3FD2] =	sst s25  }
0xa6: {  	s5 =	sshll.u32 s26, $0x1;
	_ =	strace $0x80000046;
	[dreg:$0x1] =	wrdreg $0xFFFFFFFF  }
0xa7: {  	s28 =	simm.s32 $_size_execute0_lowered;
	s3 =	sadd.s32 s3, s5;
	[dreg:$0x0] =	wrdreg $0x0  }
0xa8: {  	s5 =	sshll.u32 s28, $0x1;
	[dreg:$0x2] =	wrdreg s3  }
0xa9: {  	[dreg:$0x3] =	wrdreg s5  }
0xaa: {  	[dreg:$0x4] =	wrdreg $0xC0  }
0xab: {  	_ =	task [dreg:s7], $0x5FFFF  }
0xac: {  	[dreg:$0x1] =	wrdreg $0xFFFFFFFF  }
0xad: {  	[dreg:$0x0] =	wrdreg $0x60  }
0xae: {  	[dreg:$0x2] =	wrdreg s2  }
0xaf: {  	[dreg:$0x3] =	wrdreg s24  }
0xb0: {  	[dreg:$0x4] =	wrdreg $0x54000  }
0xb1: {  	[dreg:$0x5] =	wrdreg $0x9  }
0xb2: {  	_ =	task.clear_ibuf [dreg:s7], $0x6FFFF;
	_ =	strace $0x90000046  }
0xb3: {  	s29 =	simm.s32 $0x9;
	_ =	strace $0x80000048  }
0xb4: {  	_ =	swait.ge [sflag:s29], $0x1  }
0xb5: {  	[sflag:s29] =	ssyncadd.s32 $0xFFFFFFFF  }
0xb6: {  	_ =	strace $0x90000048  }
0xb7: {  	_ =	sfence  }
0xb8: {  	s30 =	sld [smem:$0x0];
	_ =	sdelay $0x2  }
0xb9: {  	s31 =	sshll.u32 s1, $0xD;
	s1 =	sshrl.u32 s1, $0x2  }
0xba: {  	s3 =	sand.u32 $0x4000, s31;
	s1 =	sadd.s32 s1, s30  }
0xbb: {  	s0 =	sor.u32 s3, s0;
	s1 =	sshll.u32 s1, $0x11  }
0xbc: {  	s0 =	sor.u32 s1, s0  }
0xbd: {  	s0 =	sadd.s32 $0x8F2B, s0  }
0xbe: {  	[sflag:s0] =	ssyncadd.remote.s32 $0x1  }
0xbf: {  	_ =	sfence.sel $0xFFFF  }
0xc0: {  	[dreg:$0x0] =	wrdreg $0xFFFFFFFF;
	(pc) =	sbr.abs _section_cstart, $3  }
0xc1: {  	[dreg:$0x1] =	wrdreg $0xFFFFFFFF  }
0xc2: {  	_ =	task.clear_ibuf [dreg:s7], $0x2FFFF;
	_ =	strace $0x9FFFFFFF  }
0xc3: {  	(tm) =	ssettm $0x7FFFFFFF  }
tec
execute0_lowered:
.L_overlay_start_1:
0x0: {  	(tag) =	ssettag $0x1  }
0x1: {  	s0 =	rddreg [dreg:$0x1];
	s1 =	srdreg.scid  }
0x2: {  	s3 =	rddreg [dreg:$0x2];
	s7 =	stileid.u32;
	s4 =	simm.s32 $0x0  }
0x3: {  	s13 =	simm.s32 $0x1400;
	s14 =	simm.s32 $0x5;
	s15 =	simm.s32 $0x80  }
0x4: {  	s18 =	simm.s32 $0x1;
	s16 =	simm.s32 $0xB80;
	s17 =	simm.s32 $0xC00  }
0x5: {  	s28 =	simm.s32 $0xF80;
	s29 =	simm.s32 $0x1000;
	s30 =	simm.s32 $0x1080  }
0x6: {  	s31 =	simm.s32 $0x1100;
	s8 =	simm.s32 $0x1300;
	s5 =	smul.u32 $0x14000, s7  }
0x7: {  	s9 =	simm.s32 $0x1380;
	s1 =	sand.u32 $0x1, s1;
	s6 =	smul.u32 $0x50000, s7  }
0x8: {  	[smem:$0x7FF] =	sst s4;
	s2 =	smul.u32 $0x140000, s1;
	s19 =	ssub.s32 $0x2, s1  }
0x9: {  	_ =	strace $0x80000047;
	s1 =	sshll.u32 s1, $0x4;
	s20 =	sshrl.u32 s19, $0x1  }
0xa: {  	s1 =	sor.u32 s7, s1;
	s21 =	sshrl.u32 s6, $0x2;
	s7 =	simm.s32 $0x1280  }
0xb: {  	s2 =	sadd.s32 s5, s2;
	s5 =	sadd.s32 s21, s3;
	s6 =	smul.u32 $0x50, s1  }
0xc: {  	s21 =	simm.s32 $0xD80;
	s23 =	sadd.s32 $0x4000, s5;
	[dreg:$0x4] =	wrdreg s5  }
0xd: {  	s1 =	simm.s32 $0x1180;
	s24 =	sadd.s32 $0x8000, s5;
	[dreg:$0x7] =	wrdreg s23  }
0xe: {  	s2 =	sshrl.u32 s2, $0x3;
	s25 =	sadd.s32 $0xC000, s5;
	[dreg:$0x8] =	wrdreg s24  }
0xf: {  	s26 =	sadd.s32 $0x10000, s5;
	s0 =	sadd.s32 s2, s0;
	[dreg:$0x9] =	wrdreg s25  }
0x10: {  	s2 =	ssub.s32 s19, s20;
	[dreg:$0xa] =	wrdreg s26;
	s20 =	simm.s32 $0x2  }
0x11: {  	s24 =	simm.s32 $0x4;
	s19 =	simm.s32 $0xC80;
	s23 =	simm.s32 $0xE00  }
0x12: {  	s25 =	simm.s32 $0xE80;
	s26 =	simm.s32 $0xF00;
	s0 =	sadd.s32 $0x2800, s0  }
0x13: {  	s22 =	smax.u32 s2, $0x1;
	s2 =	simm.s32 $0x1200;
	[dreg:$0x5] =	wrdreg s0  }
0x14: {  	v0 =	vimm.f32 $0.0e+00;
	v1 =	vimm.f32 $1.000000000e+00;
	[dreg:$0x6] =	wrdreg s22;
	s22 =	simm.s32 $0x3;
	s0 =	simm.s32 $0x0  }
.LBB2_1:
0x15: {  	s11 =	simm.s32 $0x0;
	s12 =	simm.s32 $0x200  }
.LBB2_2:
0x16: {  	p0 =	sne.s32 s12, $0xFE00;
	[tilespmem:s11+$0x1470] =	vst v0  }
0x17: {  	[tilespmem:s11+$0x1400] =	vst v0  }
0x18: {  	[tilespmem:s11+$0x1410] =	vst v0  }
.Ltmp0:
0x19: {  	[tilespmem:s11+$0x1420] =	vst v0;
	(pc) =	sbr.rel @p0 .LBB2_2-.Ltmp0, $4  }
0x1a: {  	[tilespmem:s11+$0x1430] =	vst v0  }
0x1b: {  	[tilespmem:s11+$0x1440] =	vst v0  }
0x1c: {  	[tilespmem:s11+$0x1450] =	vst v0  }
0x1d: {  	[tilespmem:s11+$0x1460] =	vst v0;
	s11 =	sshra.s32 s12, $0x2;
	s12 =	sadd.s32 $0x200, s12  }
0x1e: {  	[tilespmem:s11+$0x1470] =	vst v0  }
0x1f: {  	[tilespmem:s11+$0x1400] =	vst v0  }
0x20: {  	[tilespmem:s11+$0x1410] =	vst v0  }
0x21: {  	[tilespmem:s11+$0x1420] =	vst v0  }
0x22: {  	[tilespmem:s11+$0x1430] =	vst v0  }
0x23: {  	[tilespmem:s11+$0x1440] =	vst v0  }
0x24: {  	[dreg:$0xb] =	wrdreg s0;
	[tilespmem:s11+$0x1450] =	vst v0  }
0x25: {  	[tilespmem:s11+$0x1460] =	vst v0;
	s5 =	rddreg [dreg:$0x4]  }
0x26: {  	[spmem:s5] =	stream.linear.scatter [tilespmem:s13], [sflag:$0x5], $0x4000, $0x38;
	[tilespmem:$0x19400] =	vst v63  }
0x27: {  	_ =	swait.ge [sflag:s14], $0x4000  }
0x28: {  	[sflag:s14] =	ssyncset.done $0x0  }
0x29: {  	s5 =	rddreg [dreg:$0x7];
	[sflag:s14] =	ssyncadd.s32 $0xFFFFC000  }
0x2a: {  	[spmem:s5] =	stream.linear.scatter [tilespmem:s13], [sflag:$0x5], $0x4000, $0x38;
	[tilespmem:$0x19400] =	vst v63  }
0x2b: {  	_ =	swait.ge [sflag:s14], $0x4000  }
0x2c: {  	[sflag:s14] =	ssyncset.done $0x0  }
0x2d: {  	s10 =	rddreg [dreg:$0x8];
	[sflag:s14] =	ssyncadd.s32 $0xFFFFC000  }
0x2e: {  	[spmem:s10] =	stream.linear.scatter [tilespmem:s13], [sflag:$0x5], $0x4000, $0x38;
	[tilespmem:$0x19400] =	vst v63  }
0x2f: {  	_ =	swait.ge [sflag:s14], $0x4000  }
0x30: {  	[sflag:s14] =	ssyncset.done $0x0  }
0x31: {  	s11 =	rddreg [dreg:$0x9];
	[sflag:s14] =	ssyncadd.s32 $0xFFFFC000  }
0x32: {  	[spmem:s11] =	stream.linear.scatter [tilespmem:s13], [sflag:$0x5], $0x4000, $0x38;
	[tilespmem:$0x19400] =	vst v63  }
0x33: {  	_ =	swait.ge [sflag:s14], $0x4000  }
0x34: {  	[sflag:s14] =	ssyncset.done $0x0  }
0x35: {  	s12 =	rddreg [dreg:$0xa];
	[sflag:s14] =	ssyncadd.s32 $0xFFFFC000  }
0x36: {  	[spmem:s12] =	stream.linear.scatter [tilespmem:s13], [sflag:$0x5], $0x4000, $0x38;
	[tilespmem:$0x19400] =	vst v63  }
0x37: {  	_ =	swait.ge [sflag:s14], $0x4000  }
0x38: {  	[sflag:s14] =	ssyncset.done $0x0  }
0x39: {  	s11 =	simm.s32 $0x0;
	s12 =	simm.s32 $0x200;
	[sflag:s14] =	ssyncadd.s32 $0xFFFFC000  }
.LBB2_4:
0x3a: {  	p0 =	sne.s32 s12, $0xFE00;
	[tilespmem:s11+$0x1470] =	vst v1  }
0x3b: {  	[tilespmem:s11+$0x1400] =	vst v1  }
0x3c: {  	[tilespmem:s11+$0x1410] =	vst v1  }
.Ltmp1:
0x3d: {  	[tilespmem:s11+$0x1420] =	vst v1;
	(pc) =	sbr.rel @p0 .LBB2_4-.Ltmp1, $4  }
0x3e: {  	[tilespmem:s11+$0x1430] =	vst v1  }
0x3f: {  	[tilespmem:s11+$0x1440] =	vst v1  }
0x40: {  	[tilespmem:s11+$0x1450] =	vst v1  }
0x41: {  	[tilespmem:s11+$0x1460] =	vst v1;
	s11 =	sshra.s32 s12, $0x2;
	s12 =	sadd.s32 $0x200, s12  }
0x42: {  	[tilespmem:s11+$0x1470] =	vst v1  }
0x43: {  	[tilespmem:s11+$0x1400] =	vst v1  }
0x44: {  	[tilespmem:s11+$0x1410] =	vst v1  }
0x45: {  	[tilespmem:s11+$0x1420] =	vst v1  }
0x46: {  	[tilespmem:s11+$0x1430] =	vst v1  }
0x47: {  	[tilespmem:s11+$0x1440] =	vst v1  }
0x48: {  	[tilespmem:s11+$0x1450] =	vst v1  }
0x49: {  	[tilespmem:s11+$0x1460] =	vst v1;
	s11 =	simm.s32 $0x0;
	p0 =	por $0x1, $0x1;
	s5 =	simm.s32 $0xA80  }
0x4a: {  	s0 =	simm.s32 $0xB00;
	s12 =	simm.s32 $0xD00;
	[bflag:$0x0] =	sbarrier.arrive $0xFFFF  }
.LBB2_6:
0x4b: {  	s11 =	sadd.s32 s6, s11  }
0x4c: {  	s10 =	rddreg [dreg:$0x0];
	s11 =	sshll.u32 s11, $0x4  }
0x4d: {  	s11 =	sadd.s32 s10, s11  }
0x4e: {  	[tilespmem:s4], [sflag:$0x5] =	stream.linear.gather [hbm4b:s11+s4], $0x1400, $0x38;
	[tilespmem:$0x19400] =	vst v63  }
0x4f: {  	_ =	swait.ge [sflag:s14], $0x1400  }
0x50: {  	[sflag:s14] =	ssyncset.done $0x0  }
0x51: {  	[sflag:s14] =	ssyncadd.s32 $0xFFFFEC00  }
0x52: {  	[spmem:s3] =	stream.indirect.scatter.add.f32 [tilespmem:s13], [sflag:$0x1], $0x80, s4, s15, $0xb8;
	[tilespmem:$0x19400] =	vst v63  }
0x53: {  	_ = 	snop  }
0x54: {  	[spmem:s3] =	stream.indirect.scatter.add.f32 [tilespmem:s13], [sflag:$0x2], $0x80, s15, s15, $0xb8;
	[tilespmem:$0x19400] =	vst v63  }
0x55: {  	s11 =	simm.s32 $0x100  }
0x56: {  	[spmem:s3] =	stream.indirect.scatter.add.f32 [tilespmem:s13], [sflag:$0x3], $0x80, s11, s15, $0xb8;
	[tilespmem:$0x19400] =	vst v63  }
0x57: {  	s11 =	simm.s32 $0x180  }
0x58: {  	[spmem:s3] =	stream.indirect.scatter.add.f32 [tilespmem:s13], [sflag:$0x4], $0x80, s11, s15, $0xb8;
	[tilespmem:$0x19400] =	vst v63  }
0x59: {  	_ =	swait.ge [sflag:s18], $0x4000  }
0x5a: {  	[sflag:s18] =	ssyncset.done $0x0  }
0x5b: {  	s11 =	simm.s32 $0x200;
	[sflag:s18] =	ssyncadd.s32 $0xFFFFC000  }
0x5c: {  	[spmem:s3] =	stream.indirect.scatter.add.f32 [tilespmem:s13], [sflag:$0x1], $0x80, s11, s15, $0xb8;
	[tilespmem:$0x19400] =	vst v63  }
0x5d: {  	_ =	swait.ge [sflag:s20], $0x4000  }
0x5e: {  	[sflag:s20] =	ssyncset.done $0x0  }
0x5f: {  	s11 =	simm.s32 $0x280;
	[sflag:s20] =	ssyncadd.s32 $0xFFFFC000  }
0x60: {  	[spmem:s3] =	stream.indirect.scatter.add.f32 [tilespmem:s13], [sflag:$0x2], $0x80, s11, s15, $0xb8;
	[tilespmem:$0x19400] =	vst v63  }
0x61: {  	_ =	swait.ge [sflag:s22], $0x4000  }
0x62: {  	[sflag:s22] =	ssyncset.done $0x0  }
0x63: {  	s11 =	simm.s32 $0x300;
	[sflag:s22] =	ssyncadd.s32 $0xFFFFC000  }
0x64: {  	[spmem:s3] =	stream.indirect.scatter.add.f32 [tilespmem:s13], [sflag:$0x3], $0x80, s11, s15, $0xb8;
	[tilespmem:$0x19400] =	vst v63  }
0x65: {  	_ =	swait.ge [sflag:s24], $0x4000  }
0x66: {  	[sflag:s24] =	ssyncset.done $0x0  }
0x67: {  	s11 =	simm.s32 $0x380;
	[sflag:s24] =	ssyncadd.s32 $0xFFFFC000  }
0x68: {  	[spmem:s3] =	stream.indirect.scatter.add.f32 [tilespmem:s13], [sflag:$0x4], $0x80, s11, s15, $0xb8;
	[tilespmem:$0x19400] =	vst v63  }
0x69: {  	_ =	swait.ge [sflag:s18], $0x4000  }
0x6a: {  	[sflag:s18] =	ssyncset.done $0x0  }
0x6b: {  	s11 =	simm.s32 $0x400;
	[sflag:s18] =	ssyncadd.s32 $0xFFFFC000  }
0x6c: {  	[spmem:s3] =	stream.indirect.scatter.add.f32 [tilespmem:s13], [sflag:$0x1], $0x80, s11, s15, $0xb8;
	[tilespmem:$0x19400] =	vst v63  }
0x6d: {  	_ =	swait.ge [sflag:s20], $0x4000  }
0x6e: {  	[sflag:s20] =	ssyncset.done $0x0  }
0x6f: {  	s11 =	simm.s32 $0x480;
	[sflag:s20] =	ssyncadd.s32 $0xFFFFC000  }
0x70: {  	[spmem:s3] =	stream.indirect.scatter.add.f32 [tilespmem:s13], [sflag:$0x2], $0x80, s11, s15, $0xb8;
	[tilespmem:$0x19400] =	vst v63  }
0x71: {  	_ =	swait.ge [sflag:s22], $0x4000  }
0x72: {  	[sflag:s22] =	ssyncset.done $0x0  }
0x73: {  	s11 =	simm.s32 $0x500;
	[sflag:s22] =	ssyncadd.s32 $0xFFFFC000  }
0x74: {  	[spmem:s3] =	stream.indirect.scatter.add.f32 [tilespmem:s13], [sflag:$0x3], $0x80, s11, s15, $0xb8;
	[tilespmem:$0x19400] =	vst v63  }
0x75: {  	_ =	swait.ge [sflag:s24], $0x4000  }
0x76: {  	[sflag:s24] =	ssyncset.done $0x0  }
0x77: {  	s11 =	simm.s32 $0x580;
	[sflag:s24] =	ssyncadd.s32 $0xFFFFC000  }
0x78: {  	[spmem:s3] =	stream.indirect.scatter.add.f32 [tilespmem:s13], [sflag:$0x4], $0x80, s11, s15, $0xb8;
	[tilespmem:$0x19400] =	vst v63  }
0x79: {  	_ =	swait.ge [sflag:s18], $0x4000  }
0x7a: {  	[sflag:s18] =	ssyncset.done $0x0  }
0x7b: {  	s11 =	simm.s32 $0x600;
	[sflag:s18] =	ssyncadd.s32 $0xFFFFC000  }
0x7c: {  	[spmem:s3] =	stream.indirect.scatter.add.f32 [tilespmem:s13], [sflag:$0x1], $0x80, s11, s15, $0xb8;
	[tilespmem:$0x19400] =	vst v63  }
0x7d: {  	_ =	swait.ge [sflag:s20], $0x4000  }
0x7e: {  	[sflag:s20] =	ssyncset.done $0x0  }
0x7f: {  	s11 =	simm.s32 $0x680;
	[sflag:s20] =	ssyncadd.s32 $0xFFFFC000  }
0x80: {  	[spmem:s3] =	stream.indirect.scatter.add.f32 [tilespmem:s13], [sflag:$0x2], $0x80, s11, s15, $0xb8;
	[tilespmem:$0x19400] =	vst v63  }
0x81: {  	_ =	swait.ge [sflag:s22], $0x4000  }
0x82: {  	[sflag:s22] =	ssyncset.done $0x0  }
0x83: {  	s11 =	simm.s32 $0x700;
	[sflag:s22] =	ssyncadd.s32 $0xFFFFC000  }
0x84: {  	[spmem:s3] =	stream.indirect.scatter.add.f32 [tilespmem:s13], [sflag:$0x3], $0x80, s11, s15, $0xb8;
	[tilespmem:$0x19400] =	vst v63  }
0x85: {  	_ =	swait.ge [sflag:s24], $0x4000  }
0x86: {  	[sflag:s24] =	ssyncset.done $0x0  }
0x87: {  	s11 =	simm.s32 $0x780;
	[sflag:s24] =	ssyncadd.s32 $0xFFFFC000  }
0x88: {  	[spmem:s3] =	stream.indirect.scatter.add.f32 [tilespmem:s13], [sflag:$0x4], $0x80, s11, s15, $0xb8;
	[tilespmem:$0x19400] =	vst v63  }
0x89: {  	_ =	swait.ge [sflag:s18], $0x4000  }
0x8a: {  	[sflag:s18] =	ssyncset.done $0x0  }
0x8b: {  	s11 =	simm.s32 $0x800;
	[sflag:s18] =	ssyncadd.s32 $0xFFFFC000  }
0x8c: {  	[spmem:s3] =	stream.indirect.scatter.add.f32 [tilespmem:s13], [sflag:$0x1], $0x80, s11, s15, $0xb8;
	[tilespmem:$0x19400] =	vst v63  }
0x8d: {  	_ =	swait.ge [sflag:s20], $0x4000  }
0x8e: {  	[sflag:s20] =	ssyncset.done $0x0  }
0x8f: {  	s11 =	simm.s32 $0x880;
	[sflag:s20] =	ssyncadd.s32 $0xFFFFC000  }
0x90: {  	[spmem:s3] =	stream.indirect.scatter.add.f32 [tilespmem:s13], [sflag:$0x2], $0x80, s11, s15, $0xb8;
	[tilespmem:$0x19400] =	vst v63  }
0x91: {  	_ =	swait.ge [sflag:s22], $0x4000  }
0x92: {  	[sflag:s22] =	ssyncset.done $0x0  }
0x93: {  	s11 =	simm.s32 $0x900;
	[sflag:s22] =	ssyncadd.s32 $0xFFFFC000  }
0x94: {  	[spmem:s3] =	stream.indirect.scatter.add.f32 [tilespmem:s13], [sflag:$0x3], $0x80, s11, s15, $0xb8;
	[tilespmem:$0x19400] =	vst v63  }
0x95: {  	_ =	swait.ge [sflag:s24], $0x4000  }
0x96: {  	[sflag:s24] =	ssyncset.done $0x0  }
0x97: {  	s11 =	simm.s32 $0x980;
	[sflag:s24] =	ssyncadd.s32 $0xFFFFC000  }
0x98: {  	[spmem:s3] =	stream.indirect.scatter.add.f32 [tilespmem:s13], [sflag:$0x4], $0x80, s11, s15, $0xb8;
	[tilespmem:$0x19400] =	vst v63  }
0x99: {  	_ =	swait.ge [sflag:s18], $0x4000  }
0x9a: {  	[sflag:s18] =	ssyncset.done $0x0  }
0x9b: {  	s11 =	simm.s32 $0xA00;
	[sflag:s18] =	ssyncadd.s32 $0xFFFFC000  }
0x9c: {  	[spmem:s3] =	stream.indirect.scatter.add.f32 [tilespmem:s13], [sflag:$0x1], $0x80, s11, s15, $0xb8;
	[tilespmem:$0x19400] =	vst v63  }
0x9d: {  	_ =	swait.ge [sflag:s20], $0x4000  }
0x9e: {  	[sflag:s20] =	ssyncset.done $0x0  }
0x9f: {  	[sflag:s20] =	ssyncadd.s32 $0xFFFFC000  }
0xa0: {  	[spmem:s3] =	stream.indirect.scatter.add.f32 [tilespmem:s13], [sflag:$0x2], $0x80, s5, s15, $0xb8;
	[tilespmem:$0x19400] =	vst v63  }
0xa1: {  	_ =	swait.ge [sflag:s22], $0x4000  }
0xa2: {  	[sflag:s22] =	ssyncset.done $0x0  }
0xa3: {  	[sflag:s22] =	ssyncadd.s32 $0xFFFFC000  }
0xa4: {  	[spmem:s3] =	stream.indirect.scatter.add.f32 [tilespmem:s13], [sflag:$0x3], $0x80, s0, s15, $0xb8;
	[tilespmem:$0x19400] =	vst v63  }
0xa5: {  	_ =	swait.ge [sflag:s24], $0x4000  }
0xa6: {  	[sflag:s24] =	ssyncset.done $0x0  }
0xa7: {  	[sflag:s24] =	ssyncadd.s32 $0xFFFFC000  }
0xa8: {  	[spmem:s3] =	stream.indirect.scatter.add.f32 [tilespmem:s13], [sflag:$0x4], $0x80, s16, s15, $0xb8;
	[tilespmem:$0x19400] =	vst v63  }
0xa9: {  	_ =	swait.ge [sflag:s18], $0x4000  }
0xaa: {  	[sflag:s18] =	ssyncset.done $0x0  }
0xab: {  	[sflag:s18] =	ssyncadd.s32 $0xFFFFC000  }
0xac: {  	[spmem:s3] =	stream.indirect.scatter.add.f32 [tilespmem:s13], [sflag:$0x1], $0x80, s17, s15, $0xb8;
	[tilespmem:$0x19400] =	vst v63  }
0xad: {  	_ =	swait.ge [sflag:s20], $0x4000  }
0xae: {  	[sflag:s20] =	ssyncset.done $0x0  }
0xaf: {  	[sflag:s20] =	ssyncadd.s32 $0xFFFFC000  }
0xb0: {  	[spmem:s3] =	stream.indirect.scatter.add.f32 [tilespmem:s13], [sflag:$0x2], $0x80, s19, s15, $0xb8;
	[tilespmem:$0x19400] =	vst v63  }
0xb1: {  	_ =	swait.ge [sflag:s22], $0x4000  }
0xb2: {  	[sflag:s22] =	ssyncset.done $0x0  }
0xb3: {  	[sflag:s22] =	ssyncadd.s32 $0xFFFFC000  }
0xb4: {  	[spmem:s3] =	stream.indirect.scatter.add.f32 [tilespmem:s13], [sflag:$0x3], $0x80, s12, s15, $0xb8;
	[tilespmem:$0x19400] =	vst v63  }
0xb5: {  	_ =	swait.ge [sflag:s24], $0x4000  }
0xb6: {  	[sflag:s24] =	ssyncset.done $0x0  }
0xb7: {  	[sflag:s24] =	ssyncadd.s32 $0xFFFFC000  }
0xb8: {  	[spmem:s3] =	stream.indirect.scatter.add.f32 [tilespmem:s13], [sflag:$0x4], $0x80, s21, s15, $0xb8;
	[tilespmem:$0x19400] =	vst v63  }
0xb9: {  	_ =	swait.ge [sflag:s18], $0x4000  }
0xba: {  	[sflag:s18] =	ssyncset.done $0x0  }
0xbb: {  	[sflag:s18] =	ssyncadd.s32 $0xFFFFC000  }
0xbc: {  	[spmem:s3] =	stream.indirect.scatter.add.f32 [tilespmem:s13], [sflag:$0x1], $0x80, s23, s15, $0xb8;
	[tilespmem:$0x19400] =	vst v63  }
0xbd: {  	_ =	swait.ge [sflag:s20], $0x4000  }
0xbe: {  	[sflag:s20] =	ssyncset.done $0x0  }
0xbf: {  	[sflag:s20] =	ssyncadd.s32 $0xFFFFC000  }
0xc0: {  	[spmem:s3] =	stream.indirect.scatter.add.f32 [tilespmem:s13], [sflag:$0x2], $0x80, s25, s15, $0xb8;
	[tilespmem:$0x19400] =	vst v63  }
0xc1: {  	_ =	swait.ge [sflag:s22], $0x4000  }
0xc2: {  	[sflag:s22] =	ssyncset.done $0x0  }
0xc3: {  	[sflag:s22] =	ssyncadd.s32 $0xFFFFC000  }
0xc4: {  	[spmem:s3] =	stream.indirect.scatter.add.f32 [tilespmem:s13], [sflag:$0x3], $0x80, s26, s15, $0xb8;
	[tilespmem:$0x19400] =	vst v63  }
0xc5: {  	_ =	swait.ge [sflag:s24], $0x4000  }
0xc6: {  	[sflag:s24] =	ssyncset.done $0x0  }
0xc7: {  	[sflag:s24] =	ssyncadd.s32 $0xFFFFC000  }
0xc8: {  	[spmem:s3] =	stream.indirect.scatter.add.f32 [tilespmem:s13], [sflag:$0x4], $0x80, s28, s15, $0xb8;
	[tilespmem:$0x19400] =	vst v63  }
0xc9: {  	_ =	swait.ge [sflag:s18], $0x4000  }
0xca: {  	[sflag:s18] =	ssyncset.done $0x0  }
0xcb: {  	[sflag:s18] =	ssyncadd.s32 $0xFFFFC000  }
0xcc: {  	[spmem:s3] =	stream.indirect.scatter.add.f32 [tilespmem:s13], [sflag:$0x1], $0x80, s29, s15, $0xb8;
	[tilespmem:$0x19400] =	vst v63  }
0xcd: {  	_ =	swait.ge [sflag:s20], $0x4000  }
0xce: {  	[sflag:s20] =	ssyncset.done $0x0  }
0xcf: {  	[sflag:s20] =	ssyncadd.s32 $0xFFFFC000  }
0xd0: {  	[spmem:s3] =	stream.indirect.scatter.add.f32 [tilespmem:s13], [sflag:$0x2], $0x80, s30, s15, $0xb8;
	[tilespmem:$0x19400] =	vst v63  }
0xd1: {  	_ =	swait.ge [sflag:s22], $0x4000  }
0xd2: {  	[sflag:s22] =	ssyncset.done $0x0  }
0xd3: {  	[sflag:s22] =	ssyncadd.s32 $0xFFFFC000  }
0xd4: {  	[spmem:s3] =	stream.indirect.scatter.add.f32 [tilespmem:s13], [sflag:$0x3], $0x80, s31, s15, $0xb8;
	[tilespmem:$0x19400] =	vst v63  }
0xd5: {  	_ =	swait.ge [sflag:s24], $0x4000  }
0xd6: {  	[sflag:s24] =	ssyncset.done $0x0  }
0xd7: {  	[sflag:s24] =	ssyncadd.s32 $0xFFFFC000  }
0xd8: {  	[spmem:s3] =	stream.indirect.scatter.add.f32 [tilespmem:s13], [sflag:$0x4], $0x80, s1, s15, $0xb8;
	[tilespmem:$0x19400] =	vst v63  }
0xd9: {  	_ =	swait.ge [sflag:s18], $0x4000  }
0xda: {  	[sflag:s18] =	ssyncset.done $0x0  }
0xdb: {  	[sflag:s18] =	ssyncadd.s32 $0xFFFFC000  }
0xdc: {  	[spmem:s3] =	stream.indirect.scatter.add.f32 [tilespmem:s13], [sflag:$0x1], $0x80, s2, s15, $0xb8;
	[tilespmem:$0x19400] =	vst v63  }
0xdd: {  	_ =	swait.ge [sflag:s20], $0x4000  }
0xde: {  	[sflag:s20] =	ssyncset.done $0x0  }
0xdf: {  	[sflag:s20] =	ssyncadd.s32 $0xFFFFC000  }
0xe0: {  	[spmem:s3] =	stream.indirect.scatter.add.f32 [tilespmem:s13], [sflag:$0x2], $0x80, s7, s15, $0xb8;
	[tilespmem:$0x19400] =	vst v63  }
0xe1: {  	_ =	swait.ge [sflag:s22], $0x4000  }
0xe2: {  	[sflag:s22] =	ssyncset.done $0x0  }
0xe3: {  	[sflag:s22] =	ssyncadd.s32 $0xFFFFC000  }
0xe4: {  	[spmem:s3] =	stream.indirect.scatter.add.f32 [tilespmem:s13], [sflag:$0x3], $0x80, s8, s15, $0xb8;
	[tilespmem:$0x19400] =	vst v63  }
0xe5: {  	_ =	swait.ge [sflag:s24], $0x4000  }
0xe6: {  	[sflag:s24] =	ssyncset.done $0x0  }
0xe7: {  	[sflag:s24] =	ssyncadd.s32 $0xFFFFC000  }
0xe8: {  	[spmem:s3] =	stream.indirect.scatter.add.f32 [tilespmem:s13], [sflag:$0x4], $0x80, s9, s15, $0xb8;
	[tilespmem:$0x19400] =	vst v63  }
0xe9: {  	_ =	swait.ge [sflag:s18], $0x4000  }
0xea: {  	[sflag:s18] =	ssyncset.done $0x0  }
0xeb: {  	[sflag:s18] =	ssyncadd.s32 $0xFFFFC000  }
0xec: {  	_ =	swait.ge [sflag:s20], $0x4000  }
0xed: {  	[sflag:s20] =	ssyncset.done $0x0  }
0xee: {  	[sflag:s20] =	ssyncadd.s32 $0xFFFFC000  }
0xef: {  	p1 =	por p0, p0;
	_ =	swait.ge [sflag:s22], $0x4000  }
.Ltmp2:
0xf0: {  	[sflag:s22] =	ssyncset.done $0x0;
	(pc) =	sbr.rel @p1 .LBB2_6-.Ltmp2, $4  }
0xf1: {  	[sflag:s22] =	ssyncadd.s32 $0xFFFFC000  }
0xf2: {  	_ =	swait.ge [sflag:s24], $0x4000  }
0xf3: {  	[sflag:s24] =	ssyncset.done $0x0  }
0xf4: {  	p0 =	por $0x0, $0x0;
	s11 =	simm.s32 $0x28;
	[sflag:s24] =	ssyncadd.s32 $0xFFFFC000  }
0xf5: {  	s11 =	stileid.u32;
	[bflag:$0x0] =	sbarrier.arrive $0xFFFF  }
0xf6: {  	s11 =	sshll.u32 s11, $0x6;
	s12 =	rddreg [dreg:$0x4]  }
0xf7: {  	s5 =	rddreg [dreg:$0x5];
	s11 =	sor.u32 $0x1C05, s11;
	s12 =	sshrl.u32 s12, $0x3  }
0xf8: {  	[hbm:s5], [sflag:s11] =	dma.local [spmem:s12], $0x2800  }
0xf9: {  	_ =	swait.ge [sflag:s14], $0x2800  }
0xfa: {  	s0 =	rddreg [dreg:$0xb]  }
0xfb: {  	s12 =	rddreg [dreg:$0x6];
	s0 =	sadd.s32 $0x1, s0  }
0xfc: {  	p0 =	sne.s32 s0, s12  }
.Ltmp3:
0xfd: {  	_ = 	snop;
	(pc) =	sbr.rel @p0 .LBB2_1-.Ltmp3, $3  }
0xfe: {  	_ =	sdelay $0x1  }
0xff: {  	[sflag:s14] =	ssyncset.done $0x0  }
0x100: {  	[sflag:s14] =	ssyncadd.s32 $0xFFFFD800  }
0x101: {  	_ =	sfence.sel $0x180000  }
0x102: {  	[bflag:$0x0] =	sbarrier.arrive $0xFFFF  }
0x103: {  	_ =	strace $0x90000047  }
0x104: {  	s0 =	stileid.u32;
	[bflag:$0x2] =	sbarrier.arrive $0xFFFF  }
0x105: {  	p0 =	sne.s32 s0, $0x0;
	s0 =	rddreg [dreg:$0x3]  }
0x106: {  	s0 =	sadd.s32 @!p0 $0x100000, s0  }
0x107: {  	[sflag:s0] =	ssyncadd.tile.s32 @!p0 $0x1;
	_ =	shalt  }
.Lfunc_end2:
_tile_overlayer_lowered:
.L_overlay_start_2:
0x108: {  	(tag) =	ssettag $0x2  }
0x109: {  	s0 =	rddreg [dreg:$0x0];
	s2 =	stileid.u32  }
0x10a: {  	s1 =	rddreg [dreg:$0x1];
	p0 =	sne.s32 s2, $0x0  }
0x10b: {  	s3 =	rddreg [dreg:$0x2];
	[bflag:$0x3] =	sbarrier.arrive $0xFFFF;
	s2 =	simm.s32 @!p0 $0x1C05  }
0x10c: {  	[timem:s3], [sflag:s2] =	dma.local @!p0 [hbm:s0], s1  }
0x10d: {  	s0 =	simm.s32 @!p0 $0x5  }
0x10e: {  	_ =	swait.ge @!p0 [sflag:s0], s1  }
0x10f: {  	s1 =	ssub.s32 @!p0 $0x0, s1;
	[sflag:s0] =	ssyncset.done @!p0 $0x0  }
0x110: {  	[sflag:s0] =	ssyncadd.s32 @!p0 s1  }
0x111: {  	[bflag:$0x3] =	sbarrier.arrive $0xFFFF  }
0x112: {  	_ =	shalt  }

</sc_bundles>
